<compile_context>
chip_gen: v7x
topology: tpu7x:2x2x1
jax: 0.10.2.dev20260603
libtpu: 0.0.44.dev20260713+nightly
codegen_flags: <defaults>
</compile_context>

<pallas_src>
import functools

import jax
import jax.numpy as jnp
from jax import lax
from jax.experimental import pallas as pl
from jax.experimental.pallas import tpu as pltpu
from jax.experimental.pallas import tpu_sc as plsc

N = 10000
E = 320000
D = 128

NC = 2
NS = 16
NW = NC * NS

C = 80
EPW = E // NW
NCHUNK = EPW // C

NPAD = 10240
ZROWS = NPAD // NS


def _make_sc_agg(with_deg: bool):
    DEPTH = 3 if with_deg else 4

    out_types = [jax.ShapeDtypeStruct((NC, NPAD, D), jnp.float32)]
    if with_deg:
        out_types.append(jax.ShapeDtypeStruct((NW, NPAD), jnp.float32))

    IDEPTH = DEPTH + 1

    scratch = [
        pltpu.VMEM((IDEPTH, C), jnp.int32),
        pltpu.VMEM((IDEPTH, C), jnp.int32),
        pltpu.VMEM((DEPTH, C, D), jnp.float32),
    ] + ([pltpu.VMEM((NPAD,), jnp.float32)] if with_deg else []) + [
        pltpu.VMEM_SHARED((NPAD, D), jnp.float32),
    ] + [pltpu.SemaphoreType.DMA] * DEPTH + [
        pltpu.SemaphoreType.DMA,
        pltpu.SemaphoreType.DMA,
    ]

    mesh = plsc.VectorSubcoreMesh(
        core_axis_name="c", subcore_axis_name="s", num_cores=NC, num_subcores=NS
    )

    @functools.partial(
        pl.kernel,
        out_type=out_types,
        mesh=mesh,
        scratch_types=scratch,
        compiler_params=pltpu.CompilerParams(needs_layout_passes=False),
    )
    def sc_agg(*refs):
        feat, src, dst, zfeat, zdeg = refs[:5]
        pos = 5
        agg_out = refs[pos]; pos += 1
        deg_out = None
        if with_deg:
            deg_out = refs[pos]; pos += 1
        sidx = refs[pos]; didx = refs[pos + 1]; rows_v = refs[pos + 2]
        pos += 3
        deg_v = None
        if with_deg:
            deg_v = refs[pos]; pos += 1
        acc_sh = refs[pos]; pos += 1
        sem_g = refs[pos:pos + DEPTH]
        sem_i = refs[pos + DEPTH]
        sem_z = refs[pos + DEPTH + 1]

        c = lax.axis_index("c")
        s = lax.axis_index("s")
        wid = c * NS + s

        zdesc = pltpu.make_async_copy(
            zfeat, acc_sh.at[pl.ds(s * ZROWS, ZROWS)], sem_z)
        zdesc.start()
        if with_deg:
            ddesc = pltpu.make_async_copy(zdeg, deg_v, sem_z)
            ddesc.start()

        ones16 = jnp.ones((16,), jnp.float32)

        def count_deg(r):
            for j in range(C // 16):
                idx = didx[r, pl.ds(j * 16, 16)]
                plsc.addupdate_scatter(deg_v, [idx], ones16)

        for k in range(DEPTH - 1):
            pltpu.sync_copy(src.at[wid, k], sidx.at[k])
            pltpu.sync_copy(dst.at[wid, k], didx.at[k])
        pltpu.async_copy(src.at[wid, DEPTH - 1], sidx.at[DEPTH - 1], sem_i)
        pltpu.async_copy(dst.at[wid, DEPTH - 1], didx.at[DEPTH - 1], sem_i)
        for k in range(DEPTH - 1):
            pltpu.async_copy(feat.at[sidx.at[k]], rows_v.at[k], sem_g[k])

        zdesc.wait()
        if with_deg:
            ddesc.wait()
        plsc.subcore_barrier()

        def drain_scatter(k):
            pltpu.make_async_copy(
                rows_v.at[k], acc_sh.at[didx.at[0]], sem_g[k]).wait()

        def step(i, carry):
            r = lax.rem(i, DEPTH)
            rg = lax.rem(i + DEPTH - 1, DEPTH)
            ri = lax.rem(i, IDEPTH)
            rig = lax.rem(i + DEPTH - 1, IDEPTH)
            rin = lax.rem(i + DEPTH, IDEPTH)

            for k in range(DEPTH):
                @pl.when(r == k)
                def _(k=k):
                    pltpu.make_async_copy(
                        feat.at[sidx.at[k]], rows_v.at[k], sem_g[k]).wait()
                    pltpu.make_async_copy(
                        rows_v.at[k], acc_sh.at[didx.at[ri]],
                        sem_g[k]).start(add=True)
            if with_deg:
                count_deg(ri)

            @pl.when(i + DEPTH - 1 < NCHUNK)
            def _():
                pltpu.make_async_copy(
                    src.at[wid, i + DEPTH - 1], sidx.at[rig], sem_i).wait()
                pltpu.make_async_copy(
                    dst.at[wid, i + DEPTH - 1], didx.at[rig], sem_i).wait()
                for k in range(DEPTH):
                    @pl.when(rg == k)
                    def _(k=k):
                        @pl.when(i > 0)
                        def _():
                            drain_scatter(k)
                        pltpu.async_copy(
                            feat.at[sidx.at[rig]], rows_v.at[k], sem_g[k])

            @pl.when(i + DEPTH < NCHUNK)
            def _():
                pltpu.async_copy(src.at[wid, i + DEPTH], sidx.at[rin], sem_i)
                pltpu.async_copy(dst.at[wid, i + DEPTH], didx.at[rin], sem_i)

            return carry

        lax.fori_loop(0, NCHUNK, step, 0)

        for k in range(DEPTH):
            drain_scatter(k)

        if with_deg:
            pltpu.sync_copy(deg_v, deg_out.at[wid])

        plsc.subcore_barrier()

        pltpu.sync_copy(
            acc_sh.at[pl.ds(s * ZROWS, ZROWS)],
            agg_out.at[c, pl.ds(s * ZROWS, ZROWS)],
        )

    return sc_agg


_make_sc_agg = functools.lru_cache(maxsize=None)(_make_sc_agg)

BR = 2048


def _tc_layer_body(x_ref, a_ref, d_ref, wl_ref, wr_ref, b_ref, o_ref, *, act):
    agg = a_ref[0] + a_ref[1]
    deg = jnp.sum(d_ref[...], axis=0)[:, None]
    mean = agg / jnp.maximum(deg, 1.0)
    dn = (((1,), (1,)), ((), ()))
    z = (
        lax.dot_general(mean, wl_ref[...], dn, preferred_element_type=jnp.float32)
        + lax.dot_general(x_ref[...], wr_ref[...], dn, preferred_element_type=jnp.float32)
        + b_ref[...]
    )
    if act == "relu":
        o_ref[...] = jnp.maximum(z, 0.0)
    else:
        m = jnp.max(z, axis=-1, keepdims=True)
        e = jnp.exp(z - m)
        o_ref[...] = e / jnp.sum(e, axis=-1, keepdims=True)


def _tc_layer(x, aggp, degp, Wl, Wr, b, act):
    body = functools.partial(_tc_layer_body, act=act)
    return pl.pallas_call(
        body,
        grid=(pl.cdiv(N, BR),),
        in_specs=[
            pl.BlockSpec((BR, D), lambda i: (i, 0)),
            pl.BlockSpec((NC, BR, D), lambda i: (0, i, 0)),
            pl.BlockSpec((NW, BR), lambda i: (0, i)),
            pl.BlockSpec((D, D), lambda i: (0, 0)),
            pl.BlockSpec((D, D), lambda i: (0, 0)),
            pl.BlockSpec((1, D), lambda i: (0, 0)),
        ],
        out_specs=pl.BlockSpec((BR, D), lambda i: (i, 0)),
        out_shape=jax.ShapeDtypeStruct((N, D), jnp.float32),
    )(x, aggp, degp, Wl, Wr, b)


def kernel(x, edge_index, W1l, b1l, W1r, W2l, b2l, W2r):
    src = edge_index[0].reshape(NW, NCHUNK, C)
    dst = edge_index[1].reshape(NW, NCHUNK, C)
    zfeat = jnp.zeros((ZROWS, D), jnp.float32)
    zdeg = jnp.zeros((NPAD,), jnp.float32)

    aggp1, degp = _make_sc_agg(True)(x, src, dst, zfeat, zdeg)
    h = _tc_layer(x, aggp1, degp, W1l, W1r, b1l.reshape(1, D), "relu")
    (aggp2,) = _make_sc_agg(False)(h, src, dst, zfeat, zdeg)
    out = _tc_layer(h, aggp2, degp, W2l, W2r, b2l.reshape(1, D), "softmax")
    return out

# --- scband reference (transcript-rebuilt; emitter-appended) ---
"""Pipeline reference for scband-sage-46531675685493 (READ-ONLY COPY).

The authoritative reference and input builder live on the scoring server;
editing this copy changes nothing except your own understanding.
"""

import jax, jax.numpy as jnp
import numpy as np

N = 10000
E = 320000
D_IN = 128
D_HID = 128
D_OUT = 128


def setup_inputs(seed: int = 0) -> dict:
    key = jax.random.key(seed)
    ks = jax.random.split(key, 9)
    x = jax.random.normal(ks[0], (N, D_IN), dtype=jnp.float32)
    edge_index = jax.random.randint(ks[1], (2, E), 0, N, dtype=jnp.int32)
    # SAGEConv 1: lin_l (applied to aggregated neighbors, with bias), lin_r (root, no bias)
    s1 = 1.0 / np.sqrt(D_IN)
    W1l = jax.random.normal(ks[2], (D_HID, D_IN), dtype=jnp.float32) * s1
    b1l = jnp.zeros((D_HID,), dtype=jnp.float32)
    W1r = jax.random.normal(ks[3], (D_HID, D_IN), dtype=jnp.float32) * s1
    # SAGEConv 2
    s2 = 1.0 / np.sqrt(D_HID)
    W2l = jax.random.normal(ks[4], (D_OUT, D_HID), dtype=jnp.float32) * s2
    b2l = jnp.zeros((D_OUT,), dtype=jnp.float32)
    W2r = jax.random.normal(ks[5], (D_OUT, D_HID), dtype=jnp.float32) * s2
    return {"x": x, "edge_index": edge_index, "W1l": W1l, "b1l": b1l, "W1r": W1r, "W2l": W2l, "b2l": b2l, "W2r": W2r}


def _sage_conv(x, edge_index, Wl, bl, Wr):
    # PyG SAGEConv with mean aggregation:
    # out = lin_l(mean_{j in N(i)} x_j) + lin_r(x_i)
    src = edge_index[0]
    dst = edge_index[1]
    msgs = jnp.take(x, src, axis=0)                      # gather source features
    agg_sum = jax.ops.segment_sum(msgs, dst, num_segments=N)  # scatter-add to dst
    deg = jax.ops.segment_sum(jnp.ones((edge_index.shape[1],), dtype=x.dtype), dst, num_segments=N)
    agg = agg_sum / jnp.clip(deg, 1.0)[:, None]
    return agg @ Wl.T + bl + x @ Wr.T


def reference(x, edge_index, W1l, b1l, W1r, W2l, b2l, W2r):
    h = _sage_conv(x, edge_index, W1l, b1l, W1r)
    h = jax.nn.relu(h)
    # F.dropout(p=0.5, training=self.training): identity in eval mode
    out = _sage_conv(h, edge_index, W2l, b2l, W2r)
    out = jax.nn.softmax(out, axis=-1)
    return out

if __name__ == "__main__":
    import jax
    _d = setup_inputs()
    print(jax.jit(kernel)(*tuple(_d.values())))

</pallas_src>

<mosaic_0001>
#map = affine_map<(d0, d1) -> (0, 0)>
#map1 = affine_map<(d0, d1) -> (0, 0, 0)>
#map2 = affine_map<(d0, d1) -> (0)>
module attributes {stable_mosaic.version = 14 : i64} {
  func.func @sc_agg(%arg0: i32, %arg1: i32, %arg2: memref<10000x128xf32, #tpu.memory_space<hbm>>, %arg3: memref<32x125x80xi32, #tpu.memory_space<hbm>>, %arg4: memref<32x125x80xi32, #tpu.memory_space<hbm>>, %arg5: memref<640x128xf32, #tpu.memory_space<hbm>>, %arg6: memref<10240xf32, #tpu.memory_space<hbm>>, %arg7: memref<2x10240x128xf32, #tpu.memory_space<hbm>>, %arg8: memref<32x10240xf32, #tpu.memory_space<hbm>>, %arg9: memref<4x80xi32, #tpu.memory_space<vmem>>, %arg10: memref<4x80xi32, #tpu.memory_space<vmem>>, %arg11: memref<3x80x128xf32, #tpu.memory_space<vmem>>, %arg12: memref<10240xf32, #tpu.memory_space<vmem>>, %arg13: memref<10240x128xf32, #tpu.memory_space<vmem_shared>>, %arg14: memref<!tpu.dma_semaphore, #tpu.memory_space<semaphore_mem>>, %arg15: memref<!tpu.dma_semaphore, #tpu.memory_space<semaphore_mem>>, %arg16: memref<!tpu.dma_semaphore, #tpu.memory_space<semaphore_mem>>, %arg17: memref<!tpu.dma_semaphore, #tpu.memory_space<semaphore_mem>>, %arg18: memref<!tpu.dma_semaphore, #tpu.memory_space<semaphore_mem>>) attributes {dimension_semantics = [#tpu.dimension_semantics<core_parallel>, #tpu.dimension_semantics<subcore_parallel>], iteration_bounds = array<i64: 2, 16>, scalar_prefetch = 0 : i64, scratch_operands = 10 : i64, tpu.core_type = #tpu.core_type<sc_vector_subcore>, window_params = [{transform_indices = #map}, {transform_indices = #map1}, {transform_indices = #map1}, {transform_indices = #map}, {transform_indices = #map2}, {transform_indices = #map1}, {transform_indices = #map}]} {
    %mul3A = arith.constant 16 : i32
    %mul3A_0 = arith.muli %arg0, %mul3A : i32
    %add3A = arith.addi %mul3A_0, %arg1 : i32
    %mul3A_1 = arith.constant 640 : i32
    %mul3A_2 = arith.muli %arg1, %mul3A_1 : i32
    %dma_start3A = arith.constant 0 : i32
    %dma_start3A_3 = tpu.memref_slice %arg13[%mul3A_2, %dma_start3A] : memref<10240x128xf32, #tpu.memory_space<vmem_shared>> -> memref<640x128xf32, #tpu.memory_space<vmem_shared>>
    tpu.enqueue_dma source(%arg5 : memref<640x128xf32, #tpu.memory_space<hbm>>) target(%dma_start3A_3 : memref<640x128xf32, #tpu.memory_space<vmem_shared>>) target_semaphore(%arg18 : memref<!tpu.dma_semaphore, #tpu.memory_space<semaphore_mem>>)
    tpu.enqueue_dma source(%arg6 : memref<10240xf32, #tpu.memory_space<hbm>>) target(%arg12 : memref<10240xf32, #tpu.memory_space<vmem>>) target_semaphore(%arg18 : memref<!tpu.dma_semaphore, #tpu.memory_space<semaphore_mem>>)
    %broadcast_in_dim3A = arith.constant 1.000000e+00 : f32
    %broadcast_in_dim3A_4 = vector.broadcast %broadcast_in_dim3A : f32 to vector<16xf32>
    %run_scoped3A = arith.constant 0 : i32
    %run_scoped3A_5 = arith.constant 0 : i32
    "tpu.region"() ({
      %run_scoped3A_111 = tpu.sem_alloc : memref<!tpu.dma_semaphore, #tpu.memory_space<semaphore_mem>>
      %dma_start3A_112 = arith.constant 0 : i32
      %dma_start3A_113 = tpu.memref_slice %arg9[%run_scoped3A_5, %dma_start3A_112] : memref<4x80xi32, #tpu.memory_space<vmem>> -> memref<1x80xi32, #tpu.memory_space<vmem>>
      %dma_start3A_114 = tpu.memref_squeeze %dma_start3A_113 : memref<1x80xi32, #tpu.memory_space<vmem>> -> memref<80xi32, #tpu.memory_space<vmem>>
      %dma_start3A_115 = arith.constant 0 : i32
      %dma_start3A_116 = tpu.memref_slice %arg3[%add3A, %run_scoped3A, %dma_start3A_115] : memref<32x125x80xi32, #tpu.memory_space<hbm>> -> memref<1x1x80xi32, #tpu.memory_space<hbm>>
      %dma_start3A_117 = tpu.memref_squeeze %dma_start3A_116 : memref<1x1x80xi32, #tpu.memory_space<hbm>> -> memref<80xi32, #tpu.memory_space<hbm>>
      %dma_start3A_118 = arith.constant 0 : i32
      %dma_start3A_119 = tpu.memref_slice %arg9[%run_scoped3A_5, %dma_start3A_118] : memref<4x80xi32, #tpu.memory_space<vmem>> -> memref<1x80xi32, #tpu.memory_space<vmem>>
      %dma_start3A_120 = tpu.memref_squeeze %dma_start3A_119 : memref<1x80xi32, #tpu.memory_space<vmem>> -> memref<80xi32, #tpu.memory_space<vmem>>
      %dma_start3A_121 = arith.constant 0 : i32
      %dma_start3A_122 = tpu.memref_slice %arg3[%add3A, %run_scoped3A, %dma_start3A_121] : memref<32x125x80xi32, #tpu.memory_space<hbm>> -> memref<1x1x80xi32, #tpu.memory_space<hbm>>
      %dma_start3A_123 = tpu.memref_squeeze %dma_start3A_122 : memref<1x1x80xi32, #tpu.memory_space<hbm>> -> memref<80xi32, #tpu.memory_space<hbm>>
      tpu.enqueue_dma source(%dma_start3A_123 : memref<80xi32, #tpu.memory_space<hbm>>) target(%dma_start3A_120 : memref<80xi32, #tpu.memory_space<vmem>>) target_semaphore(%run_scoped3A_111 : memref<!tpu.dma_semaphore, #tpu.memory_space<semaphore_mem>>)
      %dma_wait3A_124 = arith.constant 0 : i32
      %dma_wait3A_125 = tpu.memref_slice %arg9[%run_scoped3A_5, %dma_wait3A_124] : memref<4x80xi32, #tpu.memory_space<vmem>> -> memref<1x80xi32, #tpu.memory_space<vmem>>
      %dma_wait3A_126 = tpu.memref_squeeze %dma_wait3A_125 : memref<1x80xi32, #tpu.memory_space<vmem>> -> memref<80xi32, #tpu.memory_space<vmem>>
      %dma_wait3A_127 = arith.constant 0 : i32
      %dma_wait3A_128 = tpu.memref_slice %arg3[%add3A, %run_scoped3A, %dma_wait3A_127] : memref<32x125x80xi32, #tpu.memory_space<hbm>> -> memref<1x1x80xi32, #tpu.memory_space<hbm>>
      %dma_wait3A_129 = tpu.memref_squeeze %dma_wait3A_128 : memref<1x1x80xi32, #tpu.memory_space<hbm>> -> memref<80xi32, #tpu.memory_space<hbm>>
      %dma_wait3A_130 = arith.constant 0 : i32
      %dma_wait3A_131 = tpu.memref_slice %arg9[%run_scoped3A_5, %dma_wait3A_130] : memref<4x80xi32, #tpu.memory_space<vmem>> -> memref<1x80xi32, #tpu.memory_space<vmem>>
      %dma_wait3A_132 = tpu.memref_squeeze %dma_wait3A_131 : memref<1x80xi32, #tpu.memory_space<vmem>> -> memref<80xi32, #tpu.memory_space<vmem>>
      %dma_wait3A_133 = arith.constant 0 : i32
      %dma_wait3A_134 = tpu.memref_slice %arg3[%add3A, %run_scoped3A, %dma_wait3A_133] : memref<32x125x80xi32, #tpu.memory_space<hbm>> -> memref<1x1x80xi32, #tpu.memory_space<hbm>>
      %dma_wait3A_135 = tpu.memref_squeeze %dma_wait3A_134 : memref<1x1x80xi32, #tpu.memory_space<hbm>> -> memref<80xi32, #tpu.memory_space<hbm>>
      tpu.wait_dma2 semaphore(%run_scoped3A_111 : memref<!tpu.dma_semaphore, #tpu.memory_space<semaphore_mem>>) src(%dma_wait3A_135 : memref<80xi32, #tpu.memory_space<hbm>>) dst(%dma_wait3A_132 : memref<80xi32, #tpu.memory_space<vmem>>)
      tpu.yield
    }) : () -> ()
    %run_scoped3A_6 = arith.constant 0 : i32
    %run_scoped3A_7 = arith.constant 0 : i32
    "tpu.region"() ({
      %run_scoped3A_111 = tpu.sem_alloc : memref<!tpu.dma_semaphore, #tpu.memory_space<semaphore_mem>>
      %dma_start3A_112 = arith.constant 0 : i32
      %dma_start3A_113 = tpu.memref_slice %arg10[%run_scoped3A_7, %dma_start3A_112] : memref<4x80xi32, #tpu.memory_space<vmem>> -> memref<1x80xi32, #tpu.memory_space<vmem>>
      %dma_start3A_114 = tpu.memref_squeeze %dma_start3A_113 : memref<1x80xi32, #tpu.memory_space<vmem>> -> memref<80xi32, #tpu.memory_space<vmem>>
      %dma_start3A_115 = arith.constant 0 : i32
      %dma_start3A_116 = tpu.memref_slice %arg4[%add3A, %run_scoped3A_6, %dma_start3A_115] : memref<32x125x80xi32, #tpu.memory_space<hbm>> -> memref<1x1x80xi32, #tpu.memory_space<hbm>>
      %dma_start3A_117 = tpu.memref_squeeze %dma_start3A_116 : memref<1x1x80xi32, #tpu.memory_space<hbm>> -> memref<80xi32, #tpu.memory_space<hbm>>
      %dma_start3A_118 = arith.constant 0 : i32
      %dma_start3A_119 = tpu.memref_slice %arg10[%run_scoped3A_7, %dma_start3A_118] : memref<4x80xi32, #tpu.memory_space<vmem>> -> memref<1x80xi32, #tpu.memory_space<vmem>>
      %dma_start3A_120 = tpu.memref_squeeze %dma_start3A_119 : memref<1x80xi32, #tpu.memory_space<vmem>> -> memref<80xi32, #tpu.memory_space<vmem>>
      %dma_start3A_121 = arith.constant 0 : i32
      %dma_start3A_122 = tpu.memref_slice %arg4[%add3A, %run_scoped3A_6, %dma_start3A_121] : memref<32x125x80xi32, #tpu.memory_space<hbm>> -> memref<1x1x80xi32, #tpu.memory_space<hbm>>
      %dma_start3A_123 = tpu.memref_squeeze %dma_start3A_122 : memref<1x1x80xi32, #tpu.memory_space<hbm>> -> memref<80xi32, #tpu.memory_space<hbm>>
      tpu.enqueue_dma source(%dma_start3A_123 : memref<80xi32, #tpu.memory_space<hbm>>) target(%dma_start3A_120 : memref<80xi32, #tpu.memory_space<vmem>>) target_semaphore(%run_scoped3A_111 : memref<!tpu.dma_semaphore, #tpu.memory_space<semaphore_mem>>)
      %dma_wait3A_124 = arith.constant 0 : i32
      %dma_wait3A_125 = tpu.memref_slice %arg10[%run_scoped3A_7, %dma_wait3A_124] : memref<4x80xi32, #tpu.memory_space<vmem>> -> memref<1x80xi32, #tpu.memory_space<vmem>>
      %dma_wait3A_126 = tpu.memref_squeeze %dma_wait3A_125 : memref<1x80xi32, #tpu.memory_space<vmem>> -> memref<80xi32, #tpu.memory_space<vmem>>
      %dma_wait3A_127 = arith.constant 0 : i32
      %dma_wait3A_128 = tpu.memref_slice %arg4[%add3A, %run_scoped3A_6, %dma_wait3A_127] : memref<32x125x80xi32, #tpu.memory_space<hbm>> -> memref<1x1x80xi32, #tpu.memory_space<hbm>>
      %dma_wait3A_129 = tpu.memref_squeeze %dma_wait3A_128 : memref<1x1x80xi32, #tpu.memory_space<hbm>> -> memref<80xi32, #tpu.memory_space<hbm>>
      %dma_wait3A_130 = arith.constant 0 : i32
      %dma_wait3A_131 = tpu.memref_slice %arg10[%run_scoped3A_7, %dma_wait3A_130] : memref<4x80xi32, #tpu.memory_space<vmem>> -> memref<1x80xi32, #tpu.memory_space<vmem>>
      %dma_wait3A_132 = tpu.memref_squeeze %dma_wait3A_131 : memref<1x80xi32, #tpu.memory_space<vmem>> -> memref<80xi32, #tpu.memory_space<vmem>>
      %dma_wait3A_133 = arith.constant 0 : i32
      %dma_wait3A_134 = tpu.memref_slice %arg4[%add3A, %run_scoped3A_6, %dma_wait3A_133] : memref<32x125x80xi32, #tpu.memory_space<hbm>> -> memref<1x1x80xi32, #tpu.memory_space<hbm>>
      %dma_wait3A_135 = tpu.memref_squeeze %dma_wait3A_134 : memref<1x1x80xi32, #tpu.memory_space<hbm>> -> memref<80xi32, #tpu.memory_space<hbm>>
      tpu.wait_dma2 semaphore(%run_scoped3A_111 : memref<!tpu.dma_semaphore, #tpu.memory_space<semaphore_mem>>) src(%dma_wait3A_135 : memref<80xi32, #tpu.memory_space<hbm>>) dst(%dma_wait3A_132 : memref<80xi32, #tpu.memory_space<vmem>>)
      tpu.yield
    }) : () -> ()
    %run_scoped3A_8 = arith.constant 1 : i32
    %run_scoped3A_9 = arith.constant 1 : i32
    "tpu.region"() ({
      %run_scoped3A_111 = tpu.sem_alloc : memref<!tpu.dma_semaphore, #tpu.memory_space<semaphore_mem>>
      %dma_start3A_112 = arith.constant 0 : i32
      %dma_start3A_113 = tpu.memref_slice %arg9[%run_scoped3A_9, %dma_start3A_112] : memref<4x80xi32, #tpu.memory_space<vmem>> -> memref<1x80xi32, #tpu.memory_space<vmem>>
      %dma_start3A_114 = tpu.memref_squeeze %dma_start3A_113 : memref<1x80xi32, #tpu.memory_space<vmem>> -> memref<80xi32, #tpu.memory_space<vmem>>
      %dma_start3A_115 = arith.constant 0 : i32
      %dma_start3A_116 = tpu.memref_slice %arg3[%add3A, %run_scoped3A_8, %dma_start3A_115] : memref<32x125x80xi32, #tpu.memory_space<hbm>> -> memref<1x1x80xi32, #tpu.memory_space<hbm>>
      %dma_start3A_117 = tpu.memref_squeeze %dma_start3A_116 : memref<1x1x80xi32, #tpu.memory_space<hbm>> -> memref<80xi32, #tpu.memory_space<hbm>>
      %dma_start3A_118 = arith.constant 0 : i32
      %dma_start3A_119 = tpu.memref_slice %arg9[%run_scoped3A_9, %dma_start3A_118] : memref<4x80xi32, #tpu.memory_space<vmem>> -> memref<1x80xi32, #tpu.memory_space<vmem>>
      %dma_start3A_120 = tpu.memref_squeeze %dma_start3A_119 : memref<1x80xi32, #tpu.memory_space<vmem>> -> memref<80xi32, #tpu.memory_space<vmem>>
      %dma_start3A_121 = arith.constant 0 : i32
      %dma_start3A_122 = tpu.memref_slice %arg3[%add3A, %run_scoped3A_8, %dma_start3A_121] : memref<32x125x80xi32, #tpu.memory_space<hbm>> -> memref<1x1x80xi32, #tpu.memory_space<hbm>>
      %dma_start3A_123 = tpu.memref_squeeze %dma_start3A_122 : memref<1x1x80xi32, #tpu.memory_space<hbm>> -> memref<80xi32, #tpu.memory_space<hbm>>
      tpu.enqueue_dma source(%dma_start3A_123 : memref<80xi32, #tpu.memory_space<hbm>>) target(%dma_start3A_120 : memref<80xi32, #tpu.memory_space<vmem>>) target_semaphore(%run_scoped3A_111 : memref<!tpu.dma_semaphore, #tpu.memory_space<semaphore_mem>>)
      %dma_wait3A_124 = arith.constant 0 : i32
      %dma_wait3A_125 = tpu.memref_slice %arg9[%run_scoped3A_9, %dma_wait3A_124] : memref<4x80xi32, #tpu.memory_space<vmem>> -> memref<1x80xi32, #tpu.memory_space<vmem>>
      %dma_wait3A_126 = tpu.memref_squeeze %dma_wait3A_125 : memref<1x80xi32, #tpu.memory_space<vmem>> -> memref<80xi32, #tpu.memory_space<vmem>>
      %dma_wait3A_127 = arith.constant 0 : i32
      %dma_wait3A_128 = tpu.memref_slice %arg3[%add3A, %run_scoped3A_8, %dma_wait3A_127] : memref<32x125x80xi32, #tpu.memory_space<hbm>> -> memref<1x1x80xi32, #tpu.memory_space<hbm>>
      %dma_wait3A_129 = tpu.memref_squeeze %dma_wait3A_128 : memref<1x1x80xi32, #tpu.memory_space<hbm>> -> memref<80xi32, #tpu.memory_space<hbm>>
      %dma_wait3A_130 = arith.constant 0 : i32
      %dma_wait3A_131 = tpu.memref_slice %arg9[%run_scoped3A_9, %dma_wait3A_130] : memref<4x80xi32, #tpu.memory_space<vmem>> -> memref<1x80xi32, #tpu.memory_space<vmem>>
      %dma_wait3A_132 = tpu.memref_squeeze %dma_wait3A_131 : memref<1x80xi32, #tpu.memory_space<vmem>> -> memref<80xi32, #tpu.memory_space<vmem>>
      %dma_wait3A_133 = arith.constant 0 : i32
      %dma_wait3A_134 = tpu.memref_slice %arg3[%add3A, %run_scoped3A_8, %dma_wait3A_133] : memref<32x125x80xi32, #tpu.memory_space<hbm>> -> memref<1x1x80xi32, #tpu.memory_space<hbm>>
      %dma_wait3A_135 = tpu.memref_squeeze %dma_wait3A_134 : memref<1x1x80xi32, #tpu.memory_space<hbm>> -> memref<80xi32, #tpu.memory_space<hbm>>
      tpu.wait_dma2 semaphore(%run_scoped3A_111 : memref<!tpu.dma_semaphore, #tpu.memory_space<semaphore_mem>>) src(%dma_wait3A_135 : memref<80xi32, #tpu.memory_space<hbm>>) dst(%dma_wait3A_132 : memref<80xi32, #tpu.memory_space<vmem>>)
      tpu.yield
    }) : () -> ()
    %run_scoped3A_10 = arith.constant 1 : i32
    %run_scoped3A_11 = arith.constant 1 : i32
    "tpu.region"() ({
      %run_scoped3A_111 = tpu.sem_alloc : memref<!tpu.dma_semaphore, #tpu.memory_space<semaphore_mem>>
      %dma_start3A_112 = arith.constant 0 : i32
      %dma_start3A_113 = tpu.memref_slice %arg10[%run_scoped3A_11, %dma_start3A_112] : memref<4x80xi32, #tpu.memory_space<vmem>> -> memref<1x80xi32, #tpu.memory_space<vmem>>
      %dma_start3A_114 = tpu.memref_squeeze %dma_start3A_113 : memref<1x80xi32, #tpu.memory_space<vmem>> -> memref<80xi32, #tpu.memory_space<vmem>>
      %dma_start3A_115 = arith.constant 0 : i32
      %dma_start3A_116 = tpu.memref_slice %arg4[%add3A, %run_scoped3A_10, %dma_start3A_115] : memref<32x125x80xi32, #tpu.memory_space<hbm>> -> memref<1x1x80xi32, #tpu.memory_space<hbm>>
      %dma_start3A_117 = tpu.memref_squeeze %dma_start3A_116 : memref<1x1x80xi32, #tpu.memory_space<hbm>> -> memref<80xi32, #tpu.memory_space<hbm>>
      %dma_start3A_118 = arith.constant 0 : i32
      %dma_start3A_119 = tpu.memref_slice %arg10[%run_scoped3A_11, %dma_start3A_118] : memref<4x80xi32, #tpu.memory_space<vmem>> -> memref<1x80xi32, #tpu.memory_space<vmem>>
      %dma_start3A_120 = tpu.memref_squeeze %dma_start3A_119 : memref<1x80xi32, #tpu.memory_space<vmem>> -> memref<80xi32, #tpu.memory_space<vmem>>
      %dma_start3A_121 = arith.constant 0 : i32
      %dma_start3A_122 = tpu.memref_slice %arg4[%add3A, %run_scoped3A_10, %dma_start3A_121] : memref<32x125x80xi32, #tpu.memory_space<hbm>> -> memref<1x1x80xi32, #tpu.memory_space<hbm>>
      %dma_start3A_123 = tpu.memref_squeeze %dma_start3A_122 : memref<1x1x80xi32, #tpu.memory_space<hbm>> -> memref<80xi32, #tpu.memory_space<hbm>>
      tpu.enqueue_dma source(%dma_start3A_123 : memref<80xi32, #tpu.memory_space<hbm>>) target(%dma_start3A_120 : memref<80xi32, #tpu.memory_space<vmem>>) target_semaphore(%run_scoped3A_111 : memref<!tpu.dma_semaphore, #tpu.memory_space<semaphore_mem>>)
      %dma_wait3A_124 = arith.constant 0 : i32
      %dma_wait3A_125 = tpu.memref_slice %arg10[%run_scoped3A_11, %dma_wait3A_124] : memref<4x80xi32, #tpu.memory_space<vmem>> -> memref<1x80xi32, #tpu.memory_space<vmem>>
      %dma_wait3A_126 = tpu.memref_squeeze %dma_wait3A_125 : memref<1x80xi32, #tpu.memory_space<vmem>> -> memref<80xi32, #tpu.memory_space<vmem>>
      %dma_wait3A_127 = arith.constant 0 : i32
      %dma_wait3A_128 = tpu.memref_slice %arg4[%add3A, %run_scoped3A_10, %dma_wait3A_127] : memref<32x125x80xi32, #tpu.memory_space<hbm>> -> memref<1x1x80xi32, #tpu.memory_space<hbm>>
      %dma_wait3A_129 = tpu.memref_squeeze %dma_wait3A_128 : memref<1x1x80xi32, #tpu.memory_space<hbm>> -> memref<80xi32, #tpu.memory_space<hbm>>
      %dma_wait3A_130 = arith.constant 0 : i32
      %dma_wait3A_131 = tpu.memref_slice %arg10[%run_scoped3A_11, %dma_wait3A_130] : memref<4x80xi32, #tpu.memory_space<vmem>> -> memref<1x80xi32, #tpu.memory_space<vmem>>
      %dma_wait3A_132 = tpu.memref_squeeze %dma_wait3A_131 : memref<1x80xi32, #tpu.memory_space<vmem>> -> memref<80xi32, #tpu.memory_space<vmem>>
      %dma_wait3A_133 = arith.constant 0 : i32
      %dma_wait3A_134 = tpu.memref_slice %arg4[%add3A, %run_scoped3A_10, %dma_wait3A_133] : memref<32x125x80xi32, #tpu.memory_space<hbm>> -> memref<1x1x80xi32, #tpu.memory_space<hbm>>
      %dma_wait3A_135 = tpu.memref_squeeze %dma_wait3A_134 : memref<1x1x80xi32, #tpu.memory_space<hbm>> -> memref<80xi32, #tpu.memory_space<hbm>>
      tpu.wait_dma2 semaphore(%run_scoped3A_111 : memref<!tpu.dma_semaphore, #tpu.memory_space<semaphore_mem>>) src(%dma_wait3A_135 : memref<80xi32, #tpu.memory_space<hbm>>) dst(%dma_wait3A_132 : memref<80xi32, #tpu.memory_space<vmem>>)
      tpu.yield
    }) : () -> ()
    %dma_start3A_12 = arith.constant 2 : i32
    %dma_start3A_13 = arith.constant 2 : i32
    %dma_start3A_14 = arith.constant 0 : i32
    %dma_start3A_15 = tpu.memref_slice %arg9[%dma_start3A_13, %dma_start3A_14] : memref<4x80xi32, #tpu.memory_space<vmem>> -> memref<1x80xi32, #tpu.memory_space<vmem>>
    %dma_start3A_16 = tpu.memref_squeeze %dma_start3A_15 : memref<1x80xi32, #tpu.memory_space<vmem>> -> memref<80xi32, #tpu.memory_space<vmem>>
    %dma_start3A_17 = arith.constant 0 : i32
    %dma_start3A_18 = tpu.memref_slice %arg3[%add3A, %dma_start3A_12, %dma_start3A_17] : memref<32x125x80xi32, #tpu.memory_space<hbm>> -> memref<1x1x80xi32, #tpu.memory_space<hbm>>
    %dma_start3A_19 = tpu.memref_squeeze %dma_start3A_18 : memref<1x1x80xi32, #tpu.memory_space<hbm>> -> memref<80xi32, #tpu.memory_space<hbm>>
    %dma_start3A_20 = arith.constant 0 : i32
    %dma_start3A_21 = tpu.memref_slice %arg9[%dma_start3A_13, %dma_start3A_20] : memref<4x80xi32, #tpu.memory_space<vmem>> -> memref<1x80xi32, #tpu.memory_space<vmem>>
    %dma_start3A_22 = tpu.memref_squeeze %dma_start3A_21 : memref<1x80xi32, #tpu.memory_space<vmem>> -> memref<80xi32, #tpu.memory_space<vmem>>
    %dma_start3A_23 = arith.constant 0 : i32
    %dma_start3A_24 = tpu.memref_slice %arg3[%add3A, %dma_start3A_12, %dma_start3A_23] : memref<32x125x80xi32, #tpu.memory_space<hbm>> -> memref<1x1x80xi32, #tpu.memory_space<hbm>>
    %dma_start3A_25 = tpu.memref_squeeze %dma_start3A_24 : memref<1x1x80xi32, #tpu.memory_space<hbm>> -> memref<80xi32, #tpu.memory_space<hbm>>
    tpu.enqueue_dma source(%dma_start3A_25 : memref<80xi32, #tpu.memory_space<hbm>>) target(%dma_start3A_22 : memref<80xi32, #tpu.memory_space<vmem>>) target_semaphore(%arg17 : memref<!tpu.dma_semaphore, #tpu.memory_space<semaphore_mem>>)
    %dma_start3A_26 = arith.constant 2 : i32
    %dma_start3A_27 = arith.constant 2 : i32
    %dma_start3A_28 = arith.constant 0 : i32
    %dma_start3A_29 = tpu.memref_slice %arg10[%dma_start3A_27, %dma_start3A_28] : memref<4x80xi32, #tpu.memory_space<vmem>> -> memref<1x80xi32, #tpu.memory_space<vmem>>
    %dma_start3A_30 = tpu.memref_squeeze %dma_start3A_29 : memref<1x80xi32, #tpu.memory_space<vmem>> -> memref<80xi32, #tpu.memory_space<vmem>>
    %dma_start3A_31 = arith.constant 0 : i32
    %dma_start3A_32 = tpu.memref_slice %arg4[%add3A, %dma_start3A_26, %dma_start3A_31] : memref<32x125x80xi32, #tpu.memory_space<hbm>> -> memref<1x1x80xi32, #tpu.memory_space<hbm>>
    %dma_start3A_33 = tpu.memref_squeeze %dma_start3A_32 : memref<1x1x80xi32, #tpu.memory_space<hbm>> -> memref<80xi32, #tpu.memory_space<hbm>>
    %dma_start3A_34 = arith.constant 0 : i32
    %dma_start3A_35 = tpu.memref_slice %arg10[%dma_start3A_27, %dma_start3A_34] : memref<4x80xi32, #tpu.memory_space<vmem>> -> memref<1x80xi32, #tpu.memory_space<vmem>>
    %dma_start3A_36 = tpu.memref_squeeze %dma_start3A_35 : memref<1x80xi32, #tpu.memory_space<vmem>> -> memref<80xi32, #tpu.memory_space<vmem>>
    %dma_start3A_37 = arith.constant 0 : i32
    %dma_start3A_38 = tpu.memref_slice %arg4[%add3A, %dma_start3A_26, %dma_start3A_37] : memref<32x125x80xi32, #tpu.memory_space<hbm>> -> memref<1x1x80xi32, #tpu.memory_space<hbm>>
    %dma_start3A_39 = tpu.memref_squeeze %dma_start3A_38 : memref<1x1x80xi32, #tpu.memory_space<hbm>> -> memref<80xi32, #tpu.memory_space<hbm>>
    tpu.enqueue_dma source(%dma_start3A_39 : memref<80xi32, #tpu.memory_space<hbm>>) target(%dma_start3A_36 : memref<80xi32, #tpu.memory_space<vmem>>) target_semaphore(%arg17 : memref<!tpu.dma_semaphore, #tpu.memory_space<semaphore_mem>>)
    %dma_start3A_40 = arith.constant 0 : i32
    %dma_start3A_41 = arith.constant 0 : i32
    %dma_start3A_42 = arith.constant 0 : i32
    %dma_start3A_43 = arith.constant 0 : i32
    %dma_start3A_44 = tpu.memref_slice %arg11[%dma_start3A_41, %dma_start3A_42, %dma_start3A_43] : memref<3x80x128xf32, #tpu.memory_space<vmem>> -> memref<1x80x128xf32, #tpu.memory_space<vmem>>
    %dma_start3A_45 = tpu.memref_squeeze %dma_start3A_44 : memref<1x80x128xf32, #tpu.memory_space<vmem>> -> memref<80x128xf32, #tpu.memory_space<vmem>>
    %dma_start3A_46 = arith.constant 0 : i32
    %dma_start3A_47 = tpu.memref_slice %arg9[%dma_start3A_40, %dma_start3A_46] : memref<4x80xi32, #tpu.memory_space<vmem>> -> memref<1x80xi32, #tpu.memory_space<vmem>>
    %dma_start3A_48 = tpu.memref_squeeze %dma_start3A_47 : memref<1x80xi32, #tpu.memory_space<vmem>> -> memref<80xi32, #tpu.memory_space<vmem>>
    %dma_start3A_49 = arith.constant 0 : i32
    %dma_start3A_50 = arith.constant 0 : i32
    %dma_start3A_51 = tpu.memref_slice %arg2[%dma_start3A_49, %dma_start3A_50] : memref<10000x128xf32, #tpu.memory_space<hbm>> -> memref<10000x128xf32, #tpu.memory_space<hbm>>
    tpu.enqueue_indirect_dma source(%dma_start3A_51 : memref<10000x128xf32, #tpu.memory_space<hbm>>) target(%dma_start3A_45 : memref<80x128xf32, #tpu.memory_space<vmem>>) offsets(%dma_start3A_48 : memref<80xi32, #tpu.memory_space<vmem>>) semaphore(%arg14 : memref<!tpu.dma_semaphore, #tpu.memory_space<semaphore_mem>>)
    %dma_start3A_52 = arith.constant 1 : i32
    %dma_start3A_53 = arith.constant 1 : i32
    %dma_start3A_54 = arith.constant 0 : i32
    %dma_start3A_55 = arith.constant 0 : i32
    %dma_start3A_56 = tpu.memref_slice %arg11[%dma_start3A_53, %dma_start3A_54, %dma_start3A_55] : memref<3x80x128xf32, #tpu.memory_space<vmem>> -> memref<1x80x128xf32, #tpu.memory_space<vmem>>
    %dma_start3A_57 = tpu.memref_squeeze %dma_start3A_56 : memref<1x80x128xf32, #tpu.memory_space<vmem>> -> memref<80x128xf32, #tpu.memory_space<vmem>>
    %dma_start3A_58 = arith.constant 0 : i32
    %dma_start3A_59 = tpu.memref_slice %arg9[%dma_start3A_52, %dma_start3A_58] : memref<4x80xi32, #tpu.memory_space<vmem>> -> memref<1x80xi32, #tpu.memory_space<vmem>>
    %dma_start3A_60 = tpu.memref_squeeze %dma_start3A_59 : memref<1x80xi32, #tpu.memory_space<vmem>> -> memref<80xi32, #tpu.memory_space<vmem>>
    %dma_start3A_61 = arith.constant 0 : i32
    %dma_start3A_62 = arith.constant 0 : i32
    %dma_start3A_63 = tpu.memref_slice %arg2[%dma_start3A_61, %dma_start3A_62] : memref<10000x128xf32, #tpu.memory_space<hbm>> -> memref<10000x128xf32, #tpu.memory_space<hbm>>
    tpu.enqueue_indirect_dma source(%dma_start3A_63 : memref<10000x128xf32, #tpu.memory_space<hbm>>) target(%dma_start3A_57 : memref<80x128xf32, #tpu.memory_space<vmem>>) offsets(%dma_start3A_60 : memref<80xi32, #tpu.memory_space<vmem>>) semaphore(%arg15 : memref<!tpu.dma_semaphore, #tpu.memory_space<semaphore_mem>>)
    %dma_wait3A = arith.constant 0 : i32
    %dma_wait3A_64 = tpu.memref_slice %arg13[%mul3A_2, %dma_wait3A] : memref<10240x128xf32, #tpu.memory_space<vmem_shared>> -> memref<640x128xf32, #tpu.memory_space<vmem_shared>>
    tpu.wait_dma2 semaphore(%arg18 : memref<!tpu.dma_semaphore, #tpu.memory_space<semaphore_mem>>) src(%arg5 : memref<640x128xf32, #tpu.memory_space<hbm>>) dst(%dma_wait3A_64 : memref<640x128xf32, #tpu.memory_space<vmem_shared>>)
    tpu.wait_dma2 semaphore(%arg18 : memref<!tpu.dma_semaphore, #tpu.memory_space<semaphore_mem>>) src(%arg6 : memref<10240xf32, #tpu.memory_space<hbm>>) dst(%arg12 : memref<10240xf32, #tpu.memory_space<vmem>>)
    %barrier3A = arith.constant 0 : index
    tpu.barrier barrier_id(%barrier3A)
    %scan3A = arith.constant 0 : i32
    %scan3A_65 = arith.constant 0 : i32
    %scan3A_66 = arith.constant 125 : i32
    %scan3A_67 = arith.addi %scan3A_65, %scan3A_66 : i32
    %scan3A_68 = arith.constant 1 : i32
    scf.for %scan3A_111 = %scan3A_65 to %scan3A_67 step %scan3A_68  : i32 {
      %rem3A = arith.constant 3 : i32
      %rem3A_112 = arith.remsi %scan3A_111, %rem3A : i32
      %add3A_113 = arith.constant 3 : i32
      %add3A_114 = arith.addi %scan3A_111, %add3A_113 : i32
      %sub3A = arith.constant 1 : i32
      %sub3A_115 = arith.subi %add3A_114, %sub3A : i32
      %rem3A_116 = arith.constant 3 : i32
      %rem3A_117 = arith.remsi %sub3A_115, %rem3A_116 : i32
      %rem3A_118 = arith.constant 4 : i32
      %rem3A_119 = arith.remsi %scan3A_111, %rem3A_118 : i32
      %add3A_120 = arith.constant 3 : i32
      %add3A_121 = arith.addi %scan3A_111, %add3A_120 : i32
      %sub3A_122 = arith.constant 1 : i32
      %sub3A_123 = arith.subi %add3A_121, %sub3A_122 : i32
      %rem3A_124 = arith.constant 4 : i32
      %rem3A_125 = arith.remsi %sub3A_123, %rem3A_124 : i32
      %add3A_126 = arith.constant 3 : i32
      %add3A_127 = arith.addi %scan3A_111, %add3A_126 : i32
      %rem3A_128 = arith.constant 4 : i32
      %rem3A_129 = arith.remsi %add3A_127, %rem3A_128 : i32
      %eq3A = arith.constant 0 : i32
      %eq3A_130 = arith.cmpi eq, %rem3A_112, %eq3A : i32
      %convert_element_type3A = arith.extui %eq3A_130 : i1 to i32
      %cond3A = arith.constant 0 : i32
      %cond3A_131 = arith.cmpi ne, %convert_element_type3A, %cond3A : i32
      scf.if %cond3A_131 {
        %dma_wait3A_171 = arith.constant 0 : i32
        %dma_wait3A_172 = arith.constant 0 : i32
        %dma_wait3A_173 = arith.constant 0 : i32
        %dma_wait3A_174 = arith.constant 0 : i32
        %dma_wait3A_175 = tpu.memref_slice %arg11[%dma_wait3A_172, %dma_wait3A_173, %dma_wait3A_174] : memref<3x80x128xf32, #tpu.memory_space<vmem>> -> memref<1x80x128xf32, #tpu.memory_space<vmem>>
        %dma_wait3A_176 = tpu.memref_squeeze %dma_wait3A_175 : memref<1x80x128xf32, #tpu.memory_space<vmem>> -> memref<80x128xf32, #tpu.memory_space<vmem>>
        %dma_wait3A_177 = arith.constant 0 : i32
        %dma_wait3A_178 = tpu.memref_slice %arg9[%dma_wait3A_171, %dma_wait3A_177] : memref<4x80xi32, #tpu.memory_space<vmem>> -> memref<1x80xi32, #tpu.memory_space<vmem>>
        %dma_wait3A_179 = tpu.memref_squeeze %dma_wait3A_178 : memref<1x80xi32, #tpu.memory_space<vmem>> -> memref<80xi32, #tpu.memory_space<vmem>>
        %dma_wait3A_180 = arith.constant 0 : i32
        %dma_wait3A_181 = arith.constant 0 : i32
        %dma_wait3A_182 = tpu.memref_slice %arg2[%dma_wait3A_180, %dma_wait3A_181] : memref<10000x128xf32, #tpu.memory_space<hbm>> -> memref<10000x128xf32, #tpu.memory_space<hbm>>
        tpu.wait_indirect_dma semaphore(%arg14 : memref<!tpu.dma_semaphore, #tpu.memory_space<semaphore_mem>>) src(%dma_wait3A_182 : memref<10000x128xf32, #tpu.memory_space<hbm>>) dst(%dma_wait3A_176 : memref<80x128xf32, #tpu.memory_space<vmem>>)
        %dma_start3A_183 = arith.constant 0 : i32
        %dma_start3A_184 = arith.constant 0 : i32
        %dma_start3A_185 = arith.constant 0 : i32
        %dma_start3A_186 = tpu.memref_slice %arg11[%dma_start3A_183, %dma_start3A_184, %dma_start3A_185] : memref<3x80x128xf32, #tpu.memory_space<vmem>> -> memref<1x80x128xf32, #tpu.memory_space<vmem>>
        %dma_start3A_187 = tpu.memref_squeeze %dma_start3A_186 : memref<1x80x128xf32, #tpu.memory_space<vmem>> -> memref<80x128xf32, #tpu.memory_space<vmem>>
        %dma_start3A_188 = arith.constant 0 : i32
        %dma_start3A_189 = tpu.memref_slice %arg10[%rem3A_119, %dma_start3A_188] : memref<4x80xi32, #tpu.memory_space<vmem>> -> memref<1x80xi32, #tpu.memory_space<vmem>>
        %dma_start3A_190 = tpu.memref_squeeze %dma_start3A_189 : memref<1x80xi32, #tpu.memory_space<vmem>> -> memref<80xi32, #tpu.memory_space<vmem>>
        %dma_start3A_191 = arith.constant 0 : i32
        %dma_start3A_192 = arith.constant 0 : i32
        %dma_start3A_193 = tpu.memref_slice %arg13[%dma_start3A_191, %dma_start3A_192] : memref<10240x128xf32, #tpu.memory_space<vmem_shared>> -> memref<10240x128xf32, #tpu.memory_space<vmem_shared>>
        tpu.enqueue_indirect_dma source(%dma_start3A_187 : memref<80x128xf32, #tpu.memory_space<vmem>>) target(%dma_start3A_193 : memref<10240x128xf32, #tpu.memory_space<vmem_shared>>) offsets(%dma_start3A_190 : memref<80xi32, #tpu.memory_space<vmem>>) semaphore(%arg14 : memref<!tpu.dma_semaphore, #tpu.memory_space<semaphore_mem>>) {add = true}
      } else {
      }
      %eq3A_132 = arith.constant 1 : i32
      %eq3A_133 = arith.cmpi eq, %rem3A_112, %eq3A_132 : i32
      %convert_element_type3A_134 = arith.extui %eq3A_133 : i1 to i32
      %cond3A_135 = arith.constant 0 : i32
      %cond3A_136 = arith.cmpi ne, %convert_element_type3A_134, %cond3A_135 : i32
      scf.if %cond3A_136 {
        %dma_wait3A_171 = arith.constant 1 : i32
        %dma_wait3A_172 = arith.constant 1 : i32
        %dma_wait3A_173 = arith.constant 0 : i32
        %dma_wait3A_174 = arith.constant 0 : i32
        %dma_wait3A_175 = tpu.memref_slice %arg11[%dma_wait3A_172, %dma_wait3A_173, %dma_wait3A_174] : memref<3x80x128xf32, #tpu.memory_space<vmem>> -> memref<1x80x128xf32, #tpu.memory_space<vmem>>
        %dma_wait3A_176 = tpu.memref_squeeze %dma_wait3A_175 : memref<1x80x128xf32, #tpu.memory_space<vmem>> -> memref<80x128xf32, #tpu.memory_space<vmem>>
        %dma_wait3A_177 = arith.constant 0 : i32
        %dma_wait3A_178 = tpu.memref_slice %arg9[%dma_wait3A_171, %dma_wait3A_177] : memref<4x80xi32, #tpu.memory_space<vmem>> -> memref<1x80xi32, #tpu.memory_space<vmem>>
        %dma_wait3A_179 = tpu.memref_squeeze %dma_wait3A_178 : memref<1x80xi32, #tpu.memory_space<vmem>> -> memref<80xi32, #tpu.memory_space<vmem>>
        %dma_wait3A_180 = arith.constant 0 : i32
        %dma_wait3A_181 = arith.constant 0 : i32
        %dma_wait3A_182 = tpu.memref_slice %arg2[%dma_wait3A_180, %dma_wait3A_181] : memref<10000x128xf32, #tpu.memory_space<hbm>> -> memref<10000x128xf32, #tpu.memory_space<hbm>>
        tpu.wait_indirect_dma semaphore(%arg15 : memref<!tpu.dma_semaphore, #tpu.memory_space<semaphore_mem>>) src(%dma_wait3A_182 : memref<10000x128xf32, #tpu.memory_space<hbm>>) dst(%dma_wait3A_176 : memref<80x128xf32, #tpu.memory_space<vmem>>)
        %dma_start3A_183 = arith.constant 1 : i32
        %dma_start3A_184 = arith.constant 0 : i32
        %dma_start3A_185 = arith.constant 0 : i32
        %dma_start3A_186 = tpu.memref_slice %arg11[%dma_start3A_183, %dma_start3A_184, %dma_start3A_185] : memref<3x80x128xf32, #tpu.memory_space<vmem>> -> memref<1x80x128xf32, #tpu.memory_space<vmem>>
        %dma_start3A_187 = tpu.memref_squeeze %dma_start3A_186 : memref<1x80x128xf32, #tpu.memory_space<vmem>> -> memref<80x128xf32, #tpu.memory_space<vmem>>
        %dma_start3A_188 = arith.constant 0 : i32
        %dma_start3A_189 = tpu.memref_slice %arg10[%rem3A_119, %dma_start3A_188] : memref<4x80xi32, #tpu.memory_space<vmem>> -> memref<1x80xi32, #tpu.memory_space<vmem>>
        %dma_start3A_190 = tpu.memref_squeeze %dma_start3A_189 : memref<1x80xi32, #tpu.memory_space<vmem>> -> memref<80xi32, #tpu.memory_space<vmem>>
        %dma_start3A_191 = arith.constant 0 : i32
        %dma_start3A_192 = arith.constant 0 : i32
        %dma_start3A_193 = tpu.memref_slice %arg13[%dma_start3A_191, %dma_start3A_192] : memref<10240x128xf32, #tpu.memory_space<vmem_shared>> -> memref<10240x128xf32, #tpu.memory_space<vmem_shared>>
        tpu.enqueue_indirect_dma source(%dma_start3A_187 : memref<80x128xf32, #tpu.memory_space<vmem>>) target(%dma_start3A_193 : memref<10240x128xf32, #tpu.memory_space<vmem_shared>>) offsets(%dma_start3A_190 : memref<80xi32, #tpu.memory_space<vmem>>) semaphore(%arg15 : memref<!tpu.dma_semaphore, #tpu.memory_space<semaphore_mem>>) {add = true}
      } else {
      }
      %eq3A_137 = arith.constant 2 : i32
      %eq3A_138 = arith.cmpi eq, %rem3A_112, %eq3A_137 : i32
      %convert_element_type3A_139 = arith.extui %eq3A_138 : i1 to i32
      %cond3A_140 = arith.constant 0 : i32
      %cond3A_141 = arith.cmpi ne, %convert_element_type3A_139, %cond3A_140 : i32
      scf.if %cond3A_141 {
        %dma_wait3A_171 = arith.constant 2 : i32
        %dma_wait3A_172 = arith.constant 2 : i32
        %dma_wait3A_173 = arith.constant 0 : i32
        %dma_wait3A_174 = arith.constant 0 : i32
        %dma_wait3A_175 = tpu.memref_slice %arg11[%dma_wait3A_172, %dma_wait3A_173, %dma_wait3A_174] : memref<3x80x128xf32, #tpu.memory_space<vmem>> -> memref<1x80x128xf32, #tpu.memory_space<vmem>>
        %dma_wait3A_176 = tpu.memref_squeeze %dma_wait3A_175 : memref<1x80x128xf32, #tpu.memory_space<vmem>> -> memref<80x128xf32, #tpu.memory_space<vmem>>
        %dma_wait3A_177 = arith.constant 0 : i32
        %dma_wait3A_178 = tpu.memref_slice %arg9[%dma_wait3A_171, %dma_wait3A_177] : memref<4x80xi32, #tpu.memory_space<vmem>> -> memref<1x80xi32, #tpu.memory_space<vmem>>
        %dma_wait3A_179 = tpu.memref_squeeze %dma_wait3A_178 : memref<1x80xi32, #tpu.memory_space<vmem>> -> memref<80xi32, #tpu.memory_space<vmem>>
        %dma_wait3A_180 = arith.constant 0 : i32
        %dma_wait3A_181 = arith.constant 0 : i32
        %dma_wait3A_182 = tpu.memref_slice %arg2[%dma_wait3A_180, %dma_wait3A_181] : memref<10000x128xf32, #tpu.memory_space<hbm>> -> memref<10000x128xf32, #tpu.memory_space<hbm>>
        tpu.wait_indirect_dma semaphore(%arg16 : memref<!tpu.dma_semaphore, #tpu.memory_space<semaphore_mem>>) src(%dma_wait3A_182 : memref<10000x128xf32, #tpu.memory_space<hbm>>) dst(%dma_wait3A_176 : memref<80x128xf32, #tpu.memory_space<vmem>>)
        %dma_start3A_183 = arith.constant 2 : i32
        %dma_start3A_184 = arith.constant 0 : i32
        %dma_start3A_185 = arith.constant 0 : i32
        %dma_start3A_186 = tpu.memref_slice %arg11[%dma_start3A_183, %dma_start3A_184, %dma_start3A_185] : memref<3x80x128xf32, #tpu.memory_space<vmem>> -> memref<1x80x128xf32, #tpu.memory_space<vmem>>
        %dma_start3A_187 = tpu.memref_squeeze %dma_start3A_186 : memref<1x80x128xf32, #tpu.memory_space<vmem>> -> memref<80x128xf32, #tpu.memory_space<vmem>>
        %dma_start3A_188 = arith.constant 0 : i32
        %dma_start3A_189 = tpu.memref_slice %arg10[%rem3A_119, %dma_start3A_188] : memref<4x80xi32, #tpu.memory_space<vmem>> -> memref<1x80xi32, #tpu.memory_space<vmem>>
        %dma_start3A_190 = tpu.memref_squeeze %dma_start3A_189 : memref<1x80xi32, #tpu.memory_space<vmem>> -> memref<80xi32, #tpu.memory_space<vmem>>
        %dma_start3A_191 = arith.constant 0 : i32
        %dma_start3A_192 = arith.constant 0 : i32
        %dma_start3A_193 = tpu.memref_slice %arg13[%dma_start3A_191, %dma_start3A_192] : memref<10240x128xf32, #tpu.memory_space<vmem_shared>> -> memref<10240x128xf32, #tpu.memory_space<vmem_shared>>
        tpu.enqueue_indirect_dma source(%dma_start3A_187 : memref<80x128xf32, #tpu.memory_space<vmem>>) target(%dma_start3A_193 : memref<10240x128xf32, #tpu.memory_space<vmem_shared>>) offsets(%dma_start3A_190 : memref<80xi32, #tpu.memory_space<vmem>>) semaphore(%arg16 : memref<!tpu.dma_semaphore, #tpu.memory_space<semaphore_mem>>) {add = true}
      } else {
      }
      %get3A = arith.index_cast %rem3A_119 : i32 to index
      %get3A_142 = arith.constant 0 : index
      %get3A_143 = tpu.vector_load %arg10[%get3A, %get3A_142] {strides = array<i32>} : memref<4x80xi32, #tpu.memory_space<vmem>>, vector<16xi32>,
      tpu.vector_store_idx %arg12[%get3A_143], %broadcast_in_dim3A_4 {add = true} : memref<10240xf32, #tpu.memory_space<vmem>>[vector<16xi32>], vector<16xf32>,
      %get3A_144 = arith.index_cast %rem3A_119 : i32 to index
      %get3A_145 = arith.constant 16 : index
      %get3A_146 = tpu.vector_load %arg10[%get3A_144, %get3A_145] {strides = array<i32>} : memref<4x80xi32, #tpu.memory_space<vmem>>, vector<16xi32>,
      tpu.vector_store_idx %arg12[%get3A_146], %broadcast_in_dim3A_4 {add = true} : memref<10240xf32, #tpu.memory_space<vmem>>[vector<16xi32>], vector<16xf32>,
      %get3A_147 = arith.index_cast %rem3A_119 : i32 to index
      %get3A_148 = arith.constant 32 : index
      %get3A_149 = tpu.vector_load %arg10[%get3A_147, %get3A_148] {strides = array<i32>} : memref<4x80xi32, #tpu.memory_space<vmem>>, vector<16xi32>,
      tpu.vector_store_idx %arg12[%get3A_149], %broadcast_in_dim3A_4 {add = true} : memref<10240xf32, #tpu.memory_space<vmem>>[vector<16xi32>], vector<16xf32>,
      %get3A_150 = arith.index_cast %rem3A_119 : i32 to index
      %get3A_151 = arith.constant 48 : index
      %get3A_152 = tpu.vector_load %arg10[%get3A_150, %get3A_151] {strides = array<i32>} : memref<4x80xi32, #tpu.memory_space<vmem>>, vector<16xi32>,
      tpu.vector_store_idx %arg12[%get3A_152], %broadcast_in_dim3A_4 {add = true} : memref<10240xf32, #tpu.memory_space<vmem>>[vector<16xi32>], vector<16xf32>,
      %get3A_153 = arith.index_cast %rem3A_119 : i32 to index
      %get3A_154 = arith.constant 64 : index
      %get3A_155 = tpu.vector_load %arg10[%get3A_153, %get3A_154] {strides = array<i32>} : memref<4x80xi32, #tpu.memory_space<vmem>>, vector<16xi32>,
      tpu.vector_store_idx %arg12[%get3A_155], %broadcast_in_dim3A_4 {add = true} : memref<10240xf32, #tpu.memory_space<vmem>>[vector<16xi32>], vector<16xf32>,
      %add3A_156 = arith.constant 3 : i32
      %add3A_157 = arith.addi %scan3A_111, %add3A_156 : i32
      %sub3A_158 = arith.constant 1 : i32
      %sub3A_159 = arith.subi %add3A_157, %sub3A_158 : i32
      %lt3A = arith.constant 125 : i32
      %lt3A_160 = arith.cmpi slt, %sub3A_159, %lt3A : i32
      %convert_element_type3A_161 = arith.extui %lt3A_160 : i1 to i32
      %cond3A_162 = arith.constant 0 : i32
      %cond3A_163 = arith.cmpi ne, %convert_element_type3A_161, %cond3A_162 : i32
      scf.if %cond3A_163 {
        %add3A_171 = arith.constant 3 : i32
        %add3A_172 = arith.addi %scan3A_111, %add3A_171 : i32
        %sub3A_173 = arith.constant 1 : i32
        %sub3A_174 = arith.subi %add3A_172, %sub3A_173 : i32
        %dma_wait3A_175 = arith.constant 0 : i32
        %dma_wait3A_176 = tpu.memref_slice %arg9[%rem3A_125, %dma_wait3A_175] : memref<4x80xi32, #tpu.memory_space<vmem>> -> memref<1x80xi32, #tpu.memory_space<vmem>>
        %dma_wait3A_177 = tpu.memref_squeeze %dma_wait3A_176 : memref<1x80xi32, #tpu.memory_space<vmem>> -> memref<80xi32, #tpu.memory_space<vmem>>
        %dma_wait3A_178 = arith.constant 0 : i32
        %dma_wait3A_179 = tpu.memref_slice %arg3[%add3A, %sub3A_174, %dma_wait3A_178] : memref<32x125x80xi32, #tpu.memory_space<hbm>> -> memref<1x1x80xi32, #tpu.memory_space<hbm>>
        %dma_wait3A_180 = tpu.memref_squeeze %dma_wait3A_179 : memref<1x1x80xi32, #tpu.memory_space<hbm>> -> memref<80xi32, #tpu.memory_space<hbm>>
        %dma_wait3A_181 = arith.constant 0 : i32
        %dma_wait3A_182 = tpu.memref_slice %arg9[%rem3A_125, %dma_wait3A_181] : memref<4x80xi32, #tpu.memory_space<vmem>> -> memref<1x80xi32, #tpu.memory_space<vmem>>
        %dma_wait3A_183 = tpu.memref_squeeze %dma_wait3A_182 : memref<1x80xi32, #tpu.memory_space<vmem>> -> memref<80xi32, #tpu.memory_space<vmem>>
        %dma_wait3A_184 = arith.constant 0 : i32
        %dma_wait3A_185 = tpu.memref_slice %arg3[%add3A, %sub3A_174, %dma_wait3A_184] : memref<32x125x80xi32, #tpu.memory_space<hbm>> -> memref<1x1x80xi32, #tpu.memory_space<hbm>>
        %dma_wait3A_186 = tpu.memref_squeeze %dma_wait3A_185 : memref<1x1x80xi32, #tpu.memory_space<hbm>> -> memref<80xi32, #tpu.memory_space<hbm>>
        tpu.wait_dma2 semaphore(%arg17 : memref<!tpu.dma_semaphore, #tpu.memory_space<semaphore_mem>>) src(%dma_wait3A_186 : memref<80xi32, #tpu.memory_space<hbm>>) dst(%dma_wait3A_183 : memref<80xi32, #tpu.memory_space<vmem>>)
        %add3A_187 = arith.constant 3 : i32
        %add3A_188 = arith.addi %scan3A_111, %add3A_187 : i32
        %sub3A_189 = arith.constant 1 : i32
        %sub3A_190 = arith.subi %add3A_188, %sub3A_189 : i32
        %dma_wait3A_191 = arith.constant 0 : i32
        %dma_wait3A_192 = tpu.memref_slice %arg10[%rem3A_125, %dma_wait3A_191] : memref<4x80xi32, #tpu.memory_space<vmem>> -> memref<1x80xi32, #tpu.memory_space<vmem>>
        %dma_wait3A_193 = tpu.memref_squeeze %dma_wait3A_192 : memref<1x80xi32, #tpu.memory_space<vmem>> -> memref<80xi32, #tpu.memory_space<vmem>>
        %dma_wait3A_194 = arith.constant 0 : i32
        %dma_wait3A_195 = tpu.memref_slice %arg4[%add3A, %sub3A_190, %dma_wait3A_194] : memref<32x125x80xi32, #tpu.memory_space<hbm>> -> memref<1x1x80xi32, #tpu.memory_space<hbm>>
        %dma_wait3A_196 = tpu.memref_squeeze %dma_wait3A_195 : memref<1x1x80xi32, #tpu.memory_space<hbm>> -> memref<80xi32, #tpu.memory_space<hbm>>
        %dma_wait3A_197 = arith.constant 0 : i32
        %dma_wait3A_198 = tpu.memref_slice %arg10[%rem3A_125, %dma_wait3A_197] : memref<4x80xi32, #tpu.memory_space<vmem>> -> memref<1x80xi32, #tpu.memory_space<vmem>>
        %dma_wait3A_199 = tpu.memref_squeeze %dma_wait3A_198 : memref<1x80xi32, #tpu.memory_space<vmem>> -> memref<80xi32, #tpu.memory_space<vmem>>
        %dma_wait3A_200 = arith.constant 0 : i32
        %dma_wait3A_201 = tpu.memref_slice %arg4[%add3A, %sub3A_190, %dma_wait3A_200] : memref<32x125x80xi32, #tpu.memory_space<hbm>> -> memref<1x1x80xi32, #tpu.memory_space<hbm>>
        %dma_wait3A_202 = tpu.memref_squeeze %dma_wait3A_201 : memref<1x1x80xi32, #tpu.memory_space<hbm>> -> memref<80xi32, #tpu.memory_space<hbm>>
        tpu.wait_dma2 semaphore(%arg17 : memref<!tpu.dma_semaphore, #tpu.memory_space<semaphore_mem>>) src(%dma_wait3A_202 : memref<80xi32, #tpu.memory_space<hbm>>) dst(%dma_wait3A_199 : memref<80xi32, #tpu.memory_space<vmem>>)
        %eq3A_203 = arith.constant 0 : i32
        %eq3A_204 = arith.cmpi eq, %rem3A_117, %eq3A_203 : i32
        %convert_element_type3A_205 = arith.extui %eq3A_204 : i1 to i32
        %cond3A_206 = arith.constant 0 : i32
        %cond3A_207 = arith.cmpi ne, %convert_element_type3A_205, %cond3A_206 : i32
        scf.if %cond3A_207 {
          %gt3A = arith.constant 0 : i32
          %gt3A_218 = arith.cmpi sgt, %scan3A_111, %gt3A : i32
          %convert_element_type3A_219 = arith.extui %gt3A_218 : i1 to i32
          %cond3A_220 = arith.constant 0 : i32
          %cond3A_221 = arith.cmpi ne, %convert_element_type3A_219, %cond3A_220 : i32
          scf.if %cond3A_221 {
            %dma_wait3A_233 = arith.constant 0 : i32
            %dma_wait3A_234 = arith.constant 0 : i32
            %dma_wait3A_235 = arith.constant 0 : i32
            %dma_wait3A_236 = arith.constant 0 : i32
            %dma_wait3A_237 = tpu.memref_slice %arg11[%dma_wait3A_233, %dma_wait3A_235, %dma_wait3A_236] : memref<3x80x128xf32, #tpu.memory_space<vmem>> -> memref<1x80x128xf32, #tpu.memory_space<vmem>>
            %dma_wait3A_238 = tpu.memref_squeeze %dma_wait3A_237 : memref<1x80x128xf32, #tpu.memory_space<vmem>> -> memref<80x128xf32, #tpu.memory_space<vmem>>
            %dma_wait3A_239 = arith.constant 0 : i32
            %dma_wait3A_240 = tpu.memref_slice %arg10[%dma_wait3A_234, %dma_wait3A_239] : memref<4x80xi32, #tpu.memory_space<vmem>> -> memref<1x80xi32, #tpu.memory_space<vmem>>
            %dma_wait3A_241 = tpu.memref_squeeze %dma_wait3A_240 : memref<1x80xi32, #tpu.memory_space<vmem>> -> memref<80xi32, #tpu.memory_space<vmem>>
            %dma_wait3A_242 = arith.constant 0 : i32
            %dma_wait3A_243 = arith.constant 0 : i32
            %dma_wait3A_244 = tpu.memref_slice %arg13[%dma_wait3A_242, %dma_wait3A_243] : memref<10240x128xf32, #tpu.memory_space<vmem_shared>> -> memref<10240x128xf32, #tpu.memory_space<vmem_shared>>
            tpu.wait_indirect_dma semaphore(%arg14 : memref<!tpu.dma_semaphore, #tpu.memory_space<semaphore_mem>>) src(%dma_wait3A_238 : memref<80x128xf32, #tpu.memory_space<vmem>>) dst(%dma_wait3A_244 : memref<10240x128xf32, #tpu.memory_space<vmem_shared>>)
          } else {
          }
          %dma_start3A_222 = arith.constant 0 : i32
          %dma_start3A_223 = arith.constant 0 : i32
          %dma_start3A_224 = arith.constant 0 : i32
          %dma_start3A_225 = tpu.memref_slice %arg11[%dma_start3A_222, %dma_start3A_223, %dma_start3A_224] : memref<3x80x128xf32, #tpu.memory_space<vmem>> -> memref<1x80x128xf32, #tpu.memory_space<vmem>>
          %dma_start3A_226 = tpu.memref_squeeze %dma_start3A_225 : memref<1x80x128xf32, #tpu.memory_space<vmem>> -> memref<80x128xf32, #tpu.memory_space<vmem>>
          %dma_start3A_227 = arith.constant 0 : i32
          %dma_start3A_228 = tpu.memref_slice %arg9[%rem3A_125, %dma_start3A_227] : memref<4x80xi32, #tpu.memory_space<vmem>> -> memref<1x80xi32, #tpu.memory_space<vmem>>
          %dma_start3A_229 = tpu.memref_squeeze %dma_start3A_228 : memref<1x80xi32, #tpu.memory_space<vmem>> -> memref<80xi32, #tpu.memory_space<vmem>>
          %dma_start3A_230 = arith.constant 0 : i32
          %dma_start3A_231 = arith.constant 0 : i32
          %dma_start3A_232 = tpu.memref_slice %arg2[%dma_start3A_230, %dma_start3A_231] : memref<10000x128xf32, #tpu.memory_space<hbm>> -> memref<10000x128xf32, #tpu.memory_space<hbm>>
          tpu.enqueue_indirect_dma source(%dma_start3A_232 : memref<10000x128xf32, #tpu.memory_space<hbm>>) target(%dma_start3A_226 : memref<80x128xf32, #tpu.memory_space<vmem>>) offsets(%dma_start3A_229 : memref<80xi32, #tpu.memory_space<vmem>>) semaphore(%arg14 : memref<!tpu.dma_semaphore, #tpu.memory_space<semaphore_mem>>)
        } else {
        }
        %eq3A_208 = arith.constant 1 : i32
        %eq3A_209 = arith.cmpi eq, %rem3A_117, %eq3A_208 : i32
        %convert_element_type3A_210 = arith.extui %eq3A_209 : i1 to i32
        %cond3A_211 = arith.constant 0 : i32
        %cond3A_212 = arith.cmpi ne, %convert_element_type3A_210, %cond3A_211 : i32
        scf.if %cond3A_212 {
          %gt3A = arith.constant 0 : i32
          %gt3A_218 = arith.cmpi sgt, %scan3A_111, %gt3A : i32
          %convert_element_type3A_219 = arith.extui %gt3A_218 : i1 to i32
          %cond3A_220 = arith.constant 0 : i32
          %cond3A_221 = arith.cmpi ne, %convert_element_type3A_219, %cond3A_220 : i32
          scf.if %cond3A_221 {
            %dma_wait3A_233 = arith.constant 1 : i32
            %dma_wait3A_234 = arith.constant 0 : i32
            %dma_wait3A_235 = arith.constant 0 : i32
            %dma_wait3A_236 = arith.constant 0 : i32
            %dma_wait3A_237 = tpu.memref_slice %arg11[%dma_wait3A_233, %dma_wait3A_235, %dma_wait3A_236] : memref<3x80x128xf32, #tpu.memory_space<vmem>> -> memref<1x80x128xf32, #tpu.memory_space<vmem>>
            %dma_wait3A_238 = tpu.memref_squeeze %dma_wait3A_237 : memref<1x80x128xf32, #tpu.memory_space<vmem>> -> memref<80x128xf32, #tpu.memory_space<vmem>>
            %dma_wait3A_239 = arith.constant 0 : i32
            %dma_wait3A_240 = tpu.memref_slice %arg10[%dma_wait3A_234, %dma_wait3A_239] : memref<4x80xi32, #tpu.memory_space<vmem>> -> memref<1x80xi32, #tpu.memory_space<vmem>>
            %dma_wait3A_241 = tpu.memref_squeeze %dma_wait3A_240 : memref<1x80xi32, #tpu.memory_space<vmem>> -> memref<80xi32, #tpu.memory_space<vmem>>
            %dma_wait3A_242 = arith.constant 0 : i32
            %dma_wait3A_243 = arith.constant 0 : i32
            %dma_wait3A_244 = tpu.memref_slice %arg13[%dma_wait3A_242, %dma_wait3A_243] : memref<10240x128xf32, #tpu.memory_space<vmem_shared>> -> memref<10240x128xf32, #tpu.memory_space<vmem_shared>>
            tpu.wait_indirect_dma semaphore(%arg15 : memref<!tpu.dma_semaphore, #tpu.memory_space<semaphore_mem>>) src(%dma_wait3A_238 : memref<80x128xf32, #tpu.memory_space<vmem>>) dst(%dma_wait3A_244 : memref<10240x128xf32, #tpu.memory_space<vmem_shared>>)
          } else {
          }
          %dma_start3A_222 = arith.constant 1 : i32
          %dma_start3A_223 = arith.constant 0 : i32
          %dma_start3A_224 = arith.constant 0 : i32
          %dma_start3A_225 = tpu.memref_slice %arg11[%dma_start3A_222, %dma_start3A_223, %dma_start3A_224] : memref<3x80x128xf32, #tpu.memory_space<vmem>> -> memref<1x80x128xf32, #tpu.memory_space<vmem>>
          %dma_start3A_226 = tpu.memref_squeeze %dma_start3A_225 : memref<1x80x128xf32, #tpu.memory_space<vmem>> -> memref<80x128xf32, #tpu.memory_space<vmem>>
          %dma_start3A_227 = arith.constant 0 : i32
          %dma_start3A_228 = tpu.memref_slice %arg9[%rem3A_125, %dma_start3A_227] : memref<4x80xi32, #tpu.memory_space<vmem>> -> memref<1x80xi32, #tpu.memory_space<vmem>>
          %dma_start3A_229 = tpu.memref_squeeze %dma_start3A_228 : memref<1x80xi32, #tpu.memory_space<vmem>> -> memref<80xi32, #tpu.memory_space<vmem>>
          %dma_start3A_230 = arith.constant 0 : i32
          %dma_start3A_231 = arith.constant 0 : i32
          %dma_start3A_232 = tpu.memref_slice %arg2[%dma_start3A_230, %dma_start3A_231] : memref<10000x128xf32, #tpu.memory_space<hbm>> -> memref<10000x128xf32, #tpu.memory_space<hbm>>
          tpu.enqueue_indirect_dma source(%dma_start3A_232 : memref<10000x128xf32, #tpu.memory_space<hbm>>) target(%dma_start3A_226 : memref<80x128xf32, #tpu.memory_space<vmem>>) offsets(%dma_start3A_229 : memref<80xi32, #tpu.memory_space<vmem>>) semaphore(%arg15 : memref<!tpu.dma_semaphore, #tpu.memory_space<semaphore_mem>>)
        } else {
        }
        %eq3A_213 = arith.constant 2 : i32
        %eq3A_214 = arith.cmpi eq, %rem3A_117, %eq3A_213 : i32
        %convert_element_type3A_215 = arith.extui %eq3A_214 : i1 to i32
        %cond3A_216 = arith.constant 0 : i32
        %cond3A_217 = arith.cmpi ne, %convert_element_type3A_215, %cond3A_216 : i32
        scf.if %cond3A_217 {
          %gt3A = arith.constant 0 : i32
          %gt3A_218 = arith.cmpi sgt, %scan3A_111, %gt3A : i32
          %convert_element_type3A_219 = arith.extui %gt3A_218 : i1 to i32
          %cond3A_220 = arith.constant 0 : i32
          %cond3A_221 = arith.cmpi ne, %convert_element_type3A_219, %cond3A_220 : i32
          scf.if %cond3A_221 {
            %dma_wait3A_233 = arith.constant 2 : i32
            %dma_wait3A_234 = arith.constant 0 : i32
            %dma_wait3A_235 = arith.constant 0 : i32
            %dma_wait3A_236 = arith.constant 0 : i32
            %dma_wait3A_237 = tpu.memref_slice %arg11[%dma_wait3A_233, %dma_wait3A_235, %dma_wait3A_236] : memref<3x80x128xf32, #tpu.memory_space<vmem>> -> memref<1x80x128xf32, #tpu.memory_space<vmem>>
            %dma_wait3A_238 = tpu.memref_squeeze %dma_wait3A_237 : memref<1x80x128xf32, #tpu.memory_space<vmem>> -> memref<80x128xf32, #tpu.memory_space<vmem>>
            %dma_wait3A_239 = arith.constant 0 : i32
            %dma_wait3A_240 = tpu.memref_slice %arg10[%dma_wait3A_234, %dma_wait3A_239] : memref<4x80xi32, #tpu.memory_space<vmem>> -> memref<1x80xi32, #tpu.memory_space<vmem>>
            %dma_wait3A_241 = tpu.memref_squeeze %dma_wait3A_240 : memref<1x80xi32, #tpu.memory_space<vmem>> -> memref<80xi32, #tpu.memory_space<vmem>>
            %dma_wait3A_242 = arith.constant 0 : i32
            %dma_wait3A_243 = arith.constant 0 : i32
            %dma_wait3A_244 = tpu.memref_slice %arg13[%dma_wait3A_242, %dma_wait3A_243] : memref<10240x128xf32, #tpu.memory_space<vmem_shared>> -> memref<10240x128xf32, #tpu.memory_space<vmem_shared>>
            tpu.wait_indirect_dma semaphore(%arg16 : memref<!tpu.dma_semaphore, #tpu.memory_space<semaphore_mem>>) src(%dma_wait3A_238 : memref<80x128xf32, #tpu.memory_space<vmem>>) dst(%dma_wait3A_244 : memref<10240x128xf32, #tpu.memory_space<vmem_shared>>)
          } else {
          }
          %dma_start3A_222 = arith.constant 2 : i32
          %dma_start3A_223 = arith.constant 0 : i32
          %dma_start3A_224 = arith.constant 0 : i32
          %dma_start3A_225 = tpu.memref_slice %arg11[%dma_start3A_222, %dma_start3A_223, %dma_start3A_224] : memref<3x80x128xf32, #tpu.memory_space<vmem>> -> memref<1x80x128xf32, #tpu.memory_space<vmem>>
          %dma_start3A_226 = tpu.memref_squeeze %dma_start3A_225 : memref<1x80x128xf32, #tpu.memory_space<vmem>> -> memref<80x128xf32, #tpu.memory_space<vmem>>
          %dma_start3A_227 = arith.constant 0 : i32
          %dma_start3A_228 = tpu.memref_slice %arg9[%rem3A_125, %dma_start3A_227] : memref<4x80xi32, #tpu.memory_space<vmem>> -> memref<1x80xi32, #tpu.memory_space<vmem>>
          %dma_start3A_229 = tpu.memref_squeeze %dma_start3A_228 : memref<1x80xi32, #tpu.memory_space<vmem>> -> memref<80xi32, #tpu.memory_space<vmem>>
          %dma_start3A_230 = arith.constant 0 : i32
          %dma_start3A_231 = arith.constant 0 : i32
          %dma_start3A_232 = tpu.memref_slice %arg2[%dma_start3A_230, %dma_start3A_231] : memref<10000x128xf32, #tpu.memory_space<hbm>> -> memref<10000x128xf32, #tpu.memory_space<hbm>>
          tpu.enqueue_indirect_dma source(%dma_start3A_232 : memref<10000x128xf32, #tpu.memory_space<hbm>>) target(%dma_start3A_226 : memref<80x128xf32, #tpu.memory_space<vmem>>) offsets(%dma_start3A_229 : memref<80xi32, #tpu.memory_space<vmem>>) semaphore(%arg16 : memref<!tpu.dma_semaphore, #tpu.memory_space<semaphore_mem>>)
        } else {
        }
      } else {
      }
      %add3A_164 = arith.constant 3 : i32
      %add3A_165 = arith.addi %scan3A_111, %add3A_164 : i32
      %lt3A_166 = arith.constant 125 : i32
      %lt3A_167 = arith.cmpi slt, %add3A_165, %lt3A_166 : i32
      %convert_element_type3A_168 = arith.extui %lt3A_167 : i1 to i32
      %cond3A_169 = arith.constant 0 : i32
      %cond3A_170 = arith.cmpi ne, %convert_element_type3A_168, %cond3A_169 : i32
      scf.if %cond3A_170 {
        %add3A_171 = arith.constant 3 : i32
        %add3A_172 = arith.addi %scan3A_111, %add3A_171 : i32
        %dma_start3A_173 = arith.constant 0 : i32
        %dma_start3A_174 = tpu.memref_slice %arg9[%rem3A_129, %dma_start3A_173] : memref<4x80xi32, #tpu.memory_space<vmem>> -> memref<1x80xi32, #tpu.memory_space<vmem>>
        %dma_start3A_175 = tpu.memref_squeeze %dma_start3A_174 : memref<1x80xi32, #tpu.memory_space<vmem>> -> memref<80xi32, #tpu.memory_space<vmem>>
        %dma_start3A_176 = arith.constant 0 : i32
        %dma_start3A_177 = tpu.memref_slice %arg3[%add3A, %add3A_172, %dma_start3A_176] : memref<32x125x80xi32, #tpu.memory_space<hbm>> -> memref<1x1x80xi32, #tpu.memory_space<hbm>>
        %dma_start3A_178 = tpu.memref_squeeze %dma_start3A_177 : memref<1x1x80xi32, #tpu.memory_space<hbm>> -> memref<80xi32, #tpu.memory_space<hbm>>
        %dma_start3A_179 = arith.constant 0 : i32
        %dma_start3A_180 = tpu.memref_slice %arg9[%rem3A_129, %dma_start3A_179] : memref<4x80xi32, #tpu.memory_space<vmem>> -> memref<1x80xi32, #tpu.memory_space<vmem>>
        %dma_start3A_181 = tpu.memref_squeeze %dma_start3A_180 : memref<1x80xi32, #tpu.memory_space<vmem>> -> memref<80xi32, #tpu.memory_space<vmem>>
        %dma_start3A_182 = arith.constant 0 : i32
        %dma_start3A_183 = tpu.memref_slice %arg3[%add3A, %add3A_172, %dma_start3A_182] : memref<32x125x80xi32, #tpu.memory_space<hbm>> -> memref<1x1x80xi32, #tpu.memory_space<hbm>>
        %dma_start3A_184 = tpu.memref_squeeze %dma_start3A_183 : memref<1x1x80xi32, #tpu.memory_space<hbm>> -> memref<80xi32, #tpu.memory_space<hbm>>
        tpu.enqueue_dma source(%dma_start3A_184 : memref<80xi32, #tpu.memory_space<hbm>>) target(%dma_start3A_181 : memref<80xi32, #tpu.memory_space<vmem>>) target_semaphore(%arg17 : memref<!tpu.dma_semaphore, #tpu.memory_space<semaphore_mem>>)
        %add3A_185 = arith.constant 3 : i32
        %add3A_186 = arith.addi %scan3A_111, %add3A_185 : i32
        %dma_start3A_187 = arith.constant 0 : i32
        %dma_start3A_188 = tpu.memref_slice %arg10[%rem3A_129, %dma_start3A_187] : memref<4x80xi32, #tpu.memory_space<vmem>> -> memref<1x80xi32, #tpu.memory_space<vmem>>
        %dma_start3A_189 = tpu.memref_squeeze %dma_start3A_188 : memref<1x80xi32, #tpu.memory_space<vmem>> -> memref<80xi32, #tpu.memory_space<vmem>>
        %dma_start3A_190 = arith.constant 0 : i32
        %dma_start3A_191 = tpu.memref_slice %arg4[%add3A, %add3A_186, %dma_start3A_190] : memref<32x125x80xi32, #tpu.memory_space<hbm>> -> memref<1x1x80xi32, #tpu.memory_space<hbm>>
        %dma_start3A_192 = tpu.memref_squeeze %dma_start3A_191 : memref<1x1x80xi32, #tpu.memory_space<hbm>> -> memref<80xi32, #tpu.memory_space<hbm>>
        %dma_start3A_193 = arith.constant 0 : i32
        %dma_start3A_194 = tpu.memref_slice %arg10[%rem3A_129, %dma_start3A_193] : memref<4x80xi32, #tpu.memory_space<vmem>> -> memref<1x80xi32, #tpu.memory_space<vmem>>
        %dma_start3A_195 = tpu.memref_squeeze %dma_start3A_194 : memref<1x80xi32, #tpu.memory_space<vmem>> -> memref<80xi32, #tpu.memory_space<vmem>>
        %dma_start3A_196 = arith.constant 0 : i32
        %dma_start3A_197 = tpu.memref_slice %arg4[%add3A, %add3A_186, %dma_start3A_196] : memref<32x125x80xi32, #tpu.memory_space<hbm>> -> memref<1x1x80xi32, #tpu.memory_space<hbm>>
        %dma_start3A_198 = tpu.memref_squeeze %dma_start3A_197 : memref<1x1x80xi32, #tpu.memory_space<hbm>> -> memref<80xi32, #tpu.memory_space<hbm>>
        tpu.enqueue_dma source(%dma_start3A_198 : memref<80xi32, #tpu.memory_space<hbm>>) target(%dma_start3A_195 : memref<80xi32, #tpu.memory_space<vmem>>) target_semaphore(%arg17 : memref<!tpu.dma_semaphore, #tpu.memory_space<semaphore_mem>>)
      } else {
      }
    }
    %scan3A_69 = arith.constant 125 : i32
    %dma_wait3A_70 = arith.constant 0 : i32
    %dma_wait3A_71 = arith.constant 0 : i32
    %dma_wait3A_72 = arith.constant 0 : i32
    %dma_wait3A_73 = arith.constant 0 : i32
    %dma_wait3A_74 = tpu.memref_slice %arg11[%dma_wait3A_70, %dma_wait3A_72, %dma_wait3A_73] : memref<3x80x128xf32, #tpu.memory_space<vmem>> -> memref<1x80x128xf32, #tpu.memory_space<vmem>>
    %dma_wait3A_75 = tpu.memref_squeeze %dma_wait3A_74 : memref<1x80x128xf32, #tpu.memory_space<vmem>> -> memref<80x128xf32, #tpu.memory_space<vmem>>
    %dma_wait3A_76 = arith.constant 0 : i32
    %dma_wait3A_77 = tpu.memref_slice %arg10[%dma_wait3A_71, %dma_wait3A_76] : memref<4x80xi32, #tpu.memory_space<vmem>> -> memref<1x80xi32, #tpu.memory_space<vmem>>
    %dma_wait3A_78 = tpu.memref_squeeze %dma_wait3A_77 : memref<1x80xi32, #tpu.memory_space<vmem>> -> memref<80xi32, #tpu.memory_space<vmem>>
    %dma_wait3A_79 = arith.constant 0 : i32
    %dma_wait3A_80 = arith.constant 0 : i32
    %dma_wait3A_81 = tpu.memref_slice %arg13[%dma_wait3A_79, %dma_wait3A_80] : memref<10240x128xf32, #tpu.memory_space<vmem_shared>> -> memref<10240x128xf32, #tpu.memory_space<vmem_shared>>
    tpu.wait_indirect_dma semaphore(%arg14 : memref<!tpu.dma_semaphore, #tpu.memory_space<semaphore_mem>>) src(%dma_wait3A_75 : memref<80x128xf32, #tpu.memory_space<vmem>>) dst(%dma_wait3A_81 : memref<10240x128xf32, #tpu.memory_space<vmem_shared>>)
    %dma_wait3A_82 = arith.constant 1 : i32
    %dma_wait3A_83 = arith.constant 0 : i32
    %dma_wait3A_84 = arith.constant 0 : i32
    %dma_wait3A_85 = arith.constant 0 : i32
    %dma_wait3A_86 = tpu.memref_slice %arg11[%dma_wait3A_82, %dma_wait3A_84, %dma_wait3A_85] : memref<3x80x128xf32, #tpu.memory_space<vmem>> -> memref<1x80x128xf32, #tpu.memory_space<vmem>>
    %dma_wait3A_87 = tpu.memref_squeeze %dma_wait3A_86 : memref<1x80x128xf32, #tpu.memory_space<vmem>> -> memref<80x128xf32, #tpu.memory_space<vmem>>
    %dma_wait3A_88 = arith.constant 0 : i32
    %dma_wait3A_89 = tpu.memref_slice %arg10[%dma_wait3A_83, %dma_wait3A_88] : memref<4x80xi32, #tpu.memory_space<vmem>> -> memref<1x80xi32, #tpu.memory_space<vmem>>
    %dma_wait3A_90 = tpu.memref_squeeze %dma_wait3A_89 : memref<1x80xi32, #tpu.memory_space<vmem>> -> memref<80xi32, #tpu.memory_space<vmem>>
    %dma_wait3A_91 = arith.constant 0 : i32
    %dma_wait3A_92 = arith.constant 0 : i32
    %dma_wait3A_93 = tpu.memref_slice %arg13[%dma_wait3A_91, %dma_wait3A_92] : memref<10240x128xf32, #tpu.memory_space<vmem_shared>> -> memref<10240x128xf32, #tpu.memory_space<vmem_shared>>
    tpu.wait_indirect_dma semaphore(%arg15 : memref<!tpu.dma_semaphore, #tpu.memory_space<semaphore_mem>>) src(%dma_wait3A_87 : memref<80x128xf32, #tpu.memory_space<vmem>>) dst(%dma_wait3A_93 : memref<10240x128xf32, #tpu.memory_space<vmem_shared>>)
    %dma_wait3A_94 = arith.constant 2 : i32
    %dma_wait3A_95 = arith.constant 0 : i32
    %dma_wait3A_96 = arith.constant 0 : i32
    %dma_wait3A_97 = arith.constant 0 : i32
    %dma_wait3A_98 = tpu.memref_slice %arg11[%dma_wait3A_94, %dma_wait3A_96, %dma_wait3A_97] : memref<3x80x128xf32, #tpu.memory_space<vmem>> -> memref<1x80x128xf32, #tpu.memory_space<vmem>>
    %dma_wait3A_99 = tpu.memref_squeeze %dma_wait3A_98 : memref<1x80x128xf32, #tpu.memory_space<vmem>> -> memref<80x128xf32, #tpu.memory_space<vmem>>
    %dma_wait3A_100 = arith.constant 0 : i32
    %dma_wait3A_101 = tpu.memref_slice %arg10[%dma_wait3A_95, %dma_wait3A_100] : memref<4x80xi32, #tpu.memory_space<vmem>> -> memref<1x80xi32, #tpu.memory_space<vmem>>
    %dma_wait3A_102 = tpu.memref_squeeze %dma_wait3A_101 : memref<1x80xi32, #tpu.memory_space<vmem>> -> memref<80xi32, #tpu.memory_space<vmem>>
    %dma_wait3A_103 = arith.constant 0 : i32
    %dma_wait3A_104 = arith.constant 0 : i32
    %dma_wait3A_105 = tpu.memref_slice %arg13[%dma_wait3A_103, %dma_wait3A_104] : memref<10240x128xf32, #tpu.memory_space<vmem_shared>> -> memref<10240x128xf32, #tpu.memory_space<vmem_shared>>
    tpu.wait_indirect_dma semaphore(%arg16 : memref<!tpu.dma_semaphore, #tpu.memory_space<semaphore_mem>>) src(%dma_wait3A_99 : memref<80x128xf32, #tpu.memory_space<vmem>>) dst(%dma_wait3A_105 : memref<10240x128xf32, #tpu.memory_space<vmem_shared>>)
    "tpu.region"() ({
      %run_scoped3A_111 = tpu.sem_alloc : memref<!tpu.dma_semaphore, #tpu.memory_space<semaphore_mem>>
      %dma_start3A_112 = arith.constant 0 : i32
      %dma_start3A_113 = tpu.memref_slice %arg8[%add3A, %dma_start3A_112] : memref<32x10240xf32, #tpu.memory_space<hbm>> -> memref<1x10240xf32, #tpu.memory_space<hbm>>
      %dma_start3A_114 = tpu.memref_squeeze %dma_start3A_113 : memref<1x10240xf32, #tpu.memory_space<hbm>> -> memref<10240xf32, #tpu.memory_space<hbm>>
      %dma_start3A_115 = arith.constant 0 : i32
      %dma_start3A_116 = tpu.memref_slice %arg8[%add3A, %dma_start3A_115] : memref<32x10240xf32, #tpu.memory_space<hbm>> -> memref<1x10240xf32, #tpu.memory_space<hbm>>
      %dma_start3A_117 = tpu.memref_squeeze %dma_start3A_116 : memref<1x10240xf32, #tpu.memory_space<hbm>> -> memref<10240xf32, #tpu.memory_space<hbm>>
      tpu.enqueue_dma source(%arg12 : memref<10240xf32, #tpu.memory_space<vmem>>) target(%dma_start3A_117 : memref<10240xf32, #tpu.memory_space<hbm>>) target_semaphore(%run_scoped3A_111 : memref<!tpu.dma_semaphore, #tpu.memory_space<semaphore_mem>>)
      %dma_wait3A_118 = arith.constant 0 : i32
      %dma_wait3A_119 = tpu.memref_slice %arg8[%add3A, %dma_wait3A_118] : memref<32x10240xf32, #tpu.memory_space<hbm>> -> memref<1x10240xf32, #tpu.memory_space<hbm>>
      %dma_wait3A_120 = tpu.memref_squeeze %dma_wait3A_119 : memref<1x10240xf32, #tpu.memory_space<hbm>> -> memref<10240xf32, #tpu.memory_space<hbm>>
      %dma_wait3A_121 = arith.constant 0 : i32
      %dma_wait3A_122 = tpu.memref_slice %arg8[%add3A, %dma_wait3A_121] : memref<32x10240xf32, #tpu.memory_space<hbm>> -> memref<1x10240xf32, #tpu.memory_space<hbm>>
      %dma_wait3A_123 = tpu.memref_squeeze %dma_wait3A_122 : memref<1x10240xf32, #tpu.memory_space<hbm>> -> memref<10240xf32, #tpu.memory_space<hbm>>
      tpu.wait_dma2 semaphore(%run_scoped3A_111 : memref<!tpu.dma_semaphore, #tpu.memory_space<semaphore_mem>>) src(%arg12 : memref<10240xf32, #tpu.memory_space<vmem>>) dst(%dma_wait3A_123 : memref<10240xf32, #tpu.memory_space<hbm>>)
      tpu.yield
    }) : () -> ()
    %barrier3A_106 = arith.constant 0 : index
    tpu.barrier barrier_id(%barrier3A_106)
    %mul3A_107 = arith.constant 640 : i32
    %mul3A_108 = arith.muli %arg1, %mul3A_107 : i32
    %mul3A_109 = arith.constant 640 : i32
    %mul3A_110 = arith.muli %arg1, %mul3A_109 : i32
    "tpu.region"() ({
      %run_scoped3A_111 = tpu.sem_alloc : memref<!tpu.dma_semaphore, #tpu.memory_space<semaphore_mem>>
      %dma_start3A_112 = arith.constant 0 : i32
      %dma_start3A_113 = tpu.memref_slice %arg7[%arg0, %mul3A_110, %dma_start3A_112] : memref<2x10240x128xf32, #tpu.memory_space<hbm>> -> memref<1x640x128xf32, #tpu.memory_space<hbm>>
      %dma_start3A_114 = tpu.memref_squeeze %dma_start3A_113 : memref<1x640x128xf32, #tpu.memory_space<hbm>> -> memref<640x128xf32, #tpu.memory_space<hbm>>
      %dma_start3A_115 = arith.constant 0 : i32
      %dma_start3A_116 = tpu.memref_slice %arg13[%mul3A_108, %dma_start3A_115] : memref<10240x128xf32, #tpu.memory_space<vmem_shared>> -> memref<640x128xf32, #tpu.memory_space<vmem_shared>>
      tpu.enqueue_dma source(%dma_start3A_116 : memref<640x128xf32, #tpu.memory_space<vmem_shared>>) target(%dma_start3A_114 : memref<640x128xf32, #tpu.memory_space<hbm>>) target_semaphore(%run_scoped3A_111 : memref<!tpu.dma_semaphore, #tpu.memory_space<semaphore_mem>>)
      %dma_wait3A_117 = arith.constant 0 : i32
      %dma_wait3A_118 = tpu.memref_slice %arg7[%arg0, %mul3A_110, %dma_wait3A_117] : memref<2x10240x128xf32, #tpu.memory_space<hbm>> -> memref<1x640x128xf32, #tpu.memory_space<hbm>>
      %dma_wait3A_119 = tpu.memref_squeeze %dma_wait3A_118 : memref<1x640x128xf32, #tpu.memory_space<hbm>> -> memref<640x128xf32, #tpu.memory_space<hbm>>
      %dma_wait3A_120 = arith.constant 0 : i32
      %dma_wait3A_121 = tpu.memref_slice %arg13[%mul3A_108, %dma_wait3A_120] : memref<10240x128xf32, #tpu.memory_space<vmem_shared>> -> memref<640x128xf32, #tpu.memory_space<vmem_shared>>
      tpu.wait_dma2 semaphore(%run_scoped3A_111 : memref<!tpu.dma_semaphore, #tpu.memory_space<semaphore_mem>>) src(%dma_wait3A_121 : memref<640x128xf32, #tpu.memory_space<vmem_shared>>) dst(%dma_wait3A_119 : memref<640x128xf32, #tpu.memory_space<hbm>>)
      tpu.yield
    }) : () -> ()
    return
  }
}

#map = affine_map<(d0, d1) -> (0, 0)>
#map1 = affine_map<(d0, d1) -> (0, 0, 0)>
#map2 = affine_map<(d0, d1) -> (0)>
module attributes {stable_mosaic.version = 14 : i64} {
  func.func @sc_agg(%arg0: i32, %arg1: i32, %arg2: memref<10000x128xf32, #tpu.memory_space<hbm>>, %arg3: memref<32x125x80xi32, #tpu.memory_space<hbm>>, %arg4: memref<32x125x80xi32, #tpu.memory_space<hbm>>, %arg5: memref<640x128xf32, #tpu.memory_space<hbm>>, %arg6: memref<10240xf32, #tpu.memory_space<hbm>>, %arg7: memref<2x10240x128xf32, #tpu.memory_space<hbm>>, %arg8: memref<5x80xi32, #tpu.memory_space<vmem>>, %arg9: memref<5x80xi32, #tpu.memory_space<vmem>>, %arg10: memref<4x80x128xf32, #tpu.memory_space<vmem>>, %arg11: memref<10240x128xf32, #tpu.memory_space<vmem_shared>>, %arg12: memref<!tpu.dma_semaphore, #tpu.memory_space<semaphore_mem>>, %arg13: memref<!tpu.dma_semaphore, #tpu.memory_space<semaphore_mem>>, %arg14: memref<!tpu.dma_semaphore, #tpu.memory_space<semaphore_mem>>, %arg15: memref<!tpu.dma_semaphore, #tpu.memory_space<semaphore_mem>>, %arg16: memref<!tpu.dma_semaphore, #tpu.memory_space<semaphore_mem>>, %arg17: memref<!tpu.dma_semaphore, #tpu.memory_space<semaphore_mem>>) attributes {dimension_semantics = [#tpu.dimension_semantics<core_parallel>, #tpu.dimension_semantics<subcore_parallel>], iteration_bounds = array<i64: 2, 16>, scalar_prefetch = 0 : i64, scratch_operands = 10 : i64, tpu.core_type = #tpu.core_type<sc_vector_subcore>, window_params = [{transform_indices = #map}, {transform_indices = #map1}, {transform_indices = #map1}, {transform_indices = #map}, {transform_indices = #map2}, {transform_indices = #map1}]} {
    %mul3A = arith.constant 16 : i32
    %mul3A_0 = arith.muli %arg0, %mul3A : i32
    %add3A = arith.addi %mul3A_0, %arg1 : i32
    %mul3A_1 = arith.constant 640 : i32
    %mul3A_2 = arith.muli %arg1, %mul3A_1 : i32
    %dma_start3A = arith.constant 0 : i32
    %dma_start3A_3 = tpu.memref_slice %arg11[%mul3A_2, %dma_start3A] : memref<10240x128xf32, #tpu.memory_space<vmem_shared>> -> memref<640x128xf32, #tpu.memory_space<vmem_shared>>
    tpu.enqueue_dma source(%arg5 : memref<640x128xf32, #tpu.memory_space<hbm>>) target(%dma_start3A_3 : memref<640x128xf32, #tpu.memory_space<vmem_shared>>) target_semaphore(%arg17 : memref<!tpu.dma_semaphore, #tpu.memory_space<semaphore_mem>>)
    %broadcast_in_dim3A = arith.constant 1.000000e+00 : f32
    %broadcast_in_dim3A_4 = vector.broadcast %broadcast_in_dim3A : f32 to vector<16xf32>
    %run_scoped3A = arith.constant 0 : i32
    %run_scoped3A_5 = arith.constant 0 : i32
    "tpu.region"() ({
      %run_scoped3A_139 = tpu.sem_alloc : memref<!tpu.dma_semaphore, #tpu.memory_space<semaphore_mem>>
      %dma_start3A_140 = arith.constant 0 : i32
      %dma_start3A_141 = tpu.memref_slice %arg8[%run_scoped3A_5, %dma_start3A_140] : memref<5x80xi32, #tpu.memory_space<vmem>> -> memref<1x80xi32, #tpu.memory_space<vmem>>
      %dma_start3A_142 = tpu.memref_squeeze %dma_start3A_141 : memref<1x80xi32, #tpu.memory_space<vmem>> -> memref<80xi32, #tpu.memory_space<vmem>>
      %dma_start3A_143 = arith.constant 0 : i32
      %dma_start3A_144 = tpu.memref_slice %arg3[%add3A, %run_scoped3A, %dma_start3A_143] : memref<32x125x80xi32, #tpu.memory_space<hbm>> -> memref<1x1x80xi32, #tpu.memory_space<hbm>>
      %dma_start3A_145 = tpu.memref_squeeze %dma_start3A_144 : memref<1x1x80xi32, #tpu.memory_space<hbm>> -> memref<80xi32, #tpu.memory_space<hbm>>
      %dma_start3A_146 = arith.constant 0 : i32
      %dma_start3A_147 = tpu.memref_slice %arg8[%run_scoped3A_5, %dma_start3A_146] : memref<5x80xi32, #tpu.memory_space<vmem>> -> memref<1x80xi32, #tpu.memory_space<vmem>>
      %dma_start3A_148 = tpu.memref_squeeze %dma_start3A_147 : memref<1x80xi32, #tpu.memory_space<vmem>> -> memref<80xi32, #tpu.memory_space<vmem>>
      %dma_start3A_149 = arith.constant 0 : i32
      %dma_start3A_150 = tpu.memref_slice %arg3[%add3A, %run_scoped3A, %dma_start3A_149] : memref<32x125x80xi32, #tpu.memory_space<hbm>> -> memref<1x1x80xi32, #tpu.memory_space<hbm>>
      %dma_start3A_151 = tpu.memref_squeeze %dma_start3A_150 : memref<1x1x80xi32, #tpu.memory_space<hbm>> -> memref<80xi32, #tpu.memory_space<hbm>>
      tpu.enqueue_dma source(%dma_start3A_151 : memref<80xi32, #tpu.memory_space<hbm>>) target(%dma_start3A_148 : memref<80xi32, #tpu.memory_space<vmem>>) target_semaphore(%run_scoped3A_139 : memref<!tpu.dma_semaphore, #tpu.memory_space<semaphore_mem>>)
      %dma_wait3A_152 = arith.constant 0 : i32
      %dma_wait3A_153 = tpu.memref_slice %arg8[%run_scoped3A_5, %dma_wait3A_152] : memref<5x80xi32, #tpu.memory_space<vmem>> -> memref<1x80xi32, #tpu.memory_space<vmem>>
      %dma_wait3A_154 = tpu.memref_squeeze %dma_wait3A_153 : memref<1x80xi32, #tpu.memory_space<vmem>> -> memref<80xi32, #tpu.memory_space<vmem>>
      %dma_wait3A_155 = arith.constant 0 : i32
      %dma_wait3A_156 = tpu.memref_slice %arg3[%add3A, %run_scoped3A, %dma_wait3A_155] : memref<32x125x80xi32, #tpu.memory_space<hbm>> -> memref<1x1x80xi32, #tpu.memory_space<hbm>>
      %dma_wait3A_157 = tpu.memref_squeeze %dma_wait3A_156 : memref<1x1x80xi32, #tpu.memory_space<hbm>> -> memref<80xi32, #tpu.memory_space<hbm>>
      %dma_wait3A_158 = arith.constant 0 : i32
      %dma_wait3A_159 = tpu.memref_slice %arg8[%run_scoped3A_5, %dma_wait3A_158] : memref<5x80xi32, #tpu.memory_space<vmem>> -> memref<1x80xi32, #tpu.memory_space<vmem>>
      %dma_wait3A_160 = tpu.memref_squeeze %dma_wait3A_159 : memref<1x80xi32, #tpu.memory_space<vmem>> -> memref<80xi32, #tpu.memory_space<vmem>>
      %dma_wait3A_161 = arith.constant 0 : i32
      %dma_wait3A_162 = tpu.memref_slice %arg3[%add3A, %run_scoped3A, %dma_wait3A_161] : memref<32x125x80xi32, #tpu.memory_space<hbm>> -> memref<1x1x80xi32, #tpu.memory_space<hbm>>
      %dma_wait3A_163 = tpu.memref_squeeze %dma_wait3A_162 : memref<1x1x80xi32, #tpu.memory_space<hbm>> -> memref<80xi32, #tpu.memory_space<hbm>>
      tpu.wait_dma2 semaphore(%run_scoped3A_139 : memref<!tpu.dma_semaphore, #tpu.memory_space<semaphore_mem>>) src(%dma_wait3A_163 : memref<80xi32, #tpu.memory_space<hbm>>) dst(%dma_wait3A_160 : memref<80xi32, #tpu.memory_space<vmem>>)
      tpu.yield
    }) : () -> ()
    %run_scoped3A_6 = arith.constant 0 : i32
    %run_scoped3A_7 = arith.constant 0 : i32
    "tpu.region"() ({
      %run_scoped3A_139 = tpu.sem_alloc : memref<!tpu.dma_semaphore, #tpu.memory_space<semaphore_mem>>
      %dma_start3A_140 = arith.constant 0 : i32
      %dma_start3A_141 = tpu.memref_slice %arg9[%run_scoped3A_7, %dma_start3A_140] : memref<5x80xi32, #tpu.memory_space<vmem>> -> memref<1x80xi32, #tpu.memory_space<vmem>>
      %dma_start3A_142 = tpu.memref_squeeze %dma_start3A_141 : memref<1x80xi32, #tpu.memory_space<vmem>> -> memref<80xi32, #tpu.memory_space<vmem>>
      %dma_start3A_143 = arith.constant 0 : i32
      %dma_start3A_144 = tpu.memref_slice %arg4[%add3A, %run_scoped3A_6, %dma_start3A_143] : memref<32x125x80xi32, #tpu.memory_space<hbm>> -> memref<1x1x80xi32, #tpu.memory_space<hbm>>
      %dma_start3A_145 = tpu.memref_squeeze %dma_start3A_144 : memref<1x1x80xi32, #tpu.memory_space<hbm>> -> memref<80xi32, #tpu.memory_space<hbm>>
      %dma_start3A_146 = arith.constant 0 : i32
      %dma_start3A_147 = tpu.memref_slice %arg9[%run_scoped3A_7, %dma_start3A_146] : memref<5x80xi32, #tpu.memory_space<vmem>> -> memref<1x80xi32, #tpu.memory_space<vmem>>
      %dma_start3A_148 = tpu.memref_squeeze %dma_start3A_147 : memref<1x80xi32, #tpu.memory_space<vmem>> -> memref<80xi32, #tpu.memory_space<vmem>>
      %dma_start3A_149 = arith.constant 0 : i32
      %dma_start3A_150 = tpu.memref_slice %arg4[%add3A, %run_scoped3A_6, %dma_start3A_149] : memref<32x125x80xi32, #tpu.memory_space<hbm>> -> memref<1x1x80xi32, #tpu.memory_space<hbm>>
      %dma_start3A_151 = tpu.memref_squeeze %dma_start3A_150 : memref<1x1x80xi32, #tpu.memory_space<hbm>> -> memref<80xi32, #tpu.memory_space<hbm>>
      tpu.enqueue_dma source(%dma_start3A_151 : memref<80xi32, #tpu.memory_space<hbm>>) target(%dma_start3A_148 : memref<80xi32, #tpu.memory_space<vmem>>) target_semaphore(%run_scoped3A_139 : memref<!tpu.dma_semaphore, #tpu.memory_space<semaphore_mem>>)
      %dma_wait3A_152 = arith.constant 0 : i32
      %dma_wait3A_153 = tpu.memref_slice %arg9[%run_scoped3A_7, %dma_wait3A_152] : memref<5x80xi32, #tpu.memory_space<vmem>> -> memref<1x80xi32, #tpu.memory_space<vmem>>
      %dma_wait3A_154 = tpu.memref_squeeze %dma_wait3A_153 : memref<1x80xi32, #tpu.memory_space<vmem>> -> memref<80xi32, #tpu.memory_space<vmem>>
      %dma_wait3A_155 = arith.constant 0 : i32
      %dma_wait3A_156 = tpu.memref_slice %arg4[%add3A, %run_scoped3A_6, %dma_wait3A_155] : memref<32x125x80xi32, #tpu.memory_space<hbm>> -> memref<1x1x80xi32, #tpu.memory_space<hbm>>
      %dma_wait3A_157 = tpu.memref_squeeze %dma_wait3A_156 : memref<1x1x80xi32, #tpu.memory_space<hbm>> -> memref<80xi32, #tpu.memory_space<hbm>>
      %dma_wait3A_158 = arith.constant 0 : i32
      %dma_wait3A_159 = tpu.memref_slice %arg9[%run_scoped3A_7, %dma_wait3A_158] : memref<5x80xi32, #tpu.memory_space<vmem>> -> memref<1x80xi32, #tpu.memory_space<vmem>>
      %dma_wait3A_160 = tpu.memref_squeeze %dma_wait3A_159 : memref<1x80xi32, #tpu.memory_space<vmem>> -> memref<80xi32, #tpu.memory_space<vmem>>
      %dma_wait3A_161 = arith.constant 0 : i32
      %dma_wait3A_162 = tpu.memref_slice %arg4[%add3A, %run_scoped3A_6, %dma_wait3A_161] : memref<32x125x80xi32, #tpu.memory_space<hbm>> -> memref<1x1x80xi32, #tpu.memory_space<hbm>>
      %dma_wait3A_163 = tpu.memref_squeeze %dma_wait3A_162 : memref<1x1x80xi32, #tpu.memory_space<hbm>> -> memref<80xi32, #tpu.memory_space<hbm>>
      tpu.wait_dma2 semaphore(%run_scoped3A_139 : memref<!tpu.dma_semaphore, #tpu.memory_space<semaphore_mem>>) src(%dma_wait3A_163 : memref<80xi32, #tpu.memory_space<hbm>>) dst(%dma_wait3A_160 : memref<80xi32, #tpu.memory_space<vmem>>)
      tpu.yield
    }) : () -> ()
    %run_scoped3A_8 = arith.constant 1 : i32
    %run_scoped3A_9 = arith.constant 1 : i32
    "tpu.region"() ({
      %run_scoped3A_139 = tpu.sem_alloc : memref<!tpu.dma_semaphore, #tpu.memory_space<semaphore_mem>>
      %dma_start3A_140 = arith.constant 0 : i32
      %dma_start3A_141 = tpu.memref_slice %arg8[%run_scoped3A_9, %dma_start3A_140] : memref<5x80xi32, #tpu.memory_space<vmem>> -> memref<1x80xi32, #tpu.memory_space<vmem>>
      %dma_start3A_142 = tpu.memref_squeeze %dma_start3A_141 : memref<1x80xi32, #tpu.memory_space<vmem>> -> memref<80xi32, #tpu.memory_space<vmem>>
      %dma_start3A_143 = arith.constant 0 : i32
      %dma_start3A_144 = tpu.memref_slice %arg3[%add3A, %run_scoped3A_8, %dma_start3A_143] : memref<32x125x80xi32, #tpu.memory_space<hbm>> -> memref<1x1x80xi32, #tpu.memory_space<hbm>>
      %dma_start3A_145 = tpu.memref_squeeze %dma_start3A_144 : memref<1x1x80xi32, #tpu.memory_space<hbm>> -> memref<80xi32, #tpu.memory_space<hbm>>
      %dma_start3A_146 = arith.constant 0 : i32
      %dma_start3A_147 = tpu.memref_slice %arg8[%run_scoped3A_9, %dma_start3A_146] : memref<5x80xi32, #tpu.memory_space<vmem>> -> memref<1x80xi32, #tpu.memory_space<vmem>>
      %dma_start3A_148 = tpu.memref_squeeze %dma_start3A_147 : memref<1x80xi32, #tpu.memory_space<vmem>> -> memref<80xi32, #tpu.memory_space<vmem>>
      %dma_start3A_149 = arith.constant 0 : i32
      %dma_start3A_150 = tpu.memref_slice %arg3[%add3A, %run_scoped3A_8, %dma_start3A_149] : memref<32x125x80xi32, #tpu.memory_space<hbm>> -> memref<1x1x80xi32, #tpu.memory_space<hbm>>
      %dma_start3A_151 = tpu.memref_squeeze %dma_start3A_150 : memref<1x1x80xi32, #tpu.memory_space<hbm>> -> memref<80xi32, #tpu.memory_space<hbm>>
      tpu.enqueue_dma source(%dma_start3A_151 : memref<80xi32, #tpu.memory_space<hbm>>) target(%dma_start3A_148 : memref<80xi32, #tpu.memory_space<vmem>>) target_semaphore(%run_scoped3A_139 : memref<!tpu.dma_semaphore, #tpu.memory_space<semaphore_mem>>)
      %dma_wait3A_152 = arith.constant 0 : i32
      %dma_wait3A_153 = tpu.memref_slice %arg8[%run_scoped3A_9, %dma_wait3A_152] : memref<5x80xi32, #tpu.memory_space<vmem>> -> memref<1x80xi32, #tpu.memory_space<vmem>>
      %dma_wait3A_154 = tpu.memref_squeeze %dma_wait3A_153 : memref<1x80xi32, #tpu.memory_space<vmem>> -> memref<80xi32, #tpu.memory_space<vmem>>
      %dma_wait3A_155 = arith.constant 0 : i32
      %dma_wait3A_156 = tpu.memref_slice %arg3[%add3A, %run_scoped3A_8, %dma_wait3A_155] : memref<32x125x80xi32, #tpu.memory_space<hbm>> -> memref<1x1x80xi32, #tpu.memory_space<hbm>>
      %dma_wait3A_157 = tpu.memref_squeeze %dma_wait3A_156 : memref<1x1x80xi32, #tpu.memory_space<hbm>> -> memref<80xi32, #tpu.memory_space<hbm>>
      %dma_wait3A_158 = arith.constant 0 : i32
      %dma_wait3A_159 = tpu.memref_slice %arg8[%run_scoped3A_9, %dma_wait3A_158] : memref<5x80xi32, #tpu.memory_space<vmem>> -> memref<1x80xi32, #tpu.memory_space<vmem>>
      %dma_wait3A_160 = tpu.memref_squeeze %dma_wait3A_159 : memref<1x80xi32, #tpu.memory_space<vmem>> -> memref<80xi32, #tpu.memory_space<vmem>>
      %dma_wait3A_161 = arith.constant 0 : i32
      %dma_wait3A_162 = tpu.memref_slice %arg3[%add3A, %run_scoped3A_8, %dma_wait3A_161] : memref<32x125x80xi32, #tpu.memory_space<hbm>> -> memref<1x1x80xi32, #tpu.memory_space<hbm>>
      %dma_wait3A_163 = tpu.memref_squeeze %dma_wait3A_162 : memref<1x1x80xi32, #tpu.memory_space<hbm>> -> memref<80xi32, #tpu.memory_space<hbm>>
      tpu.wait_dma2 semaphore(%run_scoped3A_139 : memref<!tpu.dma_semaphore, #tpu.memory_space<semaphore_mem>>) src(%dma_wait3A_163 : memref<80xi32, #tpu.memory_space<hbm>>) dst(%dma_wait3A_160 : memref<80xi32, #tpu.memory_space<vmem>>)
      tpu.yield
    }) : () -> ()
    %run_scoped3A_10 = arith.constant 1 : i32
    %run_scoped3A_11 = arith.constant 1 : i32
    "tpu.region"() ({
      %run_scoped3A_139 = tpu.sem_alloc : memref<!tpu.dma_semaphore, #tpu.memory_space<semaphore_mem>>
      %dma_start3A_140 = arith.constant 0 : i32
      %dma_start3A_141 = tpu.memref_slice %arg9[%run_scoped3A_11, %dma_start3A_140] : memref<5x80xi32, #tpu.memory_space<vmem>> -> memref<1x80xi32, #tpu.memory_space<vmem>>
      %dma_start3A_142 = tpu.memref_squeeze %dma_start3A_141 : memref<1x80xi32, #tpu.memory_space<vmem>> -> memref<80xi32, #tpu.memory_space<vmem>>
      %dma_start3A_143 = arith.constant 0 : i32
      %dma_start3A_144 = tpu.memref_slice %arg4[%add3A, %run_scoped3A_10, %dma_start3A_143] : memref<32x125x80xi32, #tpu.memory_space<hbm>> -> memref<1x1x80xi32, #tpu.memory_space<hbm>>
      %dma_start3A_145 = tpu.memref_squeeze %dma_start3A_144 : memref<1x1x80xi32, #tpu.memory_space<hbm>> -> memref<80xi32, #tpu.memory_space<hbm>>
      %dma_start3A_146 = arith.constant 0 : i32
      %dma_start3A_147 = tpu.memref_slice %arg9[%run_scoped3A_11, %dma_start3A_146] : memref<5x80xi32, #tpu.memory_space<vmem>> -> memref<1x80xi32, #tpu.memory_space<vmem>>
      %dma_start3A_148 = tpu.memref_squeeze %dma_start3A_147 : memref<1x80xi32, #tpu.memory_space<vmem>> -> memref<80xi32, #tpu.memory_space<vmem>>
      %dma_start3A_149 = arith.constant 0 : i32
      %dma_start3A_150 = tpu.memref_slice %arg4[%add3A, %run_scoped3A_10, %dma_start3A_149] : memref<32x125x80xi32, #tpu.memory_space<hbm>> -> memref<1x1x80xi32, #tpu.memory_space<hbm>>
      %dma_start3A_151 = tpu.memref_squeeze %dma_start3A_150 : memref<1x1x80xi32, #tpu.memory_space<hbm>> -> memref<80xi32, #tpu.memory_space<hbm>>
      tpu.enqueue_dma source(%dma_start3A_151 : memref<80xi32, #tpu.memory_space<hbm>>) target(%dma_start3A_148 : memref<80xi32, #tpu.memory_space<vmem>>) target_semaphore(%run_scoped3A_139 : memref<!tpu.dma_semaphore, #tpu.memory_space<semaphore_mem>>)
      %dma_wait3A_152 = arith.constant 0 : i32
      %dma_wait3A_153 = tpu.memref_slice %arg9[%run_scoped3A_11, %dma_wait3A_152] : memref<5x80xi32, #tpu.memory_space<vmem>> -> memref<1x80xi32, #tpu.memory_space<vmem>>
      %dma_wait3A_154 = tpu.memref_squeeze %dma_wait3A_153 : memref<1x80xi32, #tpu.memory_space<vmem>> -> memref<80xi32, #tpu.memory_space<vmem>>
      %dma_wait3A_155 = arith.constant 0 : i32
      %dma_wait3A_156 = tpu.memref_slice %arg4[%add3A, %run_scoped3A_10, %dma_wait3A_155] : memref<32x125x80xi32, #tpu.memory_space<hbm>> -> memref<1x1x80xi32, #tpu.memory_space<hbm>>
      %dma_wait3A_157 = tpu.memref_squeeze %dma_wait3A_156 : memref<1x1x80xi32, #tpu.memory_space<hbm>> -> memref<80xi32, #tpu.memory_space<hbm>>
      %dma_wait3A_158 = arith.constant 0 : i32
      %dma_wait3A_159 = tpu.memref_slice %arg9[%run_scoped3A_11, %dma_wait3A_158] : memref<5x80xi32, #tpu.memory_space<vmem>> -> memref<1x80xi32, #tpu.memory_space<vmem>>
      %dma_wait3A_160 = tpu.memref_squeeze %dma_wait3A_159 : memref<1x80xi32, #tpu.memory_space<vmem>> -> memref<80xi32, #tpu.memory_space<vmem>>
      %dma_wait3A_161 = arith.constant 0 : i32
      %dma_wait3A_162 = tpu.memref_slice %arg4[%add3A, %run_scoped3A_10, %dma_wait3A_161] : memref<32x125x80xi32, #tpu.memory_space<hbm>> -> memref<1x1x80xi32, #tpu.memory_space<hbm>>
      %dma_wait3A_163 = tpu.memref_squeeze %dma_wait3A_162 : memref<1x1x80xi32, #tpu.memory_space<hbm>> -> memref<80xi32, #tpu.memory_space<hbm>>
      tpu.wait_dma2 semaphore(%run_scoped3A_139 : memref<!tpu.dma_semaphore, #tpu.memory_space<semaphore_mem>>) src(%dma_wait3A_163 : memref<80xi32, #tpu.memory_space<hbm>>) dst(%dma_wait3A_160 : memref<80xi32, #tpu.memory_space<vmem>>)
      tpu.yield
    }) : () -> ()
    %run_scoped3A_12 = arith.constant 2 : i32
    %run_scoped3A_13 = arith.constant 2 : i32
    "tpu.region"() ({
      %run_scoped3A_139 = tpu.sem_alloc : memref<!tpu.dma_semaphore, #tpu.memory_space<semaphore_mem>>
      %dma_start3A_140 = arith.constant 0 : i32
      %dma_start3A_141 = tpu.memref_slice %arg8[%run_scoped3A_13, %dma_start3A_140] : memref<5x80xi32, #tpu.memory_space<vmem>> -> memref<1x80xi32, #tpu.memory_space<vmem>>
      %dma_start3A_142 = tpu.memref_squeeze %dma_start3A_141 : memref<1x80xi32, #tpu.memory_space<vmem>> -> memref<80xi32, #tpu.memory_space<vmem>>
      %dma_start3A_143 = arith.constant 0 : i32
      %dma_start3A_144 = tpu.memref_slice %arg3[%add3A, %run_scoped3A_12, %dma_start3A_143] : memref<32x125x80xi32, #tpu.memory_space<hbm>> -> memref<1x1x80xi32, #tpu.memory_space<hbm>>
      %dma_start3A_145 = tpu.memref_squeeze %dma_start3A_144 : memref<1x1x80xi32, #tpu.memory_space<hbm>> -> memref<80xi32, #tpu.memory_space<hbm>>
      %dma_start3A_146 = arith.constant 0 : i32
      %dma_start3A_147 = tpu.memref_slice %arg8[%run_scoped3A_13, %dma_start3A_146] : memref<5x80xi32, #tpu.memory_space<vmem>> -> memref<1x80xi32, #tpu.memory_space<vmem>>
      %dma_start3A_148 = tpu.memref_squeeze %dma_start3A_147 : memref<1x80xi32, #tpu.memory_space<vmem>> -> memref<80xi32, #tpu.memory_space<vmem>>
      %dma_start3A_149 = arith.constant 0 : i32
      %dma_start3A_150 = tpu.memref_slice %arg3[%add3A, %run_scoped3A_12, %dma_start3A_149] : memref<32x125x80xi32, #tpu.memory_space<hbm>> -> memref<1x1x80xi32, #tpu.memory_space<hbm>>
      %dma_start3A_151 = tpu.memref_squeeze %dma_start3A_150 : memref<1x1x80xi32, #tpu.memory_space<hbm>> -> memref<80xi32, #tpu.memory_space<hbm>>
      tpu.enqueue_dma source(%dma_start3A_151 : memref<80xi32, #tpu.memory_space<hbm>>) target(%dma_start3A_148 : memref<80xi32, #tpu.memory_space<vmem>>) target_semaphore(%run_scoped3A_139 : memref<!tpu.dma_semaphore, #tpu.memory_space<semaphore_mem>>)
      %dma_wait3A_152 = arith.constant 0 : i32
      %dma_wait3A_153 = tpu.memref_slice %arg8[%run_scoped3A_13, %dma_wait3A_152] : memref<5x80xi32, #tpu.memory_space<vmem>> -> memref<1x80xi32, #tpu.memory_space<vmem>>
      %dma_wait3A_154 = tpu.memref_squeeze %dma_wait3A_153 : memref<1x80xi32, #tpu.memory_space<vmem>> -> memref<80xi32, #tpu.memory_space<vmem>>
      %dma_wait3A_155 = arith.constant 0 : i32
      %dma_wait3A_156 = tpu.memref_slice %arg3[%add3A, %run_scoped3A_12, %dma_wait3A_155] : memref<32x125x80xi32, #tpu.memory_space<hbm>> -> memref<1x1x80xi32, #tpu.memory_space<hbm>>
      %dma_wait3A_157 = tpu.memref_squeeze %dma_wait3A_156 : memref<1x1x80xi32, #tpu.memory_space<hbm>> -> memref<80xi32, #tpu.memory_space<hbm>>
      %dma_wait3A_158 = arith.constant 0 : i32
      %dma_wait3A_159 = tpu.memref_slice %arg8[%run_scoped3A_13, %dma_wait3A_158] : memref<5x80xi32, #tpu.memory_space<vmem>> -> memref<1x80xi32, #tpu.memory_space<vmem>>
      %dma_wait3A_160 = tpu.memref_squeeze %dma_wait3A_159 : memref<1x80xi32, #tpu.memory_space<vmem>> -> memref<80xi32, #tpu.memory_space<vmem>>
      %dma_wait3A_161 = arith.constant 0 : i32
      %dma_wait3A_162 = tpu.memref_slice %arg3[%add3A, %run_scoped3A_12, %dma_wait3A_161] : memref<32x125x80xi32, #tpu.memory_space<hbm>> -> memref<1x1x80xi32, #tpu.memory_space<hbm>>
      %dma_wait3A_163 = tpu.memref_squeeze %dma_wait3A_162 : memref<1x1x80xi32, #tpu.memory_space<hbm>> -> memref<80xi32, #tpu.memory_space<hbm>>
      tpu.wait_dma2 semaphore(%run_scoped3A_139 : memref<!tpu.dma_semaphore, #tpu.memory_space<semaphore_mem>>) src(%dma_wait3A_163 : memref<80xi32, #tpu.memory_space<hbm>>) dst(%dma_wait3A_160 : memref<80xi32, #tpu.memory_space<vmem>>)
      tpu.yield
    }) : () -> ()
    %run_scoped3A_14 = arith.constant 2 : i32
    %run_scoped3A_15 = arith.constant 2 : i32
    "tpu.region"() ({
      %run_scoped3A_139 = tpu.sem_alloc : memref<!tpu.dma_semaphore, #tpu.memory_space<semaphore_mem>>
      %dma_start3A_140 = arith.constant 0 : i32
      %dma_start3A_141 = tpu.memref_slice %arg9[%run_scoped3A_15, %dma_start3A_140] : memref<5x80xi32, #tpu.memory_space<vmem>> -> memref<1x80xi32, #tpu.memory_space<vmem>>
      %dma_start3A_142 = tpu.memref_squeeze %dma_start3A_141 : memref<1x80xi32, #tpu.memory_space<vmem>> -> memref<80xi32, #tpu.memory_space<vmem>>
      %dma_start3A_143 = arith.constant 0 : i32
      %dma_start3A_144 = tpu.memref_slice %arg4[%add3A, %run_scoped3A_14, %dma_start3A_143] : memref<32x125x80xi32, #tpu.memory_space<hbm>> -> memref<1x1x80xi32, #tpu.memory_space<hbm>>
      %dma_start3A_145 = tpu.memref_squeeze %dma_start3A_144 : memref<1x1x80xi32, #tpu.memory_space<hbm>> -> memref<80xi32, #tpu.memory_space<hbm>>
      %dma_start3A_146 = arith.constant 0 : i32
      %dma_start3A_147 = tpu.memref_slice %arg9[%run_scoped3A_15, %dma_start3A_146] : memref<5x80xi32, #tpu.memory_space<vmem>> -> memref<1x80xi32, #tpu.memory_space<vmem>>
      %dma_start3A_148 = tpu.memref_squeeze %dma_start3A_147 : memref<1x80xi32, #tpu.memory_space<vmem>> -> memref<80xi32, #tpu.memory_space<vmem>>
      %dma_start3A_149 = arith.constant 0 : i32
      %dma_start3A_150 = tpu.memref_slice %arg4[%add3A, %run_scoped3A_14, %dma_start3A_149] : memref<32x125x80xi32, #tpu.memory_space<hbm>> -> memref<1x1x80xi32, #tpu.memory_space<hbm>>
      %dma_start3A_151 = tpu.memref_squeeze %dma_start3A_150 : memref<1x1x80xi32, #tpu.memory_space<hbm>> -> memref<80xi32, #tpu.memory_space<hbm>>
      tpu.enqueue_dma source(%dma_start3A_151 : memref<80xi32, #tpu.memory_space<hbm>>) target(%dma_start3A_148 : memref<80xi32, #tpu.memory_space<vmem>>) target_semaphore(%run_scoped3A_139 : memref<!tpu.dma_semaphore, #tpu.memory_space<semaphore_mem>>)
      %dma_wait3A_152 = arith.constant 0 : i32
      %dma_wait3A_153 = tpu.memref_slice %arg9[%run_scoped3A_15, %dma_wait3A_152] : memref<5x80xi32, #tpu.memory_space<vmem>> -> memref<1x80xi32, #tpu.memory_space<vmem>>
      %dma_wait3A_154 = tpu.memref_squeeze %dma_wait3A_153 : memref<1x80xi32, #tpu.memory_space<vmem>> -> memref<80xi32, #tpu.memory_space<vmem>>
      %dma_wait3A_155 = arith.constant 0 : i32
      %dma_wait3A_156 = tpu.memref_slice %arg4[%add3A, %run_scoped3A_14, %dma_wait3A_155] : memref<32x125x80xi32, #tpu.memory_space<hbm>> -> memref<1x1x80xi32, #tpu.memory_space<hbm>>
      %dma_wait3A_157 = tpu.memref_squeeze %dma_wait3A_156 : memref<1x1x80xi32, #tpu.memory_space<hbm>> -> memref<80xi32, #tpu.memory_space<hbm>>
      %dma_wait3A_158 = arith.constant 0 : i32
      %dma_wait3A_159 = tpu.memref_slice %arg9[%run_scoped3A_15, %dma_wait3A_158] : memref<5x80xi32, #tpu.memory_space<vmem>> -> memref<1x80xi32, #tpu.memory_space<vmem>>
      %dma_wait3A_160 = tpu.memref_squeeze %dma_wait3A_159 : memref<1x80xi32, #tpu.memory_space<vmem>> -> memref<80xi32, #tpu.memory_space<vmem>>
      %dma_wait3A_161 = arith.constant 0 : i32
      %dma_wait3A_162 = tpu.memref_slice %arg4[%add3A, %run_scoped3A_14, %dma_wait3A_161] : memref<32x125x80xi32, #tpu.memory_space<hbm>> -> memref<1x1x80xi32, #tpu.memory_space<hbm>>
      %dma_wait3A_163 = tpu.memref_squeeze %dma_wait3A_162 : memref<1x1x80xi32, #tpu.memory_space<hbm>> -> memref<80xi32, #tpu.memory_space<hbm>>
      tpu.wait_dma2 semaphore(%run_scoped3A_139 : memref<!tpu.dma_semaphore, #tpu.memory_space<semaphore_mem>>) src(%dma_wait3A_163 : memref<80xi32, #tpu.memory_space<hbm>>) dst(%dma_wait3A_160 : memref<80xi32, #tpu.memory_space<vmem>>)
      tpu.yield
    }) : () -> ()
    %dma_start3A_16 = arith.constant 3 : i32
    %dma_start3A_17 = arith.constant 3 : i32
    %dma_start3A_18 = arith.constant 0 : i32
    %dma_start3A_19 = tpu.memref_slice %arg8[%dma_start3A_17, %dma_start3A_18] : memref<5x80xi32, #tpu.memory_space<vmem>> -> memref<1x80xi32, #tpu.memory_space<vmem>>
    %dma_start3A_20 = tpu.memref_squeeze %dma_start3A_19 : memref<1x80xi32, #tpu.memory_space<vmem>> -> memref<80xi32, #tpu.memory_space<vmem>>
    %dma_start3A_21 = arith.constant 0 : i32
    %dma_start3A_22 = tpu.memref_slice %arg3[%add3A, %dma_start3A_16, %dma_start3A_21] : memref<32x125x80xi32, #tpu.memory_space<hbm>> -> memref<1x1x80xi32, #tpu.memory_space<hbm>>
    %dma_start3A_23 = tpu.memref_squeeze %dma_start3A_22 : memref<1x1x80xi32, #tpu.memory_space<hbm>> -> memref<80xi32, #tpu.memory_space<hbm>>
    %dma_start3A_24 = arith.constant 0 : i32
    %dma_start3A_25 = tpu.memref_slice %arg8[%dma_start3A_17, %dma_start3A_24] : memref<5x80xi32, #tpu.memory_space<vmem>> -> memref<1x80xi32, #tpu.memory_space<vmem>>
    %dma_start3A_26 = tpu.memref_squeeze %dma_start3A_25 : memref<1x80xi32, #tpu.memory_space<vmem>> -> memref<80xi32, #tpu.memory_space<vmem>>
    %dma_start3A_27 = arith.constant 0 : i32
    %dma_start3A_28 = tpu.memref_slice %arg3[%add3A, %dma_start3A_16, %dma_start3A_27] : memref<32x125x80xi32, #tpu.memory_space<hbm>> -> memref<1x1x80xi32, #tpu.memory_space<hbm>>
    %dma_start3A_29 = tpu.memref_squeeze %dma_start3A_28 : memref<1x1x80xi32, #tpu.memory_space<hbm>> -> memref<80xi32, #tpu.memory_space<hbm>>
    tpu.enqueue_dma source(%dma_start3A_29 : memref<80xi32, #tpu.memory_space<hbm>>) target(%dma_start3A_26 : memref<80xi32, #tpu.memory_space<vmem>>) target_semaphore(%arg16 : memref<!tpu.dma_semaphore, #tpu.memory_space<semaphore_mem>>)
    %dma_start3A_30 = arith.constant 3 : i32
    %dma_start3A_31 = arith.constant 3 : i32
    %dma_start3A_32 = arith.constant 0 : i32
    %dma_start3A_33 = tpu.memref_slice %arg9[%dma_start3A_31, %dma_start3A_32] : memref<5x80xi32, #tpu.memory_space<vmem>> -> memref<1x80xi32, #tpu.memory_space<vmem>>
    %dma_start3A_34 = tpu.memref_squeeze %dma_start3A_33 : memref<1x80xi32, #tpu.memory_space<vmem>> -> memref<80xi32, #tpu.memory_space<vmem>>
    %dma_start3A_35 = arith.constant 0 : i32
    %dma_start3A_36 = tpu.memref_slice %arg4[%add3A, %dma_start3A_30, %dma_start3A_35] : memref<32x125x80xi32, #tpu.memory_space<hbm>> -> memref<1x1x80xi32, #tpu.memory_space<hbm>>
    %dma_start3A_37 = tpu.memref_squeeze %dma_start3A_36 : memref<1x1x80xi32, #tpu.memory_space<hbm>> -> memref<80xi32, #tpu.memory_space<hbm>>
    %dma_start3A_38 = arith.constant 0 : i32
    %dma_start3A_39 = tpu.memref_slice %arg9[%dma_start3A_31, %dma_start3A_38] : memref<5x80xi32, #tpu.memory_space<vmem>> -> memref<1x80xi32, #tpu.memory_space<vmem>>
    %dma_start3A_40 = tpu.memref_squeeze %dma_start3A_39 : memref<1x80xi32, #tpu.memory_space<vmem>> -> memref<80xi32, #tpu.memory_space<vmem>>
    %dma_start3A_41 = arith.constant 0 : i32
    %dma_start3A_42 = tpu.memref_slice %arg4[%add3A, %dma_start3A_30, %dma_start3A_41] : memref<32x125x80xi32, #tpu.memory_space<hbm>> -> memref<1x1x80xi32, #tpu.memory_space<hbm>>
    %dma_start3A_43 = tpu.memref_squeeze %dma_start3A_42 : memref<1x1x80xi32, #tpu.memory_space<hbm>> -> memref<80xi32, #tpu.memory_space<hbm>>
    tpu.enqueue_dma source(%dma_start3A_43 : memref<80xi32, #tpu.memory_space<hbm>>) target(%dma_start3A_40 : memref<80xi32, #tpu.memory_space<vmem>>) target_semaphore(%arg16 : memref<!tpu.dma_semaphore, #tpu.memory_space<semaphore_mem>>)
    %dma_start3A_44 = arith.constant 0 : i32
    %dma_start3A_45 = arith.constant 0 : i32
    %dma_start3A_46 = arith.constant 0 : i32
    %dma_start3A_47 = arith.constant 0 : i32
    %dma_start3A_48 = tpu.memref_slice %arg10[%dma_start3A_45, %dma_start3A_46, %dma_start3A_47] : memref<4x80x128xf32, #tpu.memory_space<vmem>> -> memref<1x80x128xf32, #tpu.memory_space<vmem>>
    %dma_start3A_49 = tpu.memref_squeeze %dma_start3A_48 : memref<1x80x128xf32, #tpu.memory_space<vmem>> -> memref<80x128xf32, #tpu.memory_space<vmem>>
    %dma_start3A_50 = arith.constant 0 : i32
    %dma_start3A_51 = tpu.memref_slice %arg8[%dma_start3A_44, %dma_start3A_50] : memref<5x80xi32, #tpu.memory_space<vmem>> -> memref<1x80xi32, #tpu.memory_space<vmem>>
    %dma_start3A_52 = tpu.memref_squeeze %dma_start3A_51 : memref<1x80xi32, #tpu.memory_space<vmem>> -> memref<80xi32, #tpu.memory_space<vmem>>
    %dma_start3A_53 = arith.constant 0 : i32
    %dma_start3A_54 = arith.constant 0 : i32
    %dma_start3A_55 = tpu.memref_slice %arg2[%dma_start3A_53, %dma_start3A_54] : memref<10000x128xf32, #tpu.memory_space<hbm>> -> memref<10000x128xf32, #tpu.memory_space<hbm>>
    tpu.enqueue_indirect_dma source(%dma_start3A_55 : memref<10000x128xf32, #tpu.memory_space<hbm>>) target(%dma_start3A_49 : memref<80x128xf32, #tpu.memory_space<vmem>>) offsets(%dma_start3A_52 : memref<80xi32, #tpu.memory_space<vmem>>) semaphore(%arg12 : memref<!tpu.dma_semaphore, #tpu.memory_space<semaphore_mem>>)
    %dma_start3A_56 = arith.constant 1 : i32
    %dma_start3A_57 = arith.constant 1 : i32
    %dma_start3A_58 = arith.constant 0 : i32
    %dma_start3A_59 = arith.constant 0 : i32
    %dma_start3A_60 = tpu.memref_slice %arg10[%dma_start3A_57, %dma_start3A_58, %dma_start3A_59] : memref<4x80x128xf32, #tpu.memory_space<vmem>> -> memref<1x80x128xf32, #tpu.memory_space<vmem>>
    %dma_start3A_61 = tpu.memref_squeeze %dma_start3A_60 : memref<1x80x128xf32, #tpu.memory_space<vmem>> -> memref<80x128xf32, #tpu.memory_space<vmem>>
    %dma_start3A_62 = arith.constant 0 : i32
    %dma_start3A_63 = tpu.memref_slice %arg8[%dma_start3A_56, %dma_start3A_62] : memref<5x80xi32, #tpu.memory_space<vmem>> -> memref<1x80xi32, #tpu.memory_space<vmem>>
    %dma_start3A_64 = tpu.memref_squeeze %dma_start3A_63 : memref<1x80xi32, #tpu.memory_space<vmem>> -> memref<80xi32, #tpu.memory_space<vmem>>
    %dma_start3A_65 = arith.constant 0 : i32
    %dma_start3A_66 = arith.constant 0 : i32
    %dma_start3A_67 = tpu.memref_slice %arg2[%dma_start3A_65, %dma_start3A_66] : memref<10000x128xf32, #tpu.memory_space<hbm>> -> memref<10000x128xf32, #tpu.memory_space<hbm>>
    tpu.enqueue_indirect_dma source(%dma_start3A_67 : memref<10000x128xf32, #tpu.memory_space<hbm>>) target(%dma_start3A_61 : memref<80x128xf32, #tpu.memory_space<vmem>>) offsets(%dma_start3A_64 : memref<80xi32, #tpu.memory_space<vmem>>) semaphore(%arg13 : memref<!tpu.dma_semaphore, #tpu.memory_space<semaphore_mem>>)
    %dma_start3A_68 = arith.constant 2 : i32
    %dma_start3A_69 = arith.constant 2 : i32
    %dma_start3A_70 = arith.constant 0 : i32
    %dma_start3A_71 = arith.constant 0 : i32
    %dma_start3A_72 = tpu.memref_slice %arg10[%dma_start3A_69, %dma_start3A_70, %dma_start3A_71] : memref<4x80x128xf32, #tpu.memory_space<vmem>> -> memref<1x80x128xf32, #tpu.memory_space<vmem>>
    %dma_start3A_73 = tpu.memref_squeeze %dma_start3A_72 : memref<1x80x128xf32, #tpu.memory_space<vmem>> -> memref<80x128xf32, #tpu.memory_space<vmem>>
    %dma_start3A_74 = arith.constant 0 : i32
    %dma_start3A_75 = tpu.memref_slice %arg8[%dma_start3A_68, %dma_start3A_74] : memref<5x80xi32, #tpu.memory_space<vmem>> -> memref<1x80xi32, #tpu.memory_space<vmem>>
    %dma_start3A_76 = tpu.memref_squeeze %dma_start3A_75 : memref<1x80xi32, #tpu.memory_space<vmem>> -> memref<80xi32, #tpu.memory_space<vmem>>
    %dma_start3A_77 = arith.constant 0 : i32
    %dma_start3A_78 = arith.constant 0 : i32
    %dma_start3A_79 = tpu.memref_slice %arg2[%dma_start3A_77, %dma_start3A_78] : memref<10000x128xf32, #tpu.memory_space<hbm>> -> memref<10000x128xf32, #tpu.memory_space<hbm>>
    tpu.enqueue_indirect_dma source(%dma_start3A_79 : memref<10000x128xf32, #tpu.memory_space<hbm>>) target(%dma_start3A_73 : memref<80x128xf32, #tpu.memory_space<vmem>>) offsets(%dma_start3A_76 : memref<80xi32, #tpu.memory_space<vmem>>) semaphore(%arg14 : memref<!tpu.dma_semaphore, #tpu.memory_space<semaphore_mem>>)
    %dma_wait3A = arith.constant 0 : i32
    %dma_wait3A_80 = tpu.memref_slice %arg11[%mul3A_2, %dma_wait3A] : memref<10240x128xf32, #tpu.memory_space<vmem_shared>> -> memref<640x128xf32, #tpu.memory_space<vmem_shared>>
    tpu.wait_dma2 semaphore(%arg17 : memref<!tpu.dma_semaphore, #tpu.memory_space<semaphore_mem>>) src(%arg5 : memref<640x128xf32, #tpu.memory_space<hbm>>) dst(%dma_wait3A_80 : memref<640x128xf32, #tpu.memory_space<vmem_shared>>)
    %barrier3A = arith.constant 0 : index
    tpu.barrier barrier_id(%barrier3A)
    %scan3A = arith.constant 0 : i32
    %scan3A_81 = arith.constant 0 : i32
    %scan3A_82 = arith.constant 125 : i32
    %scan3A_83 = arith.addi %scan3A_81, %scan3A_82 : i32
    %scan3A_84 = arith.constant 1 : i32
    scf.for %scan3A_139 = %scan3A_81 to %scan3A_83 step %scan3A_84  : i32 {
      %rem3A = arith.constant 4 : i32
      %rem3A_140 = arith.remsi %scan3A_139, %rem3A : i32
      %add3A_141 = arith.constant 4 : i32
      %add3A_142 = arith.addi %scan3A_139, %add3A_141 : i32
      %sub3A = arith.constant 1 : i32
      %sub3A_143 = arith.subi %add3A_142, %sub3A : i32
      %rem3A_144 = arith.constant 4 : i32
      %rem3A_145 = arith.remsi %sub3A_143, %rem3A_144 : i32
      %rem3A_146 = arith.constant 5 : i32
      %rem3A_147 = arith.remsi %scan3A_139, %rem3A_146 : i32
      %add3A_148 = arith.constant 4 : i32
      %add3A_149 = arith.addi %scan3A_139, %add3A_148 : i32
      %sub3A_150 = arith.constant 1 : i32
      %sub3A_151 = arith.subi %add3A_149, %sub3A_150 : i32
      %rem3A_152 = arith.constant 5 : i32
      %rem3A_153 = arith.remsi %sub3A_151, %rem3A_152 : i32
      %add3A_154 = arith.constant 4 : i32
      %add3A_155 = arith.addi %scan3A_139, %add3A_154 : i32
      %rem3A_156 = arith.constant 5 : i32
      %rem3A_157 = arith.remsi %add3A_155, %rem3A_156 : i32
      %eq3A = arith.constant 0 : i32
      %eq3A_158 = arith.cmpi eq, %rem3A_140, %eq3A : i32
      %convert_element_type3A = arith.extui %eq3A_158 : i1 to i32
      %cond3A = arith.constant 0 : i32
      %cond3A_159 = arith.cmpi ne, %convert_element_type3A, %cond3A : i32
      scf.if %cond3A_159 {
        %dma_wait3A_190 = arith.constant 0 : i32
        %dma_wait3A_191 = arith.constant 0 : i32
        %dma_wait3A_192 = arith.constant 0 : i32
        %dma_wait3A_193 = arith.constant 0 : i32
        %dma_wait3A_194 = tpu.memref_slice %arg10[%dma_wait3A_191, %dma_wait3A_192, %dma_wait3A_193] : memref<4x80x128xf32, #tpu.memory_space<vmem>> -> memref<1x80x128xf32, #tpu.memory_space<vmem>>
        %dma_wait3A_195 = tpu.memref_squeeze %dma_wait3A_194 : memref<1x80x128xf32, #tpu.memory_space<vmem>> -> memref<80x128xf32, #tpu.memory_space<vmem>>
        %dma_wait3A_196 = arith.constant 0 : i32
        %dma_wait3A_197 = tpu.memref_slice %arg8[%dma_wait3A_190, %dma_wait3A_196] : memref<5x80xi32, #tpu.memory_space<vmem>> -> memref<1x80xi32, #tpu.memory_space<vmem>>
        %dma_wait3A_198 = tpu.memref_squeeze %dma_wait3A_197 : memref<1x80xi32, #tpu.memory_space<vmem>> -> memref<80xi32, #tpu.memory_space<vmem>>
        %dma_wait3A_199 = arith.constant 0 : i32
        %dma_wait3A_200 = arith.constant 0 : i32
        %dma_wait3A_201 = tpu.memref_slice %arg2[%dma_wait3A_199, %dma_wait3A_200] : memref<10000x128xf32, #tpu.memory_space<hbm>> -> memref<10000x128xf32, #tpu.memory_space<hbm>>
        tpu.wait_indirect_dma semaphore(%arg12 : memref<!tpu.dma_semaphore, #tpu.memory_space<semaphore_mem>>) src(%dma_wait3A_201 : memref<10000x128xf32, #tpu.memory_space<hbm>>) dst(%dma_wait3A_195 : memref<80x128xf32, #tpu.memory_space<vmem>>)
        %dma_start3A_202 = arith.constant 0 : i32
        %dma_start3A_203 = arith.constant 0 : i32
        %dma_start3A_204 = arith.constant 0 : i32
        %dma_start3A_205 = tpu.memref_slice %arg10[%dma_start3A_202, %dma_start3A_203, %dma_start3A_204] : memref<4x80x128xf32, #tpu.memory_space<vmem>> -> memref<1x80x128xf32, #tpu.memory_space<vmem>>
        %dma_start3A_206 = tpu.memref_squeeze %dma_start3A_205 : memref<1x80x128xf32, #tpu.memory_space<vmem>> -> memref<80x128xf32, #tpu.memory_space<vmem>>
        %dma_start3A_207 = arith.constant 0 : i32
        %dma_start3A_208 = tpu.memref_slice %arg9[%rem3A_147, %dma_start3A_207] : memref<5x80xi32, #tpu.memory_space<vmem>> -> memref<1x80xi32, #tpu.memory_space<vmem>>
        %dma_start3A_209 = tpu.memref_squeeze %dma_start3A_208 : memref<1x80xi32, #tpu.memory_space<vmem>> -> memref<80xi32, #tpu.memory_space<vmem>>
        %dma_start3A_210 = arith.constant 0 : i32
        %dma_start3A_211 = arith.constant 0 : i32
        %dma_start3A_212 = tpu.memref_slice %arg11[%dma_start3A_210, %dma_start3A_211] : memref<10240x128xf32, #tpu.memory_space<vmem_shared>> -> memref<10240x128xf32, #tpu.memory_space<vmem_shared>>
        tpu.enqueue_indirect_dma source(%dma_start3A_206 : memref<80x128xf32, #tpu.memory_space<vmem>>) target(%dma_start3A_212 : memref<10240x128xf32, #tpu.memory_space<vmem_shared>>) offsets(%dma_start3A_209 : memref<80xi32, #tpu.memory_space<vmem>>) semaphore(%arg12 : memref<!tpu.dma_semaphore, #tpu.memory_space<semaphore_mem>>) {add = true}
      } else {
      }
      %eq3A_160 = arith.constant 1 : i32
      %eq3A_161 = arith.cmpi eq, %rem3A_140, %eq3A_160 : i32
      %convert_element_type3A_162 = arith.extui %eq3A_161 : i1 to i32
      %cond3A_163 = arith.constant 0 : i32
      %cond3A_164 = arith.cmpi ne, %convert_element_type3A_162, %cond3A_163 : i32
      scf.if %cond3A_164 {
        %dma_wait3A_190 = arith.constant 1 : i32
        %dma_wait3A_191 = arith.constant 1 : i32
        %dma_wait3A_192 = arith.constant 0 : i32
        %dma_wait3A_193 = arith.constant 0 : i32
        %dma_wait3A_194 = tpu.memref_slice %arg10[%dma_wait3A_191, %dma_wait3A_192, %dma_wait3A_193] : memref<4x80x128xf32, #tpu.memory_space<vmem>> -> memref<1x80x128xf32, #tpu.memory_space<vmem>>
        %dma_wait3A_195 = tpu.memref_squeeze %dma_wait3A_194 : memref<1x80x128xf32, #tpu.memory_space<vmem>> -> memref<80x128xf32, #tpu.memory_space<vmem>>
        %dma_wait3A_196 = arith.constant 0 : i32
        %dma_wait3A_197 = tpu.memref_slice %arg8[%dma_wait3A_190, %dma_wait3A_196] : memref<5x80xi32, #tpu.memory_space<vmem>> -> memref<1x80xi32, #tpu.memory_space<vmem>>
        %dma_wait3A_198 = tpu.memref_squeeze %dma_wait3A_197 : memref<1x80xi32, #tpu.memory_space<vmem>> -> memref<80xi32, #tpu.memory_space<vmem>>
        %dma_wait3A_199 = arith.constant 0 : i32
        %dma_wait3A_200 = arith.constant 0 : i32
        %dma_wait3A_201 = tpu.memref_slice %arg2[%dma_wait3A_199, %dma_wait3A_200] : memref<10000x128xf32, #tpu.memory_space<hbm>> -> memref<10000x128xf32, #tpu.memory_space<hbm>>
        tpu.wait_indirect_dma semaphore(%arg13 : memref<!tpu.dma_semaphore, #tpu.memory_space<semaphore_mem>>) src(%dma_wait3A_201 : memref<10000x128xf32, #tpu.memory_space<hbm>>) dst(%dma_wait3A_195 : memref<80x128xf32, #tpu.memory_space<vmem>>)
        %dma_start3A_202 = arith.constant 1 : i32
        %dma_start3A_203 = arith.constant 0 : i32
        %dma_start3A_204 = arith.constant 0 : i32
        %dma_start3A_205 = tpu.memref_slice %arg10[%dma_start3A_202, %dma_start3A_203, %dma_start3A_204] : memref<4x80x128xf32, #tpu.memory_space<vmem>> -> memref<1x80x128xf32, #tpu.memory_space<vmem>>
        %dma_start3A_206 = tpu.memref_squeeze %dma_start3A_205 : memref<1x80x128xf32, #tpu.memory_space<vmem>> -> memref<80x128xf32, #tpu.memory_space<vmem>>
        %dma_start3A_207 = arith.constant 0 : i32
        %dma_start3A_208 = tpu.memref_slice %arg9[%rem3A_147, %dma_start3A_207] : memref<5x80xi32, #tpu.memory_space<vmem>> -> memref<1x80xi32, #tpu.memory_space<vmem>>
        %dma_start3A_209 = tpu.memref_squeeze %dma_start3A_208 : memref<1x80xi32, #tpu.memory_space<vmem>> -> memref<80xi32, #tpu.memory_space<vmem>>
        %dma_start3A_210 = arith.constant 0 : i32
        %dma_start3A_211 = arith.constant 0 : i32
        %dma_start3A_212 = tpu.memref_slice %arg11[%dma_start3A_210, %dma_start3A_211] : memref<10240x128xf32, #tpu.memory_space<vmem_shared>> -> memref<10240x128xf32, #tpu.memory_space<vmem_shared>>
        tpu.enqueue_indirect_dma source(%dma_start3A_206 : memref<80x128xf32, #tpu.memory_space<vmem>>) target(%dma_start3A_212 : memref<10240x128xf32, #tpu.memory_space<vmem_shared>>) offsets(%dma_start3A_209 : memref<80xi32, #tpu.memory_space<vmem>>) semaphore(%arg13 : memref<!tpu.dma_semaphore, #tpu.memory_space<semaphore_mem>>) {add = true}
      } else {
      }
      %eq3A_165 = arith.constant 2 : i32
      %eq3A_166 = arith.cmpi eq, %rem3A_140, %eq3A_165 : i32
      %convert_element_type3A_167 = arith.extui %eq3A_166 : i1 to i32
      %cond3A_168 = arith.constant 0 : i32
      %cond3A_169 = arith.cmpi ne, %convert_element_type3A_167, %cond3A_168 : i32
      scf.if %cond3A_169 {
        %dma_wait3A_190 = arith.constant 2 : i32
        %dma_wait3A_191 = arith.constant 2 : i32
        %dma_wait3A_192 = arith.constant 0 : i32
        %dma_wait3A_193 = arith.constant 0 : i32
        %dma_wait3A_194 = tpu.memref_slice %arg10[%dma_wait3A_191, %dma_wait3A_192, %dma_wait3A_193] : memref<4x80x128xf32, #tpu.memory_space<vmem>> -> memref<1x80x128xf32, #tpu.memory_space<vmem>>
        %dma_wait3A_195 = tpu.memref_squeeze %dma_wait3A_194 : memref<1x80x128xf32, #tpu.memory_space<vmem>> -> memref<80x128xf32, #tpu.memory_space<vmem>>
        %dma_wait3A_196 = arith.constant 0 : i32
        %dma_wait3A_197 = tpu.memref_slice %arg8[%dma_wait3A_190, %dma_wait3A_196] : memref<5x80xi32, #tpu.memory_space<vmem>> -> memref<1x80xi32, #tpu.memory_space<vmem>>
        %dma_wait3A_198 = tpu.memref_squeeze %dma_wait3A_197 : memref<1x80xi32, #tpu.memory_space<vmem>> -> memref<80xi32, #tpu.memory_space<vmem>>
        %dma_wait3A_199 = arith.constant 0 : i32
        %dma_wait3A_200 = arith.constant 0 : i32
        %dma_wait3A_201 = tpu.memref_slice %arg2[%dma_wait3A_199, %dma_wait3A_200] : memref<10000x128xf32, #tpu.memory_space<hbm>> -> memref<10000x128xf32, #tpu.memory_space<hbm>>
        tpu.wait_indirect_dma semaphore(%arg14 : memref<!tpu.dma_semaphore, #tpu.memory_space<semaphore_mem>>) src(%dma_wait3A_201 : memref<10000x128xf32, #tpu.memory_space<hbm>>) dst(%dma_wait3A_195 : memref<80x128xf32, #tpu.memory_space<vmem>>)
        %dma_start3A_202 = arith.constant 2 : i32
        %dma_start3A_203 = arith.constant 0 : i32
        %dma_start3A_204 = arith.constant 0 : i32
        %dma_start3A_205 = tpu.memref_slice %arg10[%dma_start3A_202, %dma_start3A_203, %dma_start3A_204] : memref<4x80x128xf32, #tpu.memory_space<vmem>> -> memref<1x80x128xf32, #tpu.memory_space<vmem>>
        %dma_start3A_206 = tpu.memref_squeeze %dma_start3A_205 : memref<1x80x128xf32, #tpu.memory_space<vmem>> -> memref<80x128xf32, #tpu.memory_space<vmem>>
        %dma_start3A_207 = arith.constant 0 : i32
        %dma_start3A_208 = tpu.memref_slice %arg9[%rem3A_147, %dma_start3A_207] : memref<5x80xi32, #tpu.memory_space<vmem>> -> memref<1x80xi32, #tpu.memory_space<vmem>>
        %dma_start3A_209 = tpu.memref_squeeze %dma_start3A_208 : memref<1x80xi32, #tpu.memory_space<vmem>> -> memref<80xi32, #tpu.memory_space<vmem>>
        %dma_start3A_210 = arith.constant 0 : i32
        %dma_start3A_211 = arith.constant 0 : i32
        %dma_start3A_212 = tpu.memref_slice %arg11[%dma_start3A_210, %dma_start3A_211] : memref<10240x128xf32, #tpu.memory_space<vmem_shared>> -> memref<10240x128xf32, #tpu.memory_space<vmem_shared>>
        tpu.enqueue_indirect_dma source(%dma_start3A_206 : memref<80x128xf32, #tpu.memory_space<vmem>>) target(%dma_start3A_212 : memref<10240x128xf32, #tpu.memory_space<vmem_shared>>) offsets(%dma_start3A_209 : memref<80xi32, #tpu.memory_space<vmem>>) semaphore(%arg14 : memref<!tpu.dma_semaphore, #tpu.memory_space<semaphore_mem>>) {add = true}
      } else {
      }
      %eq3A_170 = arith.constant 3 : i32
      %eq3A_171 = arith.cmpi eq, %rem3A_140, %eq3A_170 : i32
      %convert_element_type3A_172 = arith.extui %eq3A_171 : i1 to i32
      %cond3A_173 = arith.constant 0 : i32
      %cond3A_174 = arith.cmpi ne, %convert_element_type3A_172, %cond3A_173 : i32
      scf.if %cond3A_174 {
        %dma_wait3A_190 = arith.constant 3 : i32
        %dma_wait3A_191 = arith.constant 3 : i32
        %dma_wait3A_192 = arith.constant 0 : i32
        %dma_wait3A_193 = arith.constant 0 : i32
        %dma_wait3A_194 = tpu.memref_slice %arg10[%dma_wait3A_191, %dma_wait3A_192, %dma_wait3A_193] : memref<4x80x128xf32, #tpu.memory_space<vmem>> -> memref<1x80x128xf32, #tpu.memory_space<vmem>>
        %dma_wait3A_195 = tpu.memref_squeeze %dma_wait3A_194 : memref<1x80x128xf32, #tpu.memory_space<vmem>> -> memref<80x128xf32, #tpu.memory_space<vmem>>
        %dma_wait3A_196 = arith.constant 0 : i32
        %dma_wait3A_197 = tpu.memref_slice %arg8[%dma_wait3A_190, %dma_wait3A_196] : memref<5x80xi32, #tpu.memory_space<vmem>> -> memref<1x80xi32, #tpu.memory_space<vmem>>
        %dma_wait3A_198 = tpu.memref_squeeze %dma_wait3A_197 : memref<1x80xi32, #tpu.memory_space<vmem>> -> memref<80xi32, #tpu.memory_space<vmem>>
        %dma_wait3A_199 = arith.constant 0 : i32
        %dma_wait3A_200 = arith.constant 0 : i32
        %dma_wait3A_201 = tpu.memref_slice %arg2[%dma_wait3A_199, %dma_wait3A_200] : memref<10000x128xf32, #tpu.memory_space<hbm>> -> memref<10000x128xf32, #tpu.memory_space<hbm>>
        tpu.wait_indirect_dma semaphore(%arg15 : memref<!tpu.dma_semaphore, #tpu.memory_space<semaphore_mem>>) src(%dma_wait3A_201 : memref<10000x128xf32, #tpu.memory_space<hbm>>) dst(%dma_wait3A_195 : memref<80x128xf32, #tpu.memory_space<vmem>>)
        %dma_start3A_202 = arith.constant 3 : i32
        %dma_start3A_203 = arith.constant 0 : i32
        %dma_start3A_204 = arith.constant 0 : i32
        %dma_start3A_205 = tpu.memref_slice %arg10[%dma_start3A_202, %dma_start3A_203, %dma_start3A_204] : memref<4x80x128xf32, #tpu.memory_space<vmem>> -> memref<1x80x128xf32, #tpu.memory_space<vmem>>
        %dma_start3A_206 = tpu.memref_squeeze %dma_start3A_205 : memref<1x80x128xf32, #tpu.memory_space<vmem>> -> memref<80x128xf32, #tpu.memory_space<vmem>>
        %dma_start3A_207 = arith.constant 0 : i32
        %dma_start3A_208 = tpu.memref_slice %arg9[%rem3A_147, %dma_start3A_207] : memref<5x80xi32, #tpu.memory_space<vmem>> -> memref<1x80xi32, #tpu.memory_space<vmem>>
        %dma_start3A_209 = tpu.memref_squeeze %dma_start3A_208 : memref<1x80xi32, #tpu.memory_space<vmem>> -> memref<80xi32, #tpu.memory_space<vmem>>
        %dma_start3A_210 = arith.constant 0 : i32
        %dma_start3A_211 = arith.constant 0 : i32
        %dma_start3A_212 = tpu.memref_slice %arg11[%dma_start3A_210, %dma_start3A_211] : memref<10240x128xf32, #tpu.memory_space<vmem_shared>> -> memref<10240x128xf32, #tpu.memory_space<vmem_shared>>
        tpu.enqueue_indirect_dma source(%dma_start3A_206 : memref<80x128xf32, #tpu.memory_space<vmem>>) target(%dma_start3A_212 : memref<10240x128xf32, #tpu.memory_space<vmem_shared>>) offsets(%dma_start3A_209 : memref<80xi32, #tpu.memory_space<vmem>>) semaphore(%arg15 : memref<!tpu.dma_semaphore, #tpu.memory_space<semaphore_mem>>) {add = true}
      } else {
      }
      %add3A_175 = arith.constant 4 : i32
      %add3A_176 = arith.addi %scan3A_139, %add3A_175 : i32
      %sub3A_177 = arith.constant 1 : i32
      %sub3A_178 = arith.subi %add3A_176, %sub3A_177 : i32
      %lt3A = arith.constant 125 : i32
      %lt3A_179 = arith.cmpi slt, %sub3A_178, %lt3A : i32
      %convert_element_type3A_180 = arith.extui %lt3A_179 : i1 to i32
      %cond3A_181 = arith.constant 0 : i32
      %cond3A_182 = arith.cmpi ne, %convert_element_type3A_180, %cond3A_181 : i32
      scf.if %cond3A_182 {
        %add3A_190 = arith.constant 4 : i32
        %add3A_191 = arith.addi %scan3A_139, %add3A_190 : i32
        %sub3A_192 = arith.constant 1 : i32
        %sub3A_193 = arith.subi %add3A_191, %sub3A_192 : i32
        %dma_wait3A_194 = arith.constant 0 : i32
        %dma_wait3A_195 = tpu.memref_slice %arg8[%rem3A_153, %dma_wait3A_194] : memref<5x80xi32, #tpu.memory_space<vmem>> -> memref<1x80xi32, #tpu.memory_space<vmem>>
        %dma_wait3A_196 = tpu.memref_squeeze %dma_wait3A_195 : memref<1x80xi32, #tpu.memory_space<vmem>> -> memref<80xi32, #tpu.memory_space<vmem>>
        %dma_wait3A_197 = arith.constant 0 : i32
        %dma_wait3A_198 = tpu.memref_slice %arg3[%add3A, %sub3A_193, %dma_wait3A_197] : memref<32x125x80xi32, #tpu.memory_space<hbm>> -> memref<1x1x80xi32, #tpu.memory_space<hbm>>
        %dma_wait3A_199 = tpu.memref_squeeze %dma_wait3A_198 : memref<1x1x80xi32, #tpu.memory_space<hbm>> -> memref<80xi32, #tpu.memory_space<hbm>>
        %dma_wait3A_200 = arith.constant 0 : i32
        %dma_wait3A_201 = tpu.memref_slice %arg8[%rem3A_153, %dma_wait3A_200] : memref<5x80xi32, #tpu.memory_space<vmem>> -> memref<1x80xi32, #tpu.memory_space<vmem>>
        %dma_wait3A_202 = tpu.memref_squeeze %dma_wait3A_201 : memref<1x80xi32, #tpu.memory_space<vmem>> -> memref<80xi32, #tpu.memory_space<vmem>>
        %dma_wait3A_203 = arith.constant 0 : i32
        %dma_wait3A_204 = tpu.memref_slice %arg3[%add3A, %sub3A_193, %dma_wait3A_203] : memref<32x125x80xi32, #tpu.memory_space<hbm>> -> memref<1x1x80xi32, #tpu.memory_space<hbm>>
        %dma_wait3A_205 = tpu.memref_squeeze %dma_wait3A_204 : memref<1x1x80xi32, #tpu.memory_space<hbm>> -> memref<80xi32, #tpu.memory_space<hbm>>
        tpu.wait_dma2 semaphore(%arg16 : memref<!tpu.dma_semaphore, #tpu.memory_space<semaphore_mem>>) src(%dma_wait3A_205 : memref<80xi32, #tpu.memory_space<hbm>>) dst(%dma_wait3A_202 : memref<80xi32, #tpu.memory_space<vmem>>)
        %add3A_206 = arith.constant 4 : i32
        %add3A_207 = arith.addi %scan3A_139, %add3A_206 : i32
        %sub3A_208 = arith.constant 1 : i32
        %sub3A_209 = arith.subi %add3A_207, %sub3A_208 : i32
        %dma_wait3A_210 = arith.constant 0 : i32
        %dma_wait3A_211 = tpu.memref_slice %arg9[%rem3A_153, %dma_wait3A_210] : memref<5x80xi32, #tpu.memory_space<vmem>> -> memref<1x80xi32, #tpu.memory_space<vmem>>
        %dma_wait3A_212 = tpu.memref_squeeze %dma_wait3A_211 : memref<1x80xi32, #tpu.memory_space<vmem>> -> memref<80xi32, #tpu.memory_space<vmem>>
        %dma_wait3A_213 = arith.constant 0 : i32
        %dma_wait3A_214 = tpu.memref_slice %arg4[%add3A, %sub3A_209, %dma_wait3A_213] : memref<32x125x80xi32, #tpu.memory_space<hbm>> -> memref<1x1x80xi32, #tpu.memory_space<hbm>>
        %dma_wait3A_215 = tpu.memref_squeeze %dma_wait3A_214 : memref<1x1x80xi32, #tpu.memory_space<hbm>> -> memref<80xi32, #tpu.memory_space<hbm>>
        %dma_wait3A_216 = arith.constant 0 : i32
        %dma_wait3A_217 = tpu.memref_slice %arg9[%rem3A_153, %dma_wait3A_216] : memref<5x80xi32, #tpu.memory_space<vmem>> -> memref<1x80xi32, #tpu.memory_space<vmem>>
        %dma_wait3A_218 = tpu.memref_squeeze %dma_wait3A_217 : memref<1x80xi32, #tpu.memory_space<vmem>> -> memref<80xi32, #tpu.memory_space<vmem>>
        %dma_wait3A_219 = arith.constant 0 : i32
        %dma_wait3A_220 = tpu.memref_slice %arg4[%add3A, %sub3A_209, %dma_wait3A_219] : memref<32x125x80xi32, #tpu.memory_space<hbm>> -> memref<1x1x80xi32, #tpu.memory_space<hbm>>
        %dma_wait3A_221 = tpu.memref_squeeze %dma_wait3A_220 : memref<1x1x80xi32, #tpu.memory_space<hbm>> -> memref<80xi32, #tpu.memory_space<hbm>>
        tpu.wait_dma2 semaphore(%arg16 : memref<!tpu.dma_semaphore, #tpu.memory_space<semaphore_mem>>) src(%dma_wait3A_221 : memref<80xi32, #tpu.memory_space<hbm>>) dst(%dma_wait3A_218 : memref<80xi32, #tpu.memory_space<vmem>>)
        %eq3A_222 = arith.constant 0 : i32
        %eq3A_223 = arith.cmpi eq, %rem3A_145, %eq3A_222 : i32
        %convert_element_type3A_224 = arith.extui %eq3A_223 : i1 to i32
        %cond3A_225 = arith.constant 0 : i32
        %cond3A_226 = arith.cmpi ne, %convert_element_type3A_224, %cond3A_225 : i32
        scf.if %cond3A_226 {
          %gt3A = arith.constant 0 : i32
          %gt3A_242 = arith.cmpi sgt, %scan3A_139, %gt3A : i32
          %convert_element_type3A_243 = arith.extui %gt3A_242 : i1 to i32
          %cond3A_244 = arith.constant 0 : i32
          %cond3A_245 = arith.cmpi ne, %convert_element_type3A_243, %cond3A_244 : i32
          scf.if %cond3A_245 {
            %dma_wait3A_257 = arith.constant 0 : i32
            %dma_wait3A_258 = arith.constant 0 : i32
            %dma_wait3A_259 = arith.constant 0 : i32
            %dma_wait3A_260 = arith.constant 0 : i32
            %dma_wait3A_261 = tpu.memref_slice %arg10[%dma_wait3A_257, %dma_wait3A_259, %dma_wait3A_260] : memref<4x80x128xf32, #tpu.memory_space<vmem>> -> memref<1x80x128xf32, #tpu.memory_space<vmem>>
            %dma_wait3A_262 = tpu.memref_squeeze %dma_wait3A_261 : memref<1x80x128xf32, #tpu.memory_space<vmem>> -> memref<80x128xf32, #tpu.memory_space<vmem>>
            %dma_wait3A_263 = arith.constant 0 : i32
            %dma_wait3A_264 = tpu.memref_slice %arg9[%dma_wait3A_258, %dma_wait3A_263] : memref<5x80xi32, #tpu.memory_space<vmem>> -> memref<1x80xi32, #tpu.memory_space<vmem>>
            %dma_wait3A_265 = tpu.memref_squeeze %dma_wait3A_264 : memref<1x80xi32, #tpu.memory_space<vmem>> -> memref<80xi32, #tpu.memory_space<vmem>>
            %dma_wait3A_266 = arith.constant 0 : i32
            %dma_wait3A_267 = arith.constant 0 : i32
            %dma_wait3A_268 = tpu.memref_slice %arg11[%dma_wait3A_266, %dma_wait3A_267] : memref<10240x128xf32, #tpu.memory_space<vmem_shared>> -> memref<10240x128xf32, #tpu.memory_space<vmem_shared>>
            tpu.wait_indirect_dma semaphore(%arg12 : memref<!tpu.dma_semaphore, #tpu.memory_space<semaphore_mem>>) src(%dma_wait3A_262 : memref<80x128xf32, #tpu.memory_space<vmem>>) dst(%dma_wait3A_268 : memref<10240x128xf32, #tpu.memory_space<vmem_shared>>)
          } else {
          }
          %dma_start3A_246 = arith.constant 0 : i32
          %dma_start3A_247 = arith.constant 0 : i32
          %dma_start3A_248 = arith.constant 0 : i32
          %dma_start3A_249 = tpu.memref_slice %arg10[%dma_start3A_246, %dma_start3A_247, %dma_start3A_248] : memref<4x80x128xf32, #tpu.memory_space<vmem>> -> memref<1x80x128xf32, #tpu.memory_space<vmem>>
          %dma_start3A_250 = tpu.memref_squeeze %dma_start3A_249 : memref<1x80x128xf32, #tpu.memory_space<vmem>> -> memref<80x128xf32, #tpu.memory_space<vmem>>
          %dma_start3A_251 = arith.constant 0 : i32
          %dma_start3A_252 = tpu.memref_slice %arg8[%rem3A_153, %dma_start3A_251] : memref<5x80xi32, #tpu.memory_space<vmem>> -> memref<1x80xi32, #tpu.memory_space<vmem>>
          %dma_start3A_253 = tpu.memref_squeeze %dma_start3A_252 : memref<1x80xi32, #tpu.memory_space<vmem>> -> memref<80xi32, #tpu.memory_space<vmem>>
          %dma_start3A_254 = arith.constant 0 : i32
          %dma_start3A_255 = arith.constant 0 : i32
          %dma_start3A_256 = tpu.memref_slice %arg2[%dma_start3A_254, %dma_start3A_255] : memref<10000x128xf32, #tpu.memory_space<hbm>> -> memref<10000x128xf32, #tpu.memory_space<hbm>>
          tpu.enqueue_indirect_dma source(%dma_start3A_256 : memref<10000x128xf32, #tpu.memory_space<hbm>>) target(%dma_start3A_250 : memref<80x128xf32, #tpu.memory_space<vmem>>) offsets(%dma_start3A_253 : memref<80xi32, #tpu.memory_space<vmem>>) semaphore(%arg12 : memref<!tpu.dma_semaphore, #tpu.memory_space<semaphore_mem>>)
        } else {
        }
        %eq3A_227 = arith.constant 1 : i32
        %eq3A_228 = arith.cmpi eq, %rem3A_145, %eq3A_227 : i32
        %convert_element_type3A_229 = arith.extui %eq3A_228 : i1 to i32
        %cond3A_230 = arith.constant 0 : i32
        %cond3A_231 = arith.cmpi ne, %convert_element_type3A_229, %cond3A_230 : i32
        scf.if %cond3A_231 {
          %gt3A = arith.constant 0 : i32
          %gt3A_242 = arith.cmpi sgt, %scan3A_139, %gt3A : i32
          %convert_element_type3A_243 = arith.extui %gt3A_242 : i1 to i32
          %cond3A_244 = arith.constant 0 : i32
          %cond3A_245 = arith.cmpi ne, %convert_element_type3A_243, %cond3A_244 : i32
          scf.if %cond3A_245 {
            %dma_wait3A_257 = arith.constant 1 : i32
            %dma_wait3A_258 = arith.constant 0 : i32
            %dma_wait3A_259 = arith.constant 0 : i32
            %dma_wait3A_260 = arith.constant 0 : i32
            %dma_wait3A_261 = tpu.memref_slice %arg10[%dma_wait3A_257, %dma_wait3A_259, %dma_wait3A_260] : memref<4x80x128xf32, #tpu.memory_space<vmem>> -> memref<1x80x128xf32, #tpu.memory_space<vmem>>
            %dma_wait3A_262 = tpu.memref_squeeze %dma_wait3A_261 : memref<1x80x128xf32, #tpu.memory_space<vmem>> -> memref<80x128xf32, #tpu.memory_space<vmem>>
            %dma_wait3A_263 = arith.constant 0 : i32
            %dma_wait3A_264 = tpu.memref_slice %arg9[%dma_wait3A_258, %dma_wait3A_263] : memref<5x80xi32, #tpu.memory_space<vmem>> -> memref<1x80xi32, #tpu.memory_space<vmem>>
            %dma_wait3A_265 = tpu.memref_squeeze %dma_wait3A_264 : memref<1x80xi32, #tpu.memory_space<vmem>> -> memref<80xi32, #tpu.memory_space<vmem>>
            %dma_wait3A_266 = arith.constant 0 : i32
            %dma_wait3A_267 = arith.constant 0 : i32
            %dma_wait3A_268 = tpu.memref_slice %arg11[%dma_wait3A_266, %dma_wait3A_267] : memref<10240x128xf32, #tpu.memory_space<vmem_shared>> -> memref<10240x128xf32, #tpu.memory_space<vmem_shared>>
            tpu.wait_indirect_dma semaphore(%arg13 : memref<!tpu.dma_semaphore, #tpu.memory_space<semaphore_mem>>) src(%dma_wait3A_262 : memref<80x128xf32, #tpu.memory_space<vmem>>) dst(%dma_wait3A_268 : memref<10240x128xf32, #tpu.memory_space<vmem_shared>>)
          } else {
          }
          %dma_start3A_246 = arith.constant 1 : i32
          %dma_start3A_247 = arith.constant 0 : i32
          %dma_start3A_248 = arith.constant 0 : i32
          %dma_start3A_249 = tpu.memref_slice %arg10[%dma_start3A_246, %dma_start3A_247, %dma_start3A_248] : memref<4x80x128xf32, #tpu.memory_space<vmem>> -> memref<1x80x128xf32, #tpu.memory_space<vmem>>
          %dma_start3A_250 = tpu.memref_squeeze %dma_start3A_249 : memref<1x80x128xf32, #tpu.memory_space<vmem>> -> memref<80x128xf32, #tpu.memory_space<vmem>>
          %dma_start3A_251 = arith.constant 0 : i32
          %dma_start3A_252 = tpu.memref_slice %arg8[%rem3A_153, %dma_start3A_251] : memref<5x80xi32, #tpu.memory_space<vmem>> -> memref<1x80xi32, #tpu.memory_space<vmem>>
          %dma_start3A_253 = tpu.memref_squeeze %dma_start3A_252 : memref<1x80xi32, #tpu.memory_space<vmem>> -> memref<80xi32, #tpu.memory_space<vmem>>
          %dma_start3A_254 = arith.constant 0 : i32
          %dma_start3A_255 = arith.constant 0 : i32
          %dma_start3A_256 = tpu.memref_slice %arg2[%dma_start3A_254, %dma_start3A_255] : memref<10000x128xf32, #tpu.memory_space<hbm>> -> memref<10000x128xf32, #tpu.memory_space<hbm>>
          tpu.enqueue_indirect_dma source(%dma_start3A_256 : memref<10000x128xf32, #tpu.memory_space<hbm>>) target(%dma_start3A_250 : memref<80x128xf32, #tpu.memory_space<vmem>>) offsets(%dma_start3A_253 : memref<80xi32, #tpu.memory_space<vmem>>) semaphore(%arg13 : memref<!tpu.dma_semaphore, #tpu.memory_space<semaphore_mem>>)
        } else {
        }
        %eq3A_232 = arith.constant 2 : i32
        %eq3A_233 = arith.cmpi eq, %rem3A_145, %eq3A_232 : i32
        %convert_element_type3A_234 = arith.extui %eq3A_233 : i1 to i32
        %cond3A_235 = arith.constant 0 : i32
        %cond3A_236 = arith.cmpi ne, %convert_element_type3A_234, %cond3A_235 : i32
        scf.if %cond3A_236 {
          %gt3A = arith.constant 0 : i32
          %gt3A_242 = arith.cmpi sgt, %scan3A_139, %gt3A : i32
          %convert_element_type3A_243 = arith.extui %gt3A_242 : i1 to i32
          %cond3A_244 = arith.constant 0 : i32
          %cond3A_245 = arith.cmpi ne, %convert_element_type3A_243, %cond3A_244 : i32
          scf.if %cond3A_245 {
            %dma_wait3A_257 = arith.constant 2 : i32
            %dma_wait3A_258 = arith.constant 0 : i32
            %dma_wait3A_259 = arith.constant 0 : i32
            %dma_wait3A_260 = arith.constant 0 : i32
            %dma_wait3A_261 = tpu.memref_slice %arg10[%dma_wait3A_257, %dma_wait3A_259, %dma_wait3A_260] : memref<4x80x128xf32, #tpu.memory_space<vmem>> -> memref<1x80x128xf32, #tpu.memory_space<vmem>>
            %dma_wait3A_262 = tpu.memref_squeeze %dma_wait3A_261 : memref<1x80x128xf32, #tpu.memory_space<vmem>> -> memref<80x128xf32, #tpu.memory_space<vmem>>
            %dma_wait3A_263 = arith.constant 0 : i32
            %dma_wait3A_264 = tpu.memref_slice %arg9[%dma_wait3A_258, %dma_wait3A_263] : memref<5x80xi32, #tpu.memory_space<vmem>> -> memref<1x80xi32, #tpu.memory_space<vmem>>
            %dma_wait3A_265 = tpu.memref_squeeze %dma_wait3A_264 : memref<1x80xi32, #tpu.memory_space<vmem>> -> memref<80xi32, #tpu.memory_space<vmem>>
            %dma_wait3A_266 = arith.constant 0 : i32
            %dma_wait3A_267 = arith.constant 0 : i32
            %dma_wait3A_268 = tpu.memref_slice %arg11[%dma_wait3A_266, %dma_wait3A_267] : memref<10240x128xf32, #tpu.memory_space<vmem_shared>> -> memref<10240x128xf32, #tpu.memory_space<vmem_shared>>
            tpu.wait_indirect_dma semaphore(%arg14 : memref<!tpu.dma_semaphore, #tpu.memory_space<semaphore_mem>>) src(%dma_wait3A_262 : memref<80x128xf32, #tpu.memory_space<vmem>>) dst(%dma_wait3A_268 : memref<10240x128xf32, #tpu.memory_space<vmem_shared>>)
          } else {
          }
          %dma_start3A_246 = arith.constant 2 : i32
          %dma_start3A_247 = arith.constant 0 : i32
          %dma_start3A_248 = arith.constant 0 : i32
          %dma_start3A_249 = tpu.memref_slice %arg10[%dma_start3A_246, %dma_start3A_247, %dma_start3A_248] : memref<4x80x128xf32, #tpu.memory_space<vmem>> -> memref<1x80x128xf32, #tpu.memory_space<vmem>>
          %dma_start3A_250 = tpu.memref_squeeze %dma_start3A_249 : memref<1x80x128xf32, #tpu.memory_space<vmem>> -> memref<80x128xf32, #tpu.memory_space<vmem>>
          %dma_start3A_251 = arith.constant 0 : i32
          %dma_start3A_252 = tpu.memref_slice %arg8[%rem3A_153, %dma_start3A_251] : memref<5x80xi32, #tpu.memory_space<vmem>> -> memref<1x80xi32, #tpu.memory_space<vmem>>
          %dma_start3A_253 = tpu.memref_squeeze %dma_start3A_252 : memref<1x80xi32, #tpu.memory_space<vmem>> -> memref<80xi32, #tpu.memory_space<vmem>>
          %dma_start3A_254 = arith.constant 0 : i32
          %dma_start3A_255 = arith.constant 0 : i32
          %dma_start3A_256 = tpu.memref_slice %arg2[%dma_start3A_254, %dma_start3A_255] : memref<10000x128xf32, #tpu.memory_space<hbm>> -> memref<10000x128xf32, #tpu.memory_space<hbm>>
          tpu.enqueue_indirect_dma source(%dma_start3A_256 : memref<10000x128xf32, #tpu.memory_space<hbm>>) target(%dma_start3A_250 : memref<80x128xf32, #tpu.memory_space<vmem>>) offsets(%dma_start3A_253 : memref<80xi32, #tpu.memory_space<vmem>>) semaphore(%arg14 : memref<!tpu.dma_semaphore, #tpu.memory_space<semaphore_mem>>)
        } else {
        }
        %eq3A_237 = arith.constant 3 : i32
        %eq3A_238 = arith.cmpi eq, %rem3A_145, %eq3A_237 : i32
        %convert_element_type3A_239 = arith.extui %eq3A_238 : i1 to i32
        %cond3A_240 = arith.constant 0 : i32
        %cond3A_241 = arith.cmpi ne, %convert_element_type3A_239, %cond3A_240 : i32
        scf.if %cond3A_241 {
          %gt3A = arith.constant 0 : i32
          %gt3A_242 = arith.cmpi sgt, %scan3A_139, %gt3A : i32
          %convert_element_type3A_243 = arith.extui %gt3A_242 : i1 to i32
          %cond3A_244 = arith.constant 0 : i32
          %cond3A_245 = arith.cmpi ne, %convert_element_type3A_243, %cond3A_244 : i32
          scf.if %cond3A_245 {
            %dma_wait3A_257 = arith.constant 3 : i32
            %dma_wait3A_258 = arith.constant 0 : i32
            %dma_wait3A_259 = arith.constant 0 : i32
            %dma_wait3A_260 = arith.constant 0 : i32
            %dma_wait3A_261 = tpu.memref_slice %arg10[%dma_wait3A_257, %dma_wait3A_259, %dma_wait3A_260] : memref<4x80x128xf32, #tpu.memory_space<vmem>> -> memref<1x80x128xf32, #tpu.memory_space<vmem>>
            %dma_wait3A_262 = tpu.memref_squeeze %dma_wait3A_261 : memref<1x80x128xf32, #tpu.memory_space<vmem>> -> memref<80x128xf32, #tpu.memory_space<vmem>>
            %dma_wait3A_263 = arith.constant 0 : i32
            %dma_wait3A_264 = tpu.memref_slice %arg9[%dma_wait3A_258, %dma_wait3A_263] : memref<5x80xi32, #tpu.memory_space<vmem>> -> memref<1x80xi32, #tpu.memory_space<vmem>>
            %dma_wait3A_265 = tpu.memref_squeeze %dma_wait3A_264 : memref<1x80xi32, #tpu.memory_space<vmem>> -> memref<80xi32, #tpu.memory_space<vmem>>
            %dma_wait3A_266 = arith.constant 0 : i32
            %dma_wait3A_267 = arith.constant 0 : i32
            %dma_wait3A_268 = tpu.memref_slice %arg11[%dma_wait3A_266, %dma_wait3A_267] : memref<10240x128xf32, #tpu.memory_space<vmem_shared>> -> memref<10240x128xf32, #tpu.memory_space<vmem_shared>>
            tpu.wait_indirect_dma semaphore(%arg15 : memref<!tpu.dma_semaphore, #tpu.memory_space<semaphore_mem>>) src(%dma_wait3A_262 : memref<80x128xf32, #tpu.memory_space<vmem>>) dst(%dma_wait3A_268 : memref<10240x128xf32, #tpu.memory_space<vmem_shared>>)
          } else {
          }
          %dma_start3A_246 = arith.constant 3 : i32
          %dma_start3A_247 = arith.constant 0 : i32
          %dma_start3A_248 = arith.constant 0 : i32
          %dma_start3A_249 = tpu.memref_slice %arg10[%dma_start3A_246, %dma_start3A_247, %dma_start3A_248] : memref<4x80x128xf32, #tpu.memory_space<vmem>> -> memref<1x80x128xf32, #tpu.memory_space<vmem>>
          %dma_start3A_250 = tpu.memref_squeeze %dma_start3A_249 : memref<1x80x128xf32, #tpu.memory_space<vmem>> -> memref<80x128xf32, #tpu.memory_space<vmem>>
          %dma_start3A_251 = arith.constant 0 : i32
          %dma_start3A_252 = tpu.memref_slice %arg8[%rem3A_153, %dma_start3A_251] : memref<5x80xi32, #tpu.memory_space<vmem>> -> memref<1x80xi32, #tpu.memory_space<vmem>>
          %dma_start3A_253 = tpu.memref_squeeze %dma_start3A_252 : memref<1x80xi32, #tpu.memory_space<vmem>> -> memref<80xi32, #tpu.memory_space<vmem>>
          %dma_start3A_254 = arith.constant 0 : i32
          %dma_start3A_255 = arith.constant 0 : i32
          %dma_start3A_256 = tpu.memref_slice %arg2[%dma_start3A_254, %dma_start3A_255] : memref<10000x128xf32, #tpu.memory_space<hbm>> -> memref<10000x128xf32, #tpu.memory_space<hbm>>
          tpu.enqueue_indirect_dma source(%dma_start3A_256 : memref<10000x128xf32, #tpu.memory_space<hbm>>) target(%dma_start3A_250 : memref<80x128xf32, #tpu.memory_space<vmem>>) offsets(%dma_start3A_253 : memref<80xi32, #tpu.memory_space<vmem>>) semaphore(%arg15 : memref<!tpu.dma_semaphore, #tpu.memory_space<semaphore_mem>>)
        } else {
        }
      } else {
      }
      %add3A_183 = arith.constant 4 : i32
      %add3A_184 = arith.addi %scan3A_139, %add3A_183 : i32
      %lt3A_185 = arith.constant 125 : i32
      %lt3A_186 = arith.cmpi slt, %add3A_184, %lt3A_185 : i32
      %convert_element_type3A_187 = arith.extui %lt3A_186 : i1 to i32
      %cond3A_188 = arith.constant 0 : i32
      %cond3A_189 = arith.cmpi ne, %convert_element_type3A_187, %cond3A_188 : i32
      scf.if %cond3A_189 {
        %add3A_190 = arith.constant 4 : i32
        %add3A_191 = arith.addi %scan3A_139, %add3A_190 : i32
        %dma_start3A_192 = arith.constant 0 : i32
        %dma_start3A_193 = tpu.memref_slice %arg8[%rem3A_157, %dma_start3A_192] : memref<5x80xi32, #tpu.memory_space<vmem>> -> memref<1x80xi32, #tpu.memory_space<vmem>>
        %dma_start3A_194 = tpu.memref_squeeze %dma_start3A_193 : memref<1x80xi32, #tpu.memory_space<vmem>> -> memref<80xi32, #tpu.memory_space<vmem>>
        %dma_start3A_195 = arith.constant 0 : i32
        %dma_start3A_196 = tpu.memref_slice %arg3[%add3A, %add3A_191, %dma_start3A_195] : memref<32x125x80xi32, #tpu.memory_space<hbm>> -> memref<1x1x80xi32, #tpu.memory_space<hbm>>
        %dma_start3A_197 = tpu.memref_squeeze %dma_start3A_196 : memref<1x1x80xi32, #tpu.memory_space<hbm>> -> memref<80xi32, #tpu.memory_space<hbm>>
        %dma_start3A_198 = arith.constant 0 : i32
        %dma_start3A_199 = tpu.memref_slice %arg8[%rem3A_157, %dma_start3A_198] : memref<5x80xi32, #tpu.memory_space<vmem>> -> memref<1x80xi32, #tpu.memory_space<vmem>>
        %dma_start3A_200 = tpu.memref_squeeze %dma_start3A_199 : memref<1x80xi32, #tpu.memory_space<vmem>> -> memref<80xi32, #tpu.memory_space<vmem>>
        %dma_start3A_201 = arith.constant 0 : i32
        %dma_start3A_202 = tpu.memref_slice %arg3[%add3A, %add3A_191, %dma_start3A_201] : memref<32x125x80xi32, #tpu.memory_space<hbm>> -> memref<1x1x80xi32, #tpu.memory_space<hbm>>
        %dma_start3A_203 = tpu.memref_squeeze %dma_start3A_202 : memref<1x1x80xi32, #tpu.memory_space<hbm>> -> memref<80xi32, #tpu.memory_space<hbm>>
        tpu.enqueue_dma source(%dma_start3A_203 : memref<80xi32, #tpu.memory_space<hbm>>) target(%dma_start3A_200 : memref<80xi32, #tpu.memory_space<vmem>>) target_semaphore(%arg16 : memref<!tpu.dma_semaphore, #tpu.memory_space<semaphore_mem>>)
        %add3A_204 = arith.constant 4 : i32
        %add3A_205 = arith.addi %scan3A_139, %add3A_204 : i32
        %dma_start3A_206 = arith.constant 0 : i32
        %dma_start3A_207 = tpu.memref_slice %arg9[%rem3A_157, %dma_start3A_206] : memref<5x80xi32, #tpu.memory_space<vmem>> -> memref<1x80xi32, #tpu.memory_space<vmem>>
        %dma_start3A_208 = tpu.memref_squeeze %dma_start3A_207 : memref<1x80xi32, #tpu.memory_space<vmem>> -> memref<80xi32, #tpu.memory_space<vmem>>
        %dma_start3A_209 = arith.constant 0 : i32
        %dma_start3A_210 = tpu.memref_slice %arg4[%add3A, %add3A_205, %dma_start3A_209] : memref<32x125x80xi32, #tpu.memory_space<hbm>> -> memref<1x1x80xi32, #tpu.memory_space<hbm>>
        %dma_start3A_211 = tpu.memref_squeeze %dma_start3A_210 : memref<1x1x80xi32, #tpu.memory_space<hbm>> -> memref<80xi32, #tpu.memory_space<hbm>>
        %dma_start3A_212 = arith.constant 0 : i32
        %dma_start3A_213 = tpu.memref_slice %arg9[%rem3A_157, %dma_start3A_212] : memref<5x80xi32, #tpu.memory_space<vmem>> -> memref<1x80xi32, #tpu.memory_space<vmem>>
        %dma_start3A_214 = tpu.memref_squeeze %dma_start3A_213 : memref<1x80xi32, #tpu.memory_space<vmem>> -> memref<80xi32, #tpu.memory_space<vmem>>
        %dma_start3A_215 = arith.constant 0 : i32
        %dma_start3A_216 = tpu.memref_slice %arg4[%add3A, %add3A_205, %dma_start3A_215] : memref<32x125x80xi32, #tpu.memory_space<hbm>> -> memref<1x1x80xi32, #tpu.memory_space<hbm>>
        %dma_start3A_217 = tpu.memref_squeeze %dma_start3A_216 : memref<1x1x80xi32, #tpu.memory_space<hbm>> -> memref<80xi32, #tpu.memory_space<hbm>>
        tpu.enqueue_dma source(%dma_start3A_217 : memref<80xi32, #tpu.memory_space<hbm>>) target(%dma_start3A_214 : memref<80xi32, #tpu.memory_space<vmem>>) target_semaphore(%arg16 : memref<!tpu.dma_semaphore, #tpu.memory_space<semaphore_mem>>)
      } else {
      }
    }
    %scan3A_85 = arith.constant 125 : i32
    %dma_wait3A_86 = arith.constant 0 : i32
    %dma_wait3A_87 = arith.constant 0 : i32
    %dma_wait3A_88 = arith.constant 0 : i32
    %dma_wait3A_89 = arith.constant 0 : i32
    %dma_wait3A_90 = tpu.memref_slice %arg10[%dma_wait3A_86, %dma_wait3A_88, %dma_wait3A_89] : memref<4x80x128xf32, #tpu.memory_space<vmem>> -> memref<1x80x128xf32, #tpu.memory_space<vmem>>
    %dma_wait3A_91 = tpu.memref_squeeze %dma_wait3A_90 : memref<1x80x128xf32, #tpu.memory_space<vmem>> -> memref<80x128xf32, #tpu.memory_space<vmem>>
    %dma_wait3A_92 = arith.constant 0 : i32
    %dma_wait3A_93 = tpu.memref_slice %arg9[%dma_wait3A_87, %dma_wait3A_92] : memref<5x80xi32, #tpu.memory_space<vmem>> -> memref<1x80xi32, #tpu.memory_space<vmem>>
    %dma_wait3A_94 = tpu.memref_squeeze %dma_wait3A_93 : memref<1x80xi32, #tpu.memory_space<vmem>> -> memref<80xi32, #tpu.memory_space<vmem>>
    %dma_wait3A_95 = arith.constant 0 : i32
    %dma_wait3A_96 = arith.constant 0 : i32
    %dma_wait3A_97 = tpu.memref_slice %arg11[%dma_wait3A_95, %dma_wait3A_96] : memref<10240x128xf32, #tpu.memory_space<vmem_shared>> -> memref<10240x128xf32, #tpu.memory_space<vmem_shared>>
    tpu.wait_indirect_dma semaphore(%arg12 : memref<!tpu.dma_semaphore, #tpu.memory_space<semaphore_mem>>) src(%dma_wait3A_91 : memref<80x128xf32, #tpu.memory_space<vmem>>) dst(%dma_wait3A_97 : memref<10240x128xf32, #tpu.memory_space<vmem_shared>>)
    %dma_wait3A_98 = arith.constant 1 : i32
    %dma_wait3A_99 = arith.constant 0 : i32
    %dma_wait3A_100 = arith.constant 0 : i32
    %dma_wait3A_101 = arith.constant 0 : i32
    %dma_wait3A_102 = tpu.memref_slice %arg10[%dma_wait3A_98, %dma_wait3A_100, %dma_wait3A_101] : memref<4x80x128xf32, #tpu.memory_space<vmem>> -> memref<1x80x128xf32, #tpu.memory_space<vmem>>
    %dma_wait3A_103 = tpu.memref_squeeze %dma_wait3A_102 : memref<1x80x128xf32, #tpu.memory_space<vmem>> -> memref<80x128xf32, #tpu.memory_space<vmem>>
    %dma_wait3A_104 = arith.constant 0 : i32
    %dma_wait3A_105 = tpu.memref_slice %arg9[%dma_wait3A_99, %dma_wait3A_104] : memref<5x80xi32, #tpu.memory_space<vmem>> -> memref<1x80xi32, #tpu.memory_space<vmem>>
    %dma_wait3A_106 = tpu.memref_squeeze %dma_wait3A_105 : memref<1x80xi32, #tpu.memory_space<vmem>> -> memref<80xi32, #tpu.memory_space<vmem>>
    %dma_wait3A_107 = arith.constant 0 : i32
    %dma_wait3A_108 = arith.constant 0 : i32
    %dma_wait3A_109 = tpu.memref_slice %arg11[%dma_wait3A_107, %dma_wait3A_108] : memref<10240x128xf32, #tpu.memory_space<vmem_shared>> -> memref<10240x128xf32, #tpu.memory_space<vmem_shared>>
    tpu.wait_indirect_dma semaphore(%arg13 : memref<!tpu.dma_semaphore, #tpu.memory_space<semaphore_mem>>) src(%dma_wait3A_103 : memref<80x128xf32, #tpu.memory_space<vmem>>) dst(%dma_wait3A_109 : memref<10240x128xf32, #tpu.memory_space<vmem_shared>>)
    %dma_wait3A_110 = arith.constant 2 : i32
    %dma_wait3A_111 = arith.constant 0 : i32
    %dma_wait3A_112 = arith.constant 0 : i32
    %dma_wait3A_113 = arith.constant 0 : i32
    %dma_wait3A_114 = tpu.memref_slice %arg10[%dma_wait3A_110, %dma_wait3A_112, %dma_wait3A_113] : memref<4x80x128xf32, #tpu.memory_space<vmem>> -> memref<1x80x128xf32, #tpu.memory_space<vmem>>
    %dma_wait3A_115 = tpu.memref_squeeze %dma_wait3A_114 : memref<1x80x128xf32, #tpu.memory_space<vmem>> -> memref<80x128xf32, #tpu.memory_space<vmem>>
    %dma_wait3A_116 = arith.constant 0 : i32
    %dma_wait3A_117 = tpu.memref_slice %arg9[%dma_wait3A_111, %dma_wait3A_116] : memref<5x80xi32, #tpu.memory_space<vmem>> -> memref<1x80xi32, #tpu.memory_space<vmem>>
    %dma_wait3A_118 = tpu.memref_squeeze %dma_wait3A_117 : memref<1x80xi32, #tpu.memory_space<vmem>> -> memref<80xi32, #tpu.memory_space<vmem>>
    %dma_wait3A_119 = arith.constant 0 : i32
    %dma_wait3A_120 = arith.constant 0 : i32
    %dma_wait3A_121 = tpu.memref_slice %arg11[%dma_wait3A_119, %dma_wait3A_120] : memref<10240x128xf32, #tpu.memory_space<vmem_shared>> -> memref<10240x128xf32, #tpu.memory_space<vmem_shared>>
    tpu.wait_indirect_dma semaphore(%arg14 : memref<!tpu.dma_semaphore, #tpu.memory_space<semaphore_mem>>) src(%dma_wait3A_115 : memref<80x128xf32, #tpu.memory_space<vmem>>) dst(%dma_wait3A_121 : memref<10240x128xf32, #tpu.memory_space<vmem_shared>>)
    %dma_wait3A_122 = arith.constant 3 : i32
    %dma_wait3A_123 = arith.constant 0 : i32
    %dma_wait3A_124 = arith.constant 0 : i32
    %dma_wait3A_125 = arith.constant 0 : i32
    %dma_wait3A_126 = tpu.memref_slice %arg10[%dma_wait3A_122, %dma_wait3A_124, %dma_wait3A_125] : memref<4x80x128xf32, #tpu.memory_space<vmem>> -> memref<1x80x128xf32, #tpu.memory_space<vmem>>
    %dma_wait3A_127 = tpu.memref_squeeze %dma_wait3A_126 : memref<1x80x128xf32, #tpu.memory_space<vmem>> -> memref<80x128xf32, #tpu.memory_space<vmem>>
    %dma_wait3A_128 = arith.constant 0 : i32
    %dma_wait3A_129 = tpu.memref_slice %arg9[%dma_wait3A_123, %dma_wait3A_128] : memref<5x80xi32, #tpu.memory_space<vmem>> -> memref<1x80xi32, #tpu.memory_space<vmem>>
    %dma_wait3A_130 = tpu.memref_squeeze %dma_wait3A_129 : memref<1x80xi32, #tpu.memory_space<vmem>> -> memref<80xi32, #tpu.memory_space<vmem>>
    %dma_wait3A_131 = arith.constant 0 : i32
    %dma_wait3A_132 = arith.constant 0 : i32
    %dma_wait3A_133 = tpu.memref_slice %arg11[%dma_wait3A_131, %dma_wait3A_132] : memref<10240x128xf32, #tpu.memory_space<vmem_shared>> -> memref<10240x128xf32, #tpu.memory_space<vmem_shared>>
    tpu.wait_indirect_dma semaphore(%arg15 : memref<!tpu.dma_semaphore, #tpu.memory_space<semaphore_mem>>) src(%dma_wait3A_127 : memref<80x128xf32, #tpu.memory_space<vmem>>) dst(%dma_wait3A_133 : memref<10240x128xf32, #tpu.memory_space<vmem_shared>>)
    %barrier3A_134 = arith.constant 0 : index
    tpu.barrier barrier_id(%barrier3A_134)
    %mul3A_135 = arith.constant 640 : i32
    %mul3A_136 = arith.muli %arg1, %mul3A_135 : i32
    %mul3A_137 = arith.constant 640 : i32
    %mul3A_138 = arith.muli %arg1, %mul3A_137 : i32
    "tpu.region"() ({
      %run_scoped3A_139 = tpu.sem_alloc : memref<!tpu.dma_semaphore, #tpu.memory_space<semaphore_mem>>
      %dma_start3A_140 = arith.constant 0 : i32
      %dma_start3A_141 = tpu.memref_slice %arg7[%arg0, %mul3A_138, %dma_start3A_140] : memref<2x10240x128xf32, #tpu.memory_space<hbm>> -> memref<1x640x128xf32, #tpu.memory_space<hbm>>
      %dma_start3A_142 = tpu.memref_squeeze %dma_start3A_141 : memref<1x640x128xf32, #tpu.memory_space<hbm>> -> memref<640x128xf32, #tpu.memory_space<hbm>>
      %dma_start3A_143 = arith.constant 0 : i32
      %dma_start3A_144 = tpu.memref_slice %arg11[%mul3A_136, %dma_start3A_143] : memref<10240x128xf32, #tpu.memory_space<vmem_shared>> -> memref<640x128xf32, #tpu.memory_space<vmem_shared>>
      tpu.enqueue_dma source(%dma_start3A_144 : memref<640x128xf32, #tpu.memory_space<vmem_shared>>) target(%dma_start3A_142 : memref<640x128xf32, #tpu.memory_space<hbm>>) target_semaphore(%run_scoped3A_139 : memref<!tpu.dma_semaphore, #tpu.memory_space<semaphore_mem>>)
      %dma_wait3A_145 = arith.constant 0 : i32
      %dma_wait3A_146 = tpu.memref_slice %arg7[%arg0, %mul3A_138, %dma_wait3A_145] : memref<2x10240x128xf32, #tpu.memory_space<hbm>> -> memref<1x640x128xf32, #tpu.memory_space<hbm>>
      %dma_wait3A_147 = tpu.memref_squeeze %dma_wait3A_146 : memref<1x640x128xf32, #tpu.memory_space<hbm>> -> memref<640x128xf32, #tpu.memory_space<hbm>>
      %dma_wait3A_148 = arith.constant 0 : i32
      %dma_wait3A_149 = tpu.memref_slice %arg11[%mul3A_136, %dma_wait3A_148] : memref<10240x128xf32, #tpu.memory_space<vmem_shared>> -> memref<640x128xf32, #tpu.memory_space<vmem_shared>>
      tpu.wait_dma2 semaphore(%run_scoped3A_139 : memref<!tpu.dma_semaphore, #tpu.memory_space<semaphore_mem>>) src(%dma_wait3A_149 : memref<640x128xf32, #tpu.memory_space<vmem_shared>>) dst(%dma_wait3A_147 : memref<640x128xf32, #tpu.memory_space<hbm>>)
      tpu.yield
    }) : () -> ()
    return
  }
}

module attributes {stable_mosaic.version = 14 : i64} {
  func.func @_tc_layer_body(%arg0: i32, %arg1: memref<2048x128xf32, #tpu.memory_space<vmem>>, %arg2: memref<2x2048x128xf32, #tpu.memory_space<vmem>>, %arg3: memref<32x2048xf32, #tpu.memory_space<vmem>>, %arg4: memref<128x128xf32, #tpu.memory_space<vmem>>, %arg5: memref<128x128xf32, #tpu.memory_space<vmem>>, %arg6: memref<1x128xf32, #tpu.memory_space<vmem>>, %arg7: memref<2048x128xf32, #tpu.memory_space<vmem>>) attributes {dimension_semantics = [#tpu.dimension_semantics<arbitrary>], iteration_bounds = array<i64: 5>, scalar_prefetch = 0 : i64, scratch_operands = 0 : i64, tpu.core_type = #tpu.core_type<tc>, window_params = [{transform_indices = @transform_0, window_bounds = array<i64: 2048, 128>}, {transform_indices = @transform_1, window_bounds = array<i64: 2, 2048, 128>}, {transform_indices = @transform_2, window_bounds = array<i64: 32, 2048>}, {pipeline_mode = #tpu.pipeline_mode<synchronous>, transform_indices = @transform_3, window_bounds = array<i64: 128, 128>}, {pipeline_mode = #tpu.pipeline_mode<synchronous>, transform_indices = @transform_4, window_bounds = array<i64: 128, 128>}, {pipeline_mode = #tpu.pipeline_mode<synchronous>, transform_indices = @transform_5, window_bounds = array<i64: 1, 128>}, {transform_indices = @transform_6, window_bounds = array<i64: 2048, 128>}]} {
    %get3A = arith.constant 0 : index
    %get3A_0 = arith.constant 0 : index
    %get3A_1 = arith.constant 0 : index
    %get3A_2 = vector.load %arg2[%get3A, %get3A_0, %get3A_1] : memref<2x2048x128xf32, #tpu.memory_space<vmem>>, vector<1x2048x128xf32>
    %get3A_3 = vector.shape_cast %get3A_2 : vector<1x2048x128xf32> to vector<2048x128xf32>
    %get3A_4 = arith.constant 1 : index
    %get3A_5 = arith.constant 0 : index
    %get3A_6 = arith.constant 0 : index
    %get3A_7 = vector.load %arg2[%get3A_4, %get3A_5, %get3A_6] : memref<2x2048x128xf32, #tpu.memory_space<vmem>>, vector<1x2048x128xf32>
    %get3A_8 = vector.shape_cast %get3A_7 : vector<1x2048x128xf32> to vector<2048x128xf32>
    %add3A = arith.addf %get3A_3, %get3A_8 : vector<2048x128xf32>
    %get3A_9 = arith.constant 0 : index
    %get3A_10 = arith.constant 0 : index
    %get3A_11 = vector.load %arg3[%get3A_9, %get3A_10] : memref<32x2048xf32, #tpu.memory_space<vmem>>, vector<32x2048xf32>
    %reduce_sum3A = arith.constant dense<0.000000e+00> : vector<2048xf32>
    %reduce_sum3A_12 = vector.multi_reduction <add>, %get3A_11, %reduce_sum3A [0] : vector<32x2048xf32> to vector<2048xf32>
    %broadcast_in_dim3A = vector.shape_cast %reduce_sum3A_12 : vector<2048xf32> to vector<2048x1xf32>
    %max3A = arith.constant 1.000000e+00 : f32
    %max3A_13 = vector.broadcast %max3A : f32 to vector<2048x1xf32>
    %max3A_14 = arith.maximumf %broadcast_in_dim3A, %max3A_13 : vector<2048x1xf32>
    %div3A = vector.broadcast %max3A_14 : vector<2048x1xf32> to vector<2048x128xf32>
    %div3A_15 = arith.divf %add3A, %div3A : vector<2048x128xf32>
    %get3A_16 = arith.constant 0 : index
    %get3A_17 = arith.constant 0 : index
    %get3A_18 = vector.load %arg4[%get3A_16, %get3A_17] : memref<128x128xf32, #tpu.memory_space<vmem>>, vector<128x128xf32>
    %dot_general3A = arith.constant dense<0.000000e+00> : vector<2048x128xf32>
    %dot_general3A_19 = tpu.matmul %div3A_15, %get3A_18, %dot_general3A {dimension_numbers = #tpu.dot_dimension_numbers<[1], [1], [0], [0], [0, 0, 1, 0], [], []>, transpose_lhs_hint = false} : vector<2048x128xf32>, vector<128x128xf32>, vector<2048x128xf32> -> vector<2048x128xf32>
    %get3A_20 = arith.constant 0 : index
    %get3A_21 = arith.constant 0 : index
    %get3A_22 = vector.load %arg1[%get3A_20, %get3A_21] : memref<2048x128xf32, #tpu.memory_space<vmem>>, vector<2048x128xf32>
    %get3A_23 = arith.constant 0 : index
    %get3A_24 = arith.constant 0 : index
    %get3A_25 = vector.load %arg5[%get3A_23, %get3A_24] : memref<128x128xf32, #tpu.memory_space<vmem>>, vector<128x128xf32>
    %dot_general3A_26 = arith.constant dense<0.000000e+00> : vector<2048x128xf32>
    %dot_general3A_27 = tpu.matmul %get3A_22, %get3A_25, %dot_general3A_26 {dimension_numbers = #tpu.dot_dimension_numbers<[1], [1], [0], [0], [0, 0, 1, 0], [], []>, transpose_lhs_hint = false} : vector<2048x128xf32>, vector<128x128xf32>, vector<2048x128xf32> -> vector<2048x128xf32>
    %add3A_28 = arith.addf %dot_general3A_19, %dot_general3A_27 : vector<2048x128xf32>
    %get3A_29 = arith.constant 0 : index
    %get3A_30 = arith.constant 0 : index
    %get3A_31 = vector.load %arg6[%get3A_29, %get3A_30] : memref<1x128xf32, #tpu.memory_space<vmem>>, vector<1x128xf32>
    %add3A_32 = vector.broadcast %get3A_31 : vector<1x128xf32> to vector<2048x128xf32>
    %add3A_33 = arith.addf %add3A_28, %add3A_32 : vector<2048x128xf32>
    %max3A_34 = arith.constant 0.000000e+00 : f32
    %max3A_35 = vector.broadcast %max3A_34 : f32 to vector<2048x128xf32>
    %max3A_36 = arith.maximumf %add3A_33, %max3A_35 : vector<2048x128xf32>
    %swap3A = arith.constant 0 : index
    %swap3A_37 = arith.constant 0 : index
    %swap3A_38 = vector.load %arg7[%swap3A, %swap3A_37] : memref<2048x128xf32, #tpu.memory_space<vmem>>, vector<2048x128xf32>
    tpu.vector_store %arg7[%swap3A, %swap3A_37], %max3A_36 {strides = array<i32>} : memref<2048x128xf32, #tpu.memory_space<vmem>>, vector<2048x128xf32>,
    return
  }
  func.func @transform_0(%arg0: i32) -> (i32, i32) {
    %c0_i32 = arith.constant 0 : i32
    %c0_i32_0 = arith.constant 0 : i32
    return %arg0, %c0_i32 : i32, i32
  }
  func.func @transform_1(%arg0: i32) -> (i32, i32, i32) {
    %c0_i32 = arith.constant 0 : i32
    %c0_i32_0 = arith.constant 0 : i32
    %c0_i32_1 = arith.constant 0 : i32
    return %c0_i32, %arg0, %c0_i32_0 : i32, i32, i32
  }
  func.func @transform_2(%arg0: i32) -> (i32, i32) {
    %c0_i32 = arith.constant 0 : i32
    %c0_i32_0 = arith.constant 0 : i32
    return %c0_i32, %arg0 : i32, i32
  }
  func.func @transform_3(%arg0: i32) -> (i32, i32) {
    %c0_i32 = arith.constant 0 : i32
    %c0_i32_0 = arith.constant 0 : i32
    %c0_i32_1 = arith.constant 0 : i32
    return %c0_i32, %c0_i32_0 : i32, i32
  }
  func.func @transform_4(%arg0: i32) -> (i32, i32) {
    %c0_i32 = arith.constant 0 : i32
    %c0_i32_0 = arith.constant 0 : i32
    %c0_i32_1 = arith.constant 0 : i32
    return %c0_i32, %c0_i32_0 : i32, i32
  }
  func.func @transform_5(%arg0: i32) -> (i32, i32) {
    %c0_i32 = arith.constant 0 : i32
    %c0_i32_0 = arith.constant 0 : i32
    %c0_i32_1 = arith.constant 0 : i32
    return %c0_i32, %c0_i32_0 : i32, i32
  }
  func.func @transform_6(%arg0: i32) -> (i32, i32) {
    %c0_i32 = arith.constant 0 : i32
    %c0_i32_0 = arith.constant 0 : i32
    return %arg0, %c0_i32 : i32, i32
  }
}

module attributes {stable_mosaic.version = 14 : i64} {
  func.func @_tc_layer_body(%arg0: i32, %arg1: memref<2048x128xf32, #tpu.memory_space<vmem>>, %arg2: memref<2x2048x128xf32, #tpu.memory_space<vmem>>, %arg3: memref<32x2048xf32, #tpu.memory_space<vmem>>, %arg4: memref<128x128xf32, #tpu.memory_space<vmem>>, %arg5: memref<128x128xf32, #tpu.memory_space<vmem>>, %arg6: memref<1x128xf32, #tpu.memory_space<vmem>>, %arg7: memref<2048x128xf32, #tpu.memory_space<vmem>>) attributes {dimension_semantics = [#tpu.dimension_semantics<arbitrary>], iteration_bounds = array<i64: 5>, scalar_prefetch = 0 : i64, scratch_operands = 0 : i64, tpu.core_type = #tpu.core_type<tc>, window_params = [{transform_indices = @transform_0, window_bounds = array<i64: 2048, 128>}, {transform_indices = @transform_1, window_bounds = array<i64: 2, 2048, 128>}, {transform_indices = @transform_2, window_bounds = array<i64: 32, 2048>}, {pipeline_mode = #tpu.pipeline_mode<synchronous>, transform_indices = @transform_3, window_bounds = array<i64: 128, 128>}, {pipeline_mode = #tpu.pipeline_mode<synchronous>, transform_indices = @transform_4, window_bounds = array<i64: 128, 128>}, {pipeline_mode = #tpu.pipeline_mode<synchronous>, transform_indices = @transform_5, window_bounds = array<i64: 1, 128>}, {transform_indices = @transform_6, window_bounds = array<i64: 2048, 128>}]} {
    %get3A = arith.constant 0 : index
    %get3A_0 = arith.constant 0 : index
    %get3A_1 = arith.constant 0 : index
    %get3A_2 = vector.load %arg2[%get3A, %get3A_0, %get3A_1] : memref<2x2048x128xf32, #tpu.memory_space<vmem>>, vector<1x2048x128xf32>
    %get3A_3 = vector.shape_cast %get3A_2 : vector<1x2048x128xf32> to vector<2048x128xf32>
    %get3A_4 = arith.constant 1 : index
    %get3A_5 = arith.constant 0 : index
    %get3A_6 = arith.constant 0 : index
    %get3A_7 = vector.load %arg2[%get3A_4, %get3A_5, %get3A_6] : memref<2x2048x128xf32, #tpu.memory_space<vmem>>, vector<1x2048x128xf32>
    %get3A_8 = vector.shape_cast %get3A_7 : vector<1x2048x128xf32> to vector<2048x128xf32>
    %add3A = arith.addf %get3A_3, %get3A_8 : vector<2048x128xf32>
    %get3A_9 = arith.constant 0 : index
    %get3A_10 = arith.constant 0 : index
    %get3A_11 = vector.load %arg3[%get3A_9, %get3A_10] : memref<32x2048xf32, #tpu.memory_space<vmem>>, vector<32x2048xf32>
    %reduce_sum3A = arith.constant dense<0.000000e+00> : vector<2048xf32>
    %reduce_sum3A_12 = vector.multi_reduction <add>, %get3A_11, %reduce_sum3A [0] : vector<32x2048xf32> to vector<2048xf32>
    %broadcast_in_dim3A = vector.shape_cast %reduce_sum3A_12 : vector<2048xf32> to vector<2048x1xf32>
    %max3A = arith.constant 1.000000e+00 : f32
    %max3A_13 = vector.broadcast %max3A : f32 to vector<2048x1xf32>
    %max3A_14 = arith.maximumf %broadcast_in_dim3A, %max3A_13 : vector<2048x1xf32>
    %div3A = vector.broadcast %max3A_14 : vector<2048x1xf32> to vector<2048x128xf32>
    %div3A_15 = arith.divf %add3A, %div3A : vector<2048x128xf32>
    %get3A_16 = arith.constant 0 : index
    %get3A_17 = arith.constant 0 : index
    %get3A_18 = vector.load %arg4[%get3A_16, %get3A_17] : memref<128x128xf32, #tpu.memory_space<vmem>>, vector<128x128xf32>
    %dot_general3A = arith.constant dense<0.000000e+00> : vector<2048x128xf32>
    %dot_general3A_19 = tpu.matmul %div3A_15, %get3A_18, %dot_general3A {dimension_numbers = #tpu.dot_dimension_numbers<[1], [1], [0], [0], [0, 0, 1, 0], [], []>, transpose_lhs_hint = false} : vector<2048x128xf32>, vector<128x128xf32>, vector<2048x128xf32> -> vector<2048x128xf32>
    %get3A_20 = arith.constant 0 : index
    %get3A_21 = arith.constant 0 : index
    %get3A_22 = vector.load %arg1[%get3A_20, %get3A_21] : memref<2048x128xf32, #tpu.memory_space<vmem>>, vector<2048x128xf32>
    %get3A_23 = arith.constant 0 : index
    %get3A_24 = arith.constant 0 : index
    %get3A_25 = vector.load %arg5[%get3A_23, %get3A_24] : memref<128x128xf32, #tpu.memory_space<vmem>>, vector<128x128xf32>
    %dot_general3A_26 = arith.constant dense<0.000000e+00> : vector<2048x128xf32>
    %dot_general3A_27 = tpu.matmul %get3A_22, %get3A_25, %dot_general3A_26 {dimension_numbers = #tpu.dot_dimension_numbers<[1], [1], [0], [0], [0, 0, 1, 0], [], []>, transpose_lhs_hint = false} : vector<2048x128xf32>, vector<128x128xf32>, vector<2048x128xf32> -> vector<2048x128xf32>
    %add3A_28 = arith.addf %dot_general3A_19, %dot_general3A_27 : vector<2048x128xf32>
    %get3A_29 = arith.constant 0 : index
    %get3A_30 = arith.constant 0 : index
    %get3A_31 = vector.load %arg6[%get3A_29, %get3A_30] : memref<1x128xf32, #tpu.memory_space<vmem>>, vector<1x128xf32>
    %add3A_32 = vector.broadcast %get3A_31 : vector<1x128xf32> to vector<2048x128xf32>
    %add3A_33 = arith.addf %add3A_28, %add3A_32 : vector<2048x128xf32>
    %reduce_max3A = arith.constant dense<0xFF800000> : vector<2048xf32>
    %reduce_max3A_34 = vector.multi_reduction <maximumf>, %add3A_33, %reduce_max3A [1] : vector<2048x128xf32> to vector<2048xf32>
    %broadcast_in_dim3A_35 = vector.shape_cast %reduce_max3A_34 : vector<2048xf32> to vector<2048x1xf32>
    %sub3A = vector.broadcast %broadcast_in_dim3A_35 : vector<2048x1xf32> to vector<2048x128xf32>
    %sub3A_36 = arith.subf %add3A_33, %sub3A : vector<2048x128xf32>
    %exp3A = math.exp %sub3A_36 : vector<2048x128xf32>
    %reduce_sum3A_37 = arith.constant dense<0.000000e+00> : vector<2048xf32>
    %reduce_sum3A_38 = vector.multi_reduction <add>, %exp3A, %reduce_sum3A_37 [1] : vector<2048x128xf32> to vector<2048xf32>
    %broadcast_in_dim3A_39 = vector.shape_cast %reduce_sum3A_38 : vector<2048xf32> to vector<2048x1xf32>
    %div3A_40 = vector.broadcast %broadcast_in_dim3A_39 : vector<2048x1xf32> to vector<2048x128xf32>
    %div3A_41 = arith.divf %exp3A, %div3A_40 : vector<2048x128xf32>
    %swap3A = arith.constant 0 : index
    %swap3A_42 = arith.constant 0 : index
    %swap3A_43 = vector.load %arg7[%swap3A, %swap3A_42] : memref<2048x128xf32, #tpu.memory_space<vmem>>, vector<2048x128xf32>
    tpu.vector_store %arg7[%swap3A, %swap3A_42], %div3A_41 {strides = array<i32>} : memref<2048x128xf32, #tpu.memory_space<vmem>>, vector<2048x128xf32>,
    return
  }
  func.func @transform_0(%arg0: i32) -> (i32, i32) {
    %c0_i32 = arith.constant 0 : i32
    %c0_i32_0 = arith.constant 0 : i32
    return %arg0, %c0_i32 : i32, i32
  }
  func.func @transform_1(%arg0: i32) -> (i32, i32, i32) {
    %c0_i32 = arith.constant 0 : i32
    %c0_i32_0 = arith.constant 0 : i32
    %c0_i32_1 = arith.constant 0 : i32
    return %c0_i32, %arg0, %c0_i32_0 : i32, i32, i32
  }
  func.func @transform_2(%arg0: i32) -> (i32, i32) {
    %c0_i32 = arith.constant 0 : i32
    %c0_i32_0 = arith.constant 0 : i32
    return %c0_i32, %arg0 : i32, i32
  }
  func.func @transform_3(%arg0: i32) -> (i32, i32) {
    %c0_i32 = arith.constant 0 : i32
    %c0_i32_0 = arith.constant 0 : i32
    %c0_i32_1 = arith.constant 0 : i32
    return %c0_i32, %c0_i32_0 : i32, i32
  }
  func.func @transform_4(%arg0: i32) -> (i32, i32) {
    %c0_i32 = arith.constant 0 : i32
    %c0_i32_0 = arith.constant 0 : i32
    %c0_i32_1 = arith.constant 0 : i32
    return %c0_i32, %c0_i32_0 : i32, i32
  }
  func.func @transform_5(%arg0: i32) -> (i32, i32) {
    %c0_i32 = arith.constant 0 : i32
    %c0_i32_0 = arith.constant 0 : i32
    %c0_i32_1 = arith.constant 0 : i32
    return %c0_i32, %c0_i32_0 : i32, i32
  }
  func.func @transform_6(%arg0: i32) -> (i32, i32) {
    %c0_i32 = arith.constant 0 : i32
    %c0_i32_0 = arith.constant 0 : i32
    return %arg0, %c0_i32 : i32, i32
  }
}

</mosaic_0001>

<sc_bundles>
// kernel: kernel.6.cloned.1.call-start
scs
__scs_entry_jumppad:
0x0: {  	(pc) =	sbr.rel $0x88, $3  }
0x1: {  	(tag) =	ssettag $0x0;
	lr =	simm.s32 $0x1  }
0x2: {  	[smem:$0x3F99] =	sst lr;
	_ =	strace $0xD0000000  }
0x3: {  	_ = 	snop  }
0x4: {  	_ = 	snop  }
0x5: {  	_ = 	snop  }
0x6: {  	_ = 	snop  }
0x7: {  	_ = 	snop  }
__scs_overlays_trampoline_lowered:
0x8: {  	[smem:$0x3FA8] =	sst s0  }
0x9: {  	[smem:$0x3FA9] =	sst s1  }
0xa: {  	[smem:$0x3FAA] =	sst s2  }
0xb: {  	[smem:$0x3FAB] =	sst s3  }
0xc: {  	[smem:$0x3FAC] =	sst s4  }
0xd: {  	[smem:$0x3FAD] =	sst s5  }
0xe: {  	[smem:$0x3FAE] =	sst s6  }
0xf: {  	[smem:$0x3FAF] =	sst s7  }
0x10: {  	[smem:$0x3FB0] =	sst s8  }
0x11: {  	[smem:$0x3FB1] =	sst s9;
	s0 =	simm.s32 @!p0 $0x0  }
0x12: {  	s1 =	sld [smem:$0x3F97];
	s0 =	simm.s32 @p0 $0x1  }
0x13: {  	[smem:$0x3FB2] =	sst s0;
	s0 =	simm.s32 @!p1 $0x0  }
0x14: {  	s2 =	sld [smem:$0x3F96];
	s0 =	simm.s32 @p1 $0x1  }
0x15: {  	[smem:$0x3FB3] =	sst s0;
	s0 =	simm.s32 @!p2 $0x0  }
0x16: {  	s3 =	sld [smem:$0x3FDB];
	s0 =	simm.s32 @p2 $0x1  }
0x17: {  	s4 =	simm.s32 $0x1BF5;
	[smem:$0x3FB5] =	sst s0  }
0x18: {  	s0 =	sld [smem:$0x3F98];
	_ =	swait.ge [sflag:s4], $0x0  }
0x19: {  	s7 =	sld [smem:$0x3F99]  }
0x1a: {  	s8 =	sadd.s32 $0xFFFFE003, lr  }
0x1b: {  	s9 =	sadd.s32 $0xFFFFFEF7, lr;
	s5 =	simm.s32 $0xFFFFFFFF;
	p2 =	slt.u32 s8, $0xFFFFF086  }
0x1c: {  	p1 =	slt.u32 s9, $0xF7A;
	s5 =	simm.s32 @!p2 $0x0  }
0x1d: {  	s5 =	simm.s32 @p1 $0x1;
	p0 =	seq.s32 s7, s2  }
0x1e: {  	s7 =	smul.u32 @!p0 $0xF7A, s2;
	p2 =	seq.s32 @!p0 s5, $0x0  }
0x1f: {  	s9 =	smul.u32 $0xF7A, s1;
	s8 =	simm.s32 @!p0 $0x1BF5;
	p2 =	por !p2, p0  }
0x20: {  	[sflag:s8] =	ssyncset.s32 @!p0 $0xFFFFF086;
	s6 =	sadd.s32 @!p0 s3, s7;
	s7 =	simm.s32 @!p0 $0x108  }
0x21: {  	s3 =	sadd.s32 s3, s9;
	s6 =	sadd.s32 @!p0 $0x88, s6;
	s7 =	simm.s32 @p2 $0x1082  }
0x22: {  	[simem:s7], [sflag:s8] =	dma.local @!p0 [hbm:s6], $0xF7A  }
0x23: {  	s9 =	sor.u32 $0xD0000000, s2;
	s6 =	simm.s32 $0x108;
	_ =	swait.ge @!p0 [sflag:s8], $0x0  }
0x24: {  	s3 =	sadd.s32 $0x88, s3;
	s6 =	simm.s32 @!p1 $0x1082;
	[sflag:s4] =	ssyncset.s32 $0xFFFFF086  }
0x25: {  	[simem:s6], [sflag:s4] =	dma.local [hbm:s3], $0xF7A  }
0x26: {  	[smem:$0x3F99] =	sst s1;
	(tag) =	ssettag s2;
	_ =	strace s9  }
0x27: {  	s1 =	sld [smem:$0x3FA9]  }
0x28: {  	s2 =	sld [smem:$0x3FAA]  }
0x29: {  	s4 =	sld [smem:$0x3FAC]  }
0x2a: {  	p0 =	seq.s32 s5, $0x0;
	s5 =	sld [smem:$0x3FAD]  }
0x2b: {  	s6 =	sld [smem:$0x3FAE]  }
0x2c: {  	s7 =	sld [smem:$0x3FAF]  }
0x2d: {  	s3 =	simm.s32 $0x108;
	s8 =	sld [smem:$0x3FB0]  }
0x2e: {  	s3 =	simm.s32 @!p0 $0x1082;
	s9 =	sld [smem:$0x3FB1]  }
0x2f: {  	lr =	sadd.s32 s0, s3;
	s0 =	sld [smem:$0x3FA8]  }
0x30: {  	s3 =	sld [smem:$0x3FAB]  }
0x31: {  	[smem:$0x3FB4] =	sst s10  }
0x32: {  	s10 =	sld [smem:$0x3FB2];
	_ =	sdelay $0x3  }
0x33: {  	p0 =	seq.s32 s10, $0x1;
	s10 =	sld [smem:$0x3FB4];
	_ =	sdelay $0x3  }
0x34: {  	[smem:$0x3FB4] =	sst s10  }
0x35: {  	s10 =	sld [smem:$0x3FB3];
	_ =	sdelay $0x3  }
0x36: {  	p1 =	seq.s32 s10, $0x1;
	s10 =	sld [smem:$0x3FB4];
	_ =	sdelay $0x3  }
0x37: {  	[smem:$0x3FB4] =	sst s10  }
0x38: {  	s10 =	sld [smem:$0x3FB5]  }
0x39: {  	_ = 	snop;
	(pc) =	sbr.ind lr, $3  }
0x3a: {  	_ = 	snop  }
0x3b: {  	_ = 	snop  }
0x3c: {  	p2 =	seq.s32 s10, $0x1;
	s10 =	sld [smem:$0x3FB4]  }
0x3d: {  	_ =	shalt  }
0x3e: {  	_ =	shalt  }
0x3f: {  	_ =	shalt  }
0x40: {  	_ =	shalt  }
0x41: {  	_ =	shalt  }
0x42: {  	_ =	shalt  }
0x43: {  	_ =	shalt  }
0x44: {  	_ =	shalt  }
0x45: {  	_ =	shalt  }
0x46: {  	_ =	shalt  }
0x47: {  	_ =	shalt  }
0x48: {  	_ =	shalt  }
0x49: {  	_ =	shalt  }
0x4a: {  	_ =	shalt  }
0x4b: {  	_ =	shalt  }
0x4c: {  	_ =	shalt  }
0x4d: {  	_ =	shalt  }
0x4e: {  	_ =	shalt  }
0x4f: {  	_ =	shalt  }
0x50: {  	_ =	shalt  }
0x51: {  	_ =	shalt  }
0x52: {  	_ =	shalt  }
0x53: {  	_ =	shalt  }
0x54: {  	_ =	shalt  }
0x55: {  	_ =	shalt  }
0x56: {  	_ =	shalt  }
0x57: {  	_ =	shalt  }
0x58: {  	_ =	shalt  }
0x59: {  	_ =	shalt  }
0x5a: {  	_ =	shalt  }
0x5b: {  	_ =	shalt  }
0x5c: {  	_ =	shalt  }
0x5d: {  	_ =	shalt  }
0x5e: {  	_ =	shalt  }
0x5f: {  	_ =	shalt  }
0x60: {  	_ =	shalt  }
0x61: {  	_ =	shalt  }
0x62: {  	_ =	shalt  }
0x63: {  	_ =	shalt  }
0x64: {  	_ =	shalt  }
0x65: {  	_ =	shalt  }
0x66: {  	_ =	shalt  }
0x67: {  	_ =	shalt  }
0x68: {  	_ =	shalt  }
0x69: {  	_ =	shalt  }
0x6a: {  	_ =	shalt  }
0x6b: {  	_ =	shalt  }
0x6c: {  	_ =	shalt  }
0x6d: {  	_ =	shalt  }
0x6e: {  	_ =	shalt  }
0x6f: {  	_ =	shalt  }
0x70: {  	_ =	shalt  }
0x71: {  	_ =	shalt  }
0x72: {  	_ =	shalt  }
0x73: {  	_ =	shalt  }
0x74: {  	_ =	shalt  }
0x75: {  	_ =	shalt  }
0x76: {  	_ =	shalt  }
0x77: {  	_ =	shalt  }
0x78: {  	_ =	shalt  }
0x79: {  	_ =	shalt  }
0x7a: {  	_ =	shalt  }
0x7b: {  	_ =	shalt  }
0x7c: {  	_ =	shalt  }
0x7d: {  	_ =	shalt  }
0x7e: {  	_ =	shalt  }
0x7f: {  	_ =	shalt  }
0x80: {  	_ =	shalt  }
0x81: {  	_ =	shalt  }
0x82: {  	_ =	shalt  }
0x83: {  	_ =	shalt  }
0x84: {  	_ =	shalt  }
0x85: {  	_ =	shalt  }
0x86: {  	_ =	shalt  }
0x87: {  	_ =	shalt  }
.Lfunc_end0:
.L_simem_size_0:
called_computation_lowered:
.L_overlay_start_0:
0x88: {  	s2 =	sld [smem:$0x3FD9]  }
0x89: {  	s3 =	sld [smem:$0x3FFE];
	_ =	sdelay $0x1  }
0x8a: {  	s1 =	srdreg.scid  }
0x8b: {  	s0 =	sand.u32 $0x1, s1  }
0x8c: {  	s17 =	sshll.u32 s0, $0xA;
	s2 =	sadd.s32 s3, s2  }
0x8d: {  	s2 =	sadd.s32 s2, s17  }
0x8e: {  	[smem:$0x3FC0] =	sst s2  }
0x8f: {  	_ = 	snop  }
0x90: {  	s2 =	sld [smem:$0x3FC9];
	(tm) =	ssettm $0x1  }
0x91: {  	s18 =	sld [smem:$0x3FFB];
	_ =	sdelay $0x3  }
0x92: {  	_ =	strace s18  }
0x93: {  	s3 =	sld [smem:$0x3FFC];
	_ =	sdelay $0x3  }
0x94: {  	_ =	strace s3  }
0x95: {  	s3 =	sld [smem:$0x3FFD];
	_ =	sdelay $0x3  }
0x96: {  	_ =	strace s3  }
0x97: {  	_ =	strace $0x8FFFFFFF  }
0x98: {  	s19 =	sld [smem:$0x3FDB];
	_ =	sdelay $0x1  }
0x99: {  	s4 =	simm.s32 $_scs_section_size  }
0x9a: {  	s5 =	simm.s32 $_size__tile_overlayer_lowered;
	s6 =	simm.s32 $_tile_overlayer_lowered  }
0x9b: {  	s22 =	simm.s32 $0x1BFF;
	s21 =	sshll.u32 s6, $0x1;
	s3 =	sadd.s32 s4, s19  }
0x9c: {  	s7 =	simm.s32 $0x0;
	s20 =	sshll.u32 s5, $0x1;
	s5 =	sadd.s32 s21, s3  }
0x9d: {  	[timem:s7], [sflag:s22] =	dma.local [hbm:s5], s20  }
0x9e: {  	_ =	swait.ge [sflag:s22], s20  }
0x9f: {  	s4 =	ssub.s32 $0x0, s20;
	[sflag:s22] =	ssyncset.done $0x0  }
0xa0: {  	[sflag:s22] =	ssyncadd.s32 s4;
	_ =	sdelay $0x1  }
0xa1: {  	s23 =	simm.s32 $0x1B8B  }
0xa2: {  	_ =	swait.ge [sflag:s23], $0x1  }
0xa3: {  	[sflag:s23] =	ssyncset.done $0x0  }
0xa4: {  	s25 =	simm.s32 $0x1B8E;
	s24 =	sld [smem:$0x3FFE];
	[sflag:s23] =	ssyncadd.s32 $0xFFFFFFFF  }
0xa5: {  	s26 =	simm.s32 $execute0_lowered;
	[smem:$0x3FD2] =	sst s25  }
0xa6: {  	s5 =	sshll.u32 s26, $0x1;
	_ =	strace $0x80000046;
	[dreg:$0x1] =	wrdreg $0xFFFFFFFF  }
0xa7: {  	s28 =	simm.s32 $_size_execute0_lowered;
	s3 =	sadd.s32 s3, s5;
	[dreg:$0x0] =	wrdreg $0x0  }
0xa8: {  	s5 =	sshll.u32 s28, $0x1;
	[dreg:$0x2] =	wrdreg s3  }
0xa9: {  	[dreg:$0x3] =	wrdreg s5  }
0xaa: {  	[dreg:$0x4] =	wrdreg $0xC0  }
0xab: {  	_ =	task [dreg:s7], $0x5FFFF  }
0xac: {  	[dreg:$0x1] =	wrdreg $0xFFFFFFFF  }
0xad: {  	[dreg:$0x0] =	wrdreg $0x60  }
0xae: {  	[dreg:$0x2] =	wrdreg s2  }
0xaf: {  	[dreg:$0x3] =	wrdreg s24  }
0xb0: {  	[dreg:$0x4] =	wrdreg $0xA4000  }
0xb1: {  	[dreg:$0x5] =	wrdreg $0x9  }
0xb2: {  	_ =	task.clear_ibuf [dreg:s7], $0x6FFFF;
	_ =	strace $0x90000046  }
0xb3: {  	s29 =	simm.s32 $0x9;
	_ =	strace $0x80000048  }
0xb4: {  	_ =	swait.ge [sflag:s29], $0x1  }
0xb5: {  	[sflag:s29] =	ssyncadd.s32 $0xFFFFFFFF  }
0xb6: {  	_ =	strace $0x90000048  }
0xb7: {  	_ =	sfence  }
0xb8: {  	s30 =	sld [smem:$0x0];
	_ =	sdelay $0x2  }
0xb9: {  	s31 =	sshll.u32 s1, $0xD;
	s1 =	sshrl.u32 s1, $0x2  }
0xba: {  	s3 =	sand.u32 $0x4000, s31;
	s1 =	sadd.s32 s1, s30  }
0xbb: {  	s0 =	sor.u32 s3, s0;
	s1 =	sshll.u32 s1, $0x11  }
0xbc: {  	s0 =	sor.u32 s1, s0  }
0xbd: {  	s0 =	sadd.s32 $0x8F2B, s0  }
0xbe: {  	[sflag:s0] =	ssyncadd.remote.s32 $0x1  }
0xbf: {  	_ =	sfence.sel $0xFFFF  }
0xc0: {  	[dreg:$0x0] =	wrdreg $0xFFFFFFFF;
	(pc) =	sbr.abs _section_cstart, $3  }
0xc1: {  	[dreg:$0x1] =	wrdreg $0xFFFFFFFF  }
0xc2: {  	_ =	task.clear_ibuf [dreg:s7], $0x2FFFF;
	_ =	strace $0x9FFFFFFF  }
0xc3: {  	(tm) =	ssettm $0x7FFFFFFF  }
tec
execute0_lowered:
.L_overlay_start_1:
0x0: {  	(tag) =	ssettag $0x1  }
0x1: {  	s1 =	rddreg [dreg:$0x0]  }
0x2: {  	s0 =	rddreg [dreg:$0x1]  }
0x3: {  	s2 =	rddreg [dreg:$0x2];
	s3 =	simm.s32 $0x0  }
0x4: {  	s4 =	srdreg.scid;
	s12 =	stileid.u32;
	s30 =	simm.s32 $0x50  }
0x5: {  	s31 =	simm.s32 $0x400;
	s28 =	simm.s32 $0x4;
	s29 =	simm.s32 $0x2  }
0x6: {  	[smem:$0x7FF] =	sst s3;
	s4 =	sand.u32 $0x1, s4;
	s5 =	sadd.s32 $0x12400, s0  }
0x7: {  	s8 =	smul.u32 $0x14000, s12;
	s10 =	sadd.s32 $0x22A00, s0;
	s14 =	sshll.u32 s12, $0x7  }
0x8: {  	s15 =	smul.u32 $0x50000, s12;
	s18 =	sshll.u32 s12, $0x6;
	_ =	strace $0x80000047  }
0x9: {  	s7 =	smul.u32 $0x140000, s4;
	s6 =	sshll.u32 s4, $0x4;
	[dreg:$0x4] =	wrdreg s10  }
0xa: {  	s10 =	sand.u32 $0x380, s14;
	s4 =	ssub.s32 $0x2, s4;
	[dreg:$0x6] =	wrdreg s18  }
0xb: {  	s19 =	sor.u32 $0x1C05, s18;
	s9 =	sor.u32 s12, s6;
	s6 =	sadd.s32 $0x2400, s0  }
0xc: {  	s16 =	sshrl.u32 s4, $0x1;
	s17 =	sshrl.u32 s15, $0x2;
	s11 =	sshrl.u32 s9, $0x3  }
0xd: {  	[dreg:$0x7] =	wrdreg s19;
	s7 =	sadd.s32 s8, s7;
	s13 =	smul.u32 $0x14000, s11  }
0xe: {  	s4 =	ssub.s32 s4, s16;
	s11 =	sadd.s32 $0x22400, s0;
	s7 =	sshrl.u32 s7, $0x3  }
0xf: {  	[dreg:$0x5] =	wrdreg s11;
	s7 =	sadd.s32 s7, s0;
	s8 =	sor.u32 s10, s13  }
0x10: {  	s10 =	sshll.u32 s9, $0xB;
	s19 =	sadd.s32 $0x25200, s7;
	s7 =	simm.s32 $0x1  }
0x11: {  	s8 =	sshrl.u32 s8, $0x3;
	s20 =	sadd.s32 s5, s10;
	s21 =	sor.u32 $0x10, s10  }
0x12: {  	s22 =	sadd.s32 s6, s10;
	s24 =	sor.u32 $0x20, s10;
	[dreg:$0x8] =	wrdreg s20  }
0x13: {  	s0 =	sadd.s32 s8, s0;
	s8 =	sadd.s32 s17, s2;
	[dreg:$0x9] =	wrdreg s22  }
0x14: {  	s23 =	sadd.s32 s5, s21;
	s9 =	sadd.s32 s6, s21;
	s25 =	sadd.s32 s5, s24  }
0x15: {  	s26 =	sadd.s32 s6, s24;
	s20 =	smax.u32 s4, $0x1;
	[dreg:$0xa] =	wrdreg s23  }
.Ltmp0:
0x16: {  	s22 =	simm.s32 $0x7C00;
	[dreg:$0xb] =	wrdreg s9;
	(pc) =	sbr.rel .LBB2_1-.Ltmp0, $4  }
0x17: {  	s4 =	simm.s32 $0x5;
	s24 =	simm.s32 $0x3;
	[dreg:$0xc] =	wrdreg s25  }
0x18: {  	[dreg:$0xd] =	wrdreg s26;
	s0 =	sadd.s32 $0x75200, s0;
	s21 =	sshrl.u32 s8, $0x3  }
0x19: {  	s23 =	simm.s32 $0x6;
	s25 =	simm.s32 $0x80;
	s26 =	simm.s32 $0x5400  }
0x1a: {  	v0 =	vimm.f32 $1.000000000e+00;
	s8 =	simm.s32 $0x0;
	[dreg:$0xe] =	wrdreg s0;
	s0 =	simm.s32 $0x2C00  }
.LBB2_16:
0x1b: {  	_ =	swait.ge [sflag:s7], $0x2800  }
0x1c: {  	[sflag:s7] =	ssyncset.done $0x0  }
0x1d: {  	[sflag:s7] =	ssyncadd.s32 $0xFFFFD800  }
0x1e: {  	_ =	swait.ge [sflag:s29], $0x2800  }
0x1f: {  	[sflag:s29] =	ssyncset.done $0x0  }
0x20: {  	[sflag:s29] =	ssyncadd.s32 $0xFFFFD800  }
0x21: {  	_ =	swait.ge [sflag:s24], $0x2800  }
0x22: {  	[sflag:s24] =	ssyncset.done $0x0  }
0x23: {  	s9 =	rddreg [dreg:$0xe];
	[sflag:s24] =	ssyncadd.s32 $0xFFFFD800  }
0x24: {  	[hbm4b:s9+s25] =	stream.strided.scatter [tilespmem:s22], [sflag:$0x6], $0x2800, s31, s25, $0x38;
	[tilespmem:$0x1E400] =	vst v63  }
0x25: {  	_ =	swait.ge [sflag:s23], $0x2800  }
0x26: {  	[sflag:s23] =	ssyncset.done $0x0  }
0x27: {  	[sflag:s23] =	ssyncadd.s32 $0xFFFFD800  }
0x28: {  	s8 =	sadd.s32 $0x1, s8;
	[bflag:$0x0] =	sbarrier.arrive $0xFFFF  }
0x29: {  	p0 =	sne.s32 s8, s20;
	s18 =	rddreg [dreg:$0x6]  }
.Ltmp1:
0x2a: {  	s9 =	sor.u32 $0x1C06, s18;
	(pc) =	sbr.rel @!p0 .LBB2_17-.Ltmp1, $4  }
0x2b: {  	[hbm:s19], [sflag:s9] =	dma.local [spmem:s21], $0x2800  }
0x2c: {  	_ =	swait.ge [sflag:s23], $0x2800  }
0x2d: {  	[sflag:s23] =	ssyncset.done $0x0  }
0x2e: {  	[sflag:s23] =	ssyncadd.s32 $0xFFFFD800  }
.LBB2_1:
0x2f: {  	s9 =	rddreg [dreg:$0x4]  }
0x30: {  	s11 =	rddreg [dreg:$0x7]  }
0x31: {  	[spmem:s21], [sflag:s11] =	dma.local [hbm:s9], $0x2800  }
0x32: {  	s9 =	rddreg [dreg:$0x5]  }
0x33: {  	[tilespmem:s22], [sflag:$0x5] =	stream.linear.gather [hbm4b:s9+s3], $0x2800, $0x38;
	[tilespmem:$0x1E400] =	vst v63  }
0x34: {  	s16 =	rddreg [dreg:$0x8]  }
0x35: {  	[tilespmem:s3], [sflag:$0x6] =	stream.linear.gather [hbm4b:s16+s3], $0x80, $0x38;
	[tilespmem:$0x1E400] =	vst v63  }
0x36: {  	_ =	swait.ge [sflag:s23], $0x80  }
0x37: {  	[sflag:s23] =	ssyncset.done $0x0  }
0x38: {  	s18 =	simm.s32 $0x200;
	s17 =	rddreg [dreg:$0x9];
	[sflag:s23] =	ssyncadd.s32 $0xFFFFFF80  }
0x39: {  	[tilespmem:s18], [sflag:$0x6] =	stream.linear.gather [hbm4b:s17+s3], $0x80, $0x38;
	[tilespmem:$0x1E400] =	vst v63  }
0x3a: {  	_ =	swait.ge [sflag:s23], $0x80  }
0x3b: {  	[sflag:s23] =	ssyncset.done $0x0  }
0x3c: {  	s12 =	rddreg [dreg:$0xa];
	[sflag:s23] =	ssyncadd.s32 $0xFFFFFF80  }
0x3d: {  	[tilespmem:s25], [sflag:$0x6] =	stream.linear.gather [hbm4b:s12+s3], $0x80, $0x38;
	[tilespmem:$0x1E400] =	vst v63  }
0x3e: {  	_ =	swait.ge [sflag:s23], $0x80  }
0x3f: {  	[sflag:s23] =	ssyncset.done $0x0  }
0x40: {  	s14 =	simm.s32 $0x280;
	s13 =	rddreg [dreg:$0xb];
	[sflag:s23] =	ssyncadd.s32 $0xFFFFFF80  }
0x41: {  	[tilespmem:s14], [sflag:$0x6] =	stream.linear.gather [hbm4b:s13+s3], $0x80, $0x38;
	[tilespmem:$0x1E400] =	vst v63  }
0x42: {  	_ =	swait.ge [sflag:s23], $0x80  }
0x43: {  	[sflag:s23] =	ssyncset.done $0x0  }
0x44: {  	s16 =	simm.s32 $0x100;
	s15 =	rddreg [dreg:$0xc];
	[sflag:s23] =	ssyncadd.s32 $0xFFFFFF80  }
0x45: {  	[tilespmem:s16], [sflag:$0x4] =	stream.linear.gather [hbm4b:s15+s3], $0x80, $0x38;
	[tilespmem:$0x1E400] =	vst v63  }
0x46: {  	s18 =	simm.s32 $0x300;
	s17 =	rddreg [dreg:$0xd]  }
0x47: {  	[tilespmem:s18], [sflag:$0x4] =	stream.linear.gather [hbm4b:s17+s3], $0x80, $0x38;
	[tilespmem:$0x1E400] =	vst v63  }
0x48: {  	_ = 	snop  }
0x49: {  	[tilespmem:s31], [sflag:$0x1] =	stream.indirect.gather [hbm4b:s1+s30], $0x80, s3, s30, $0xb8;
	[tilespmem:$0x1E400] =	vst v63  }
0x4a: {  	_ = 	snop  }
0x4b: {  	[tilespmem:s0], [sflag:$0x2] =	stream.indirect.gather [hbm4b:s1+s30], $0x80, s25, s30, $0xb8;
	[tilespmem:$0x1E400] =	vst v63  }
0x4c: {  	_ =	swait.ge [sflag:s4], $0x2800  }
0x4d: {  	[sflag:s4] =	ssyncset.done $0x0  }
0x4e: {  	[sflag:s4] =	ssyncadd.s32 $0xFFFFD800  }
.Ltmp2:
0x4f: {  	_ =	swait.ge [sflag:s4], $0x2800;
	(pc) =	sbr.rel .LBB2_2-.Ltmp2, $4  }
0x50: {  	[sflag:s4] =	ssyncset.done $0x0  }
0x51: {  	[sflag:s4] =	ssyncadd.s32 $0xFFFFD800  }
0x52: {  	s11 =	simm.s32 $0x180;
	[bflag:$0x0] =	sbarrier.arrive $0xFFFF  }
0x53: {  	s12 =	simm.s32 $0x30;
	s13 =	simm.s32 $0x2;
	s14 =	simm.s32 $0x0  }
.LBB2_8:
0x54: {  	p0 =	seq.s32 s14, $0x0  }
0x55: {  	s15 =	simm.s32 @!p0 $0x1  }
0x56: {  	_ =	swait.ge @!p0 [sflag:s15], $0x2800  }
0x57: {  	[sflag:s15] =	ssyncset.done @!p0 $0x0  }
0x58: {  	[sflag:s15] =	ssyncadd.s32 @!p0 $0xFFFFD800  }
0x59: {  	[tilespmem:s31], [sflag:$0x1] =	stream.indirect.gather [hbm4b:s1+s30], $0x80, s9, s30, $0xb8;
	[tilespmem:$0x1E400] =	vst v63  }
.LBB2_14:
0x5a: {  	p0 =	seq.s32 s14, $0xF400  }
0x5b: {  	s9 =	sand.u32 @!p0 $0xF80, s12  }
0x5c: {  	s15 =	sand.u32 @!p0 $0x70, s12;
	s9 =	sadd.s32 @!p0 s10, s9  }
0x5d: {  	s9 =	sor.u32 @!p0 s15, s9  }
0x5e: {  	s17 =	simm.s32 @!p0 $0x0;
	s15 =	sand.u32 @!p0 $0x180, s11;
	s16 =	sadd.s32 @!p0 s5, s9  }
0x5f: {  	[tilespmem:s15], [sflag:$0x4] =	stream.linear.gather @!p0 [hbm4b:s16+s17], $0x80, $0x38;
	[tilespmem:$0x1E400] =	vst v63  }
0x60: {  	s9 =	sadd.s32 @!p0 s6, s9;
	s15 =	sor.u32 @!p0 $0x200, s15  }
0x61: {  	[tilespmem:s15], [sflag:$0x4] =	stream.linear.gather @!p0 [hbm4b:s9+s17], $0x80, $0x38;
	[tilespmem:$0x1E400] =	vst v63  }
.LBB2_15:
0x62: {  	s14 =	sadd.s32 $0x200, s14  }
0x63: {  	p0 =	sne.s32 s14, $0xFA00  }
.Ltmp3:
0x64: {  	_ = 	snop;
	(pc) =	sbr.rel @!p0 .LBB2_16-.Ltmp3, $2  }
0x65: {  	_ =	sdelay $0x2  }
0x66: {  	s11 =	sadd.s32 $0x80, s11;
	s12 =	sadd.s32 $0x10, s12;
	s13 =	sadd.s32 $0x1, s13  }
.LBB2_2:
0x67: {  	s9 =	smul.u32 $0xAB, s13;
	_ =	sdelay $0x1  }
0x68: {  	s15 =	sadd.s32 $0xFFFFFEAA, s9  }
0x69: {  	s15 =	sshrl.u32 s15, $0x9  }
0x6a: {  	s15 =	sand.u32 $0x7F, s15  }
0x6b: {  	s16 =	smul.u32 $0x3, s15  }
0x6c: {  	s15 =	sadd.s32 $0xFFFFFFFE, s13  }
0x6d: {  	s16 =	ssub.s32 s15, s16  }
0x6e: {  	s18 =	sand.u32 $0xFF, s16  }
0x6f: {  	p0 =	seq.s32 s18, $0x2  }
.Ltmp4:
0x70: {  	_ = 	snop;
	(pc) =	sbr.rel @p0 .LBB2_4-.Ltmp4, $4  }
0x71: {  	_ = 	snop  }
0x72: {  	s17 =	sshrl.u32 s14, $0x2  }
0x73: {  	s16 =	sand.u32 $0x180, s17  }
0x74: {  	s17 =	sor.u32 $0x200, s16  }
0x75: {  	p0 =	seq.s32 s18, $0x1  }
0x76: {  	_ =	swait.ge @p0 [sflag:s29], $0x2800  }
0x77: {  	[sflag:s29] =	ssyncset.done @p0 $0x0  }
0x78: {  	[sflag:s29] =	ssyncadd.s32 @p0 $0xFFFFD800  }
0x79: {  	[spmem:s2] =	stream.indirect.scatter.add.f32 @p0 [tilespmem:s0], [sflag:$0x2], $0x80, s17, s30, $0xb8;
	[tilespmem:$0x1E400] =	vst v63  }
.Ltmp5:
0x7a: {  	_ = 	snop;
	(pc) =	sbr.rel .LBB2_5-.Ltmp5, $4  }
0x7b: {  	_ =	swait.ge @!p0 [sflag:s7], $0x2800  }
0x7c: {  	[sflag:s7] =	ssyncset.done @!p0 $0x0  }
0x7d: {  	[sflag:s7] =	ssyncadd.s32 @!p0 $0xFFFFD800  }
0x7e: {  	[spmem:s2] =	stream.indirect.scatter.add.f32 @!p0 [tilespmem:s31], [sflag:$0x1], $0x80, s17, s30, $0xb8;
	[tilespmem:$0x1E400] =	vst v63  }
.LBB2_4:
0x7f: {  	_ =	swait.ge [sflag:s24], $0x2800  }
0x80: {  	[sflag:s24] =	ssyncset.done $0x0  }
0x81: {  	[sflag:s24] =	ssyncadd.s32 $0xFFFFD800  }
0x82: {  	[spmem:s2] =	stream.indirect.scatter.add.f32 [tilespmem:s26], [sflag:$0x3], $0x80, s17, s30, $0xb8;
	[tilespmem:$0x1E400] =	vst v63  }
.LBB2_5:
0x83: {  	v1 =	vld [tilespmem:s16+$0x200];
	_ =	sdelay $0x7  }
0x84: {  	[tilespmem:v1+s22+$0x0] =	vst.idx.add.f32.msk $0xffff, v0  }
0x85: {  	v1 =	vld [tilespmem:s16+$0x210];
	_ =	sdelay $0x7  }
0x86: {  	[tilespmem:v1+s22+$0x0] =	vst.idx.add.f32.msk $0xffff, v0  }
0x87: {  	v1 =	vld [tilespmem:s16+$0x220];
	_ =	sdelay $0x7  }
0x88: {  	[tilespmem:v1+s22+$0x0] =	vst.idx.add.f32.msk $0xffff, v0  }
0x89: {  	v1 =	vld [tilespmem:s16+$0x230];
	_ =	sdelay $0x7  }
0x8a: {  	[tilespmem:v1+s22+$0x0] =	vst.idx.add.f32.msk $0xffff, v0  }
0x8b: {  	v1 =	vld [tilespmem:s16+$0x240];
	_ =	sdelay $0x2  }
0x8c: {  	p0 =	sgt.u32 s15, $0x7A  }
.Ltmp6:
0x8d: {  	_ = 	snop;
	(pc) =	sbr.rel @p0 .LBB2_15-.Ltmp6, $2  }
0x8e: {  	_ =	sdelay $0x2  }
0x8f: {  	[tilespmem:v1+s22+$0x0] =	vst.idx.add.f32.msk $0xffff, v0  }
0x90: {  	s9 =	sshrl.u32 s9, $0x9  }
0x91: {  	s9 =	sand.u32 $0x7F, s9  }
0x92: {  	s9 =	smul.u32 $0x3, s9;
	_ =	sdelay $0x1  }
0x93: {  	s9 =	ssub.s32 s13, s9  }
0x94: {  	s15 =	sand.u32 $0xFF, s9  }
0x95: {  	_ =	swait.ge [sflag:s28], $0x80;
	p0 =	seq.s32 s15, $0x2  }
.Ltmp7:
0x96: {  	[sflag:s28] =	ssyncset.done $0x0;
	(pc) =	sbr.rel @p0 .LBB2_12-.Ltmp7, $4  }
0x97: {  	[sflag:s28] =	ssyncadd.s32 $0xFFFFFF80  }
0x98: {  	s16 =	sadd.s32 $0x400, s14;
	_ =	swait.ge [sflag:s28], $0x80  }
0x99: {  	s18 =	sand.u32 $0x600, s16;
	[sflag:s28] =	ssyncset.done $0x0  }
0x9a: {  	s9 =	sshrl.u32 s18, $0x2;
	[sflag:s28] =	ssyncadd.s32 $0xFFFFFF80  }
0x9b: {  	p0 =	seq.s32 s15, $0x1  }
.Ltmp8:
0x9c: {  	_ = 	snop;
	(pc) =	sbr.rel @!p0 .LBB2_8-.Ltmp8, $1  }
0x9d: {  	_ =	sdelay $0x3  }
0x9e: {  	p0 =	sne.s32 s14, $0x0  }
.Ltmp9:
0x9f: {  	_ = 	snop;
	(pc) =	sbr.rel @!p0 .LBB2_10-.Ltmp9, $1  }
0xa0: {  	_ =	sdelay $0x3  }
.Ltmp10:
0xa1: {  	(pc) =	sbr.rel .LBB2_14-.Ltmp10, $4  }
0xa2: {  	_ =	swait.ge [sflag:s29], $0x2800  }
0xa3: {  	[sflag:s29] =	ssyncset.done $0x0  }
0xa4: {  	[sflag:s29] =	ssyncadd.s32 $0xFFFFD800  }
0xa5: {  	[tilespmem:s0], [sflag:$0x2] =	stream.indirect.gather [hbm4b:s1+s30], $0x80, s9, s30, $0xb8;
	[tilespmem:$0x1E400] =	vst v63  }
.LBB2_12:
.Ltmp11:
0xa6: {  	p0 =	seq.s32 s14, $0x0;
	(pc) =	sbr.rel .LBB2_13-.Ltmp11, $4  }
0xa7: {  	s15 =	simm.s32 @!p0 $0x3  }
0xa8: {  	_ =	swait.ge @!p0 [sflag:s15], $0x2800  }
0xa9: {  	[sflag:s15] =	ssyncset.done @!p0 $0x0  }
0xaa: {  	[sflag:s15] =	ssyncadd.s32 @!p0 $0xFFFFD800  }
.LBB2_10:
0xab: {  	[tilespmem:s0], [sflag:$0x2] =	stream.indirect.gather [hbm4b:s1+s30], $0x80, s9, s30, $0xb8;
	[tilespmem:$0x1E400] =	vst v63  }
.LBB2_13:
.Ltmp12:
0xac: {  	(pc) =	sbr.rel .LBB2_14-.Ltmp12, $2  }
0xad: {  	_ =	sdelay $0x2  }
0xae: {  	[tilespmem:s26], [sflag:$0x3] =	stream.indirect.gather [hbm4b:s1+s30], $0x80, s9, s30, $0xb8;
	[tilespmem:$0x1E400] =	vst v63  }
.LBB2_17:
0xaf: {  	_ =	sfence.sel $0x180000  }
0xb0: {  	[bflag:$0x0] =	sbarrier.arrive $0xFFFF  }
0xb1: {  	_ =	strace $0x90000047  }
0xb2: {  	s0 =	stileid.u32;
	[bflag:$0x2] =	sbarrier.arrive $0xFFFF  }
0xb3: {  	p0 =	sne.s32 s0, $0x0;
	s0 =	rddreg [dreg:$0x3]  }
0xb4: {  	s0 =	sadd.s32 @!p0 $0x100000, s0  }
0xb5: {  	[sflag:s0] =	ssyncadd.tile.s32 @!p0 $0x1;
	_ =	shalt  }
.Lfunc_end2:
_tile_overlayer_lowered:
.L_overlay_start_2:
0xb6: {  	(tag) =	ssettag $0x2  }
0xb7: {  	s0 =	rddreg [dreg:$0x0];
	s2 =	stileid.u32  }
0xb8: {  	s1 =	rddreg [dreg:$0x1];
	p0 =	sne.s32 s2, $0x0  }
0xb9: {  	s3 =	rddreg [dreg:$0x2];
	[bflag:$0x3] =	sbarrier.arrive $0xFFFF;
	s2 =	simm.s32 @!p0 $0x1C06  }
0xba: {  	[timem:s3], [sflag:s2] =	dma.local @!p0 [hbm:s0], s1  }
0xbb: {  	s0 =	simm.s32 @!p0 $0x6  }
0xbc: {  	_ =	swait.ge @!p0 [sflag:s0], s1  }
0xbd: {  	s1 =	ssub.s32 @!p0 $0x0, s1;
	[sflag:s0] =	ssyncset.done @!p0 $0x0  }
0xbe: {  	[sflag:s0] =	ssyncadd.s32 @!p0 s1  }
0xbf: {  	[bflag:$0x3] =	sbarrier.arrive $0xFFFF  }
0xc0: {  	_ =	shalt  }

// kernel: kernel.9.cloned.1.call-start
scs
__scs_entry_jumppad:
0x0: {  	(pc) =	sbr.rel $0x88, $3  }
0x1: {  	(tag) =	ssettag $0x0;
	lr =	simm.s32 $0x1  }
0x2: {  	[smem:$0x3F99] =	sst lr;
	_ =	strace $0xD0000000  }
0x3: {  	_ = 	snop  }
0x4: {  	_ = 	snop  }
0x5: {  	_ = 	snop  }
0x6: {  	_ = 	snop  }
0x7: {  	_ = 	snop  }
__scs_overlays_trampoline_lowered:
0x8: {  	[smem:$0x3FA8] =	sst s0  }
0x9: {  	[smem:$0x3FA9] =	sst s1  }
0xa: {  	[smem:$0x3FAA] =	sst s2  }
0xb: {  	[smem:$0x3FAB] =	sst s3  }
0xc: {  	[smem:$0x3FAC] =	sst s4  }
0xd: {  	[smem:$0x3FAD] =	sst s5  }
0xe: {  	[smem:$0x3FAE] =	sst s6  }
0xf: {  	[smem:$0x3FAF] =	sst s7  }
0x10: {  	[smem:$0x3FB0] =	sst s8  }
0x11: {  	[smem:$0x3FB1] =	sst s9;
	s0 =	simm.s32 @!p0 $0x0  }
0x12: {  	s1 =	sld [smem:$0x3F97];
	s0 =	simm.s32 @p0 $0x1  }
0x13: {  	[smem:$0x3FB2] =	sst s0;
	s0 =	simm.s32 @!p1 $0x0  }
0x14: {  	s2 =	sld [smem:$0x3F96];
	s0 =	simm.s32 @p1 $0x1  }
0x15: {  	[smem:$0x3FB3] =	sst s0;
	s0 =	simm.s32 @!p2 $0x0  }
0x16: {  	s3 =	sld [smem:$0x3FDB];
	s0 =	simm.s32 @p2 $0x1  }
0x17: {  	s4 =	simm.s32 $0x1BF5;
	[smem:$0x3FB5] =	sst s0  }
0x18: {  	s0 =	sld [smem:$0x3F98];
	_ =	swait.ge [sflag:s4], $0x0  }
0x19: {  	s7 =	sld [smem:$0x3F99]  }
0x1a: {  	s8 =	sadd.s32 $0xFFFFE003, lr  }
0x1b: {  	s9 =	sadd.s32 $0xFFFFFEF7, lr;
	s5 =	simm.s32 $0xFFFFFFFF;
	p2 =	slt.u32 s8, $0xFFFFF086  }
0x1c: {  	p1 =	slt.u32 s9, $0xF7A;
	s5 =	simm.s32 @!p2 $0x0  }
0x1d: {  	s5 =	simm.s32 @p1 $0x1;
	p0 =	seq.s32 s7, s2  }
0x1e: {  	s7 =	smul.u32 @!p0 $0xF7A, s2;
	p2 =	seq.s32 @!p0 s5, $0x0  }
0x1f: {  	s9 =	smul.u32 $0xF7A, s1;
	s8 =	simm.s32 @!p0 $0x1BF5;
	p2 =	por !p2, p0  }
0x20: {  	[sflag:s8] =	ssyncset.s32 @!p0 $0xFFFFF086;
	s6 =	sadd.s32 @!p0 s3, s7;
	s7 =	simm.s32 @!p0 $0x108  }
0x21: {  	s3 =	sadd.s32 s3, s9;
	s6 =	sadd.s32 @!p0 $0x88, s6;
	s7 =	simm.s32 @p2 $0x1082  }
0x22: {  	[simem:s7], [sflag:s8] =	dma.local @!p0 [hbm:s6], $0xF7A  }
0x23: {  	s9 =	sor.u32 $0xD0000000, s2;
	s6 =	simm.s32 $0x108;
	_ =	swait.ge @!p0 [sflag:s8], $0x0  }
0x24: {  	s3 =	sadd.s32 $0x88, s3;
	s6 =	simm.s32 @!p1 $0x1082;
	[sflag:s4] =	ssyncset.s32 $0xFFFFF086  }
0x25: {  	[simem:s6], [sflag:s4] =	dma.local [hbm:s3], $0xF7A  }
0x26: {  	[smem:$0x3F99] =	sst s1;
	(tag) =	ssettag s2;
	_ =	strace s9  }
0x27: {  	s1 =	sld [smem:$0x3FA9]  }
0x28: {  	s2 =	sld [smem:$0x3FAA]  }
0x29: {  	s4 =	sld [smem:$0x3FAC]  }
0x2a: {  	p0 =	seq.s32 s5, $0x0;
	s5 =	sld [smem:$0x3FAD]  }
0x2b: {  	s6 =	sld [smem:$0x3FAE]  }
0x2c: {  	s7 =	sld [smem:$0x3FAF]  }
0x2d: {  	s3 =	simm.s32 $0x108;
	s8 =	sld [smem:$0x3FB0]  }
0x2e: {  	s3 =	simm.s32 @!p0 $0x1082;
	s9 =	sld [smem:$0x3FB1]  }
0x2f: {  	lr =	sadd.s32 s0, s3;
	s0 =	sld [smem:$0x3FA8]  }
0x30: {  	s3 =	sld [smem:$0x3FAB]  }
0x31: {  	[smem:$0x3FB4] =	sst s10  }
0x32: {  	s10 =	sld [smem:$0x3FB2];
	_ =	sdelay $0x3  }
0x33: {  	p0 =	seq.s32 s10, $0x1;
	s10 =	sld [smem:$0x3FB4];
	_ =	sdelay $0x3  }
0x34: {  	[smem:$0x3FB4] =	sst s10  }
0x35: {  	s10 =	sld [smem:$0x3FB3];
	_ =	sdelay $0x3  }
0x36: {  	p1 =	seq.s32 s10, $0x1;
	s10 =	sld [smem:$0x3FB4];
	_ =	sdelay $0x3  }
0x37: {  	[smem:$0x3FB4] =	sst s10  }
0x38: {  	s10 =	sld [smem:$0x3FB5]  }
0x39: {  	_ = 	snop;
	(pc) =	sbr.ind lr, $3  }
0x3a: {  	_ = 	snop  }
0x3b: {  	_ = 	snop  }
0x3c: {  	p2 =	seq.s32 s10, $0x1;
	s10 =	sld [smem:$0x3FB4]  }
0x3d: {  	_ =	shalt  }
0x3e: {  	_ =	shalt  }
0x3f: {  	_ =	shalt  }
0x40: {  	_ =	shalt  }
0x41: {  	_ =	shalt  }
0x42: {  	_ =	shalt  }
0x43: {  	_ =	shalt  }
0x44: {  	_ =	shalt  }
0x45: {  	_ =	shalt  }
0x46: {  	_ =	shalt  }
0x47: {  	_ =	shalt  }
0x48: {  	_ =	shalt  }
0x49: {  	_ =	shalt  }
0x4a: {  	_ =	shalt  }
0x4b: {  	_ =	shalt  }
0x4c: {  	_ =	shalt  }
0x4d: {  	_ =	shalt  }
0x4e: {  	_ =	shalt  }
0x4f: {  	_ =	shalt  }
0x50: {  	_ =	shalt  }
0x51: {  	_ =	shalt  }
0x52: {  	_ =	shalt  }
0x53: {  	_ =	shalt  }
0x54: {  	_ =	shalt  }
0x55: {  	_ =	shalt  }
0x56: {  	_ =	shalt  }
0x57: {  	_ =	shalt  }
0x58: {  	_ =	shalt  }
0x59: {  	_ =	shalt  }
0x5a: {  	_ =	shalt  }
0x5b: {  	_ =	shalt  }
0x5c: {  	_ =	shalt  }
0x5d: {  	_ =	shalt  }
0x5e: {  	_ =	shalt  }
0x5f: {  	_ =	shalt  }
0x60: {  	_ =	shalt  }
0x61: {  	_ =	shalt  }
0x62: {  	_ =	shalt  }
0x63: {  	_ =	shalt  }
0x64: {  	_ =	shalt  }
0x65: {  	_ =	shalt  }
0x66: {  	_ =	shalt  }
0x67: {  	_ =	shalt  }
0x68: {  	_ =	shalt  }
0x69: {  	_ =	shalt  }
0x6a: {  	_ =	shalt  }
0x6b: {  	_ =	shalt  }
0x6c: {  	_ =	shalt  }
0x6d: {  	_ =	shalt  }
0x6e: {  	_ =	shalt  }
0x6f: {  	_ =	shalt  }
0x70: {  	_ =	shalt  }
0x71: {  	_ =	shalt  }
0x72: {  	_ =	shalt  }
0x73: {  	_ =	shalt  }
0x74: {  	_ =	shalt  }
0x75: {  	_ =	shalt  }
0x76: {  	_ =	shalt  }
0x77: {  	_ =	shalt  }
0x78: {  	_ =	shalt  }
0x79: {  	_ =	shalt  }
0x7a: {  	_ =	shalt  }
0x7b: {  	_ =	shalt  }
0x7c: {  	_ =	shalt  }
0x7d: {  	_ =	shalt  }
0x7e: {  	_ =	shalt  }
0x7f: {  	_ =	shalt  }
0x80: {  	_ =	shalt  }
0x81: {  	_ =	shalt  }
0x82: {  	_ =	shalt  }
0x83: {  	_ =	shalt  }
0x84: {  	_ =	shalt  }
0x85: {  	_ =	shalt  }
0x86: {  	_ =	shalt  }
0x87: {  	_ =	shalt  }
.Lfunc_end0:
.L_simem_size_0:
called_computation.1_lowered:
.L_overlay_start_0:
0x88: {  	s2 =	sld [smem:$0x3FD9]  }
0x89: {  	s3 =	sld [smem:$0x3FFE];
	_ =	sdelay $0x1  }
0x8a: {  	s1 =	srdreg.scid  }
0x8b: {  	s0 =	sand.u32 $0x1, s1  }
0x8c: {  	s17 =	sshll.u32 s0, $0xA;
	s2 =	sadd.s32 s3, s2  }
0x8d: {  	s2 =	sadd.s32 s2, s17  }
0x8e: {  	[smem:$0x3FC0] =	sst s2  }
0x8f: {  	_ = 	snop  }
0x90: {  	s2 =	sld [smem:$0x3FD0];
	(tm) =	ssettm $0x1  }
0x91: {  	s18 =	sld [smem:$0x3FFB];
	_ =	sdelay $0x3  }
0x92: {  	_ =	strace s18  }
0x93: {  	s3 =	sld [smem:$0x3FFC];
	_ =	sdelay $0x3  }
0x94: {  	_ =	strace s3  }
0x95: {  	s3 =	sld [smem:$0x3FFD];
	_ =	sdelay $0x3  }
0x96: {  	_ =	strace s3  }
0x97: {  	_ =	strace $0x8FFFFFFF  }
0x98: {  	s19 =	sld [smem:$0x3FDB];
	_ =	sdelay $0x1  }
0x99: {  	s4 =	simm.s32 $_scs_section_size  }
0x9a: {  	s5 =	simm.s32 $_size__tile_overlayer_lowered;
	s6 =	simm.s32 $_tile_overlayer_lowered  }
0x9b: {  	s22 =	simm.s32 $0x1BFF;
	s21 =	sshll.u32 s6, $0x1;
	s3 =	sadd.s32 s4, s19  }
0x9c: {  	s7 =	simm.s32 $0x0;
	s20 =	sshll.u32 s5, $0x1;
	s5 =	sadd.s32 s21, s3  }
0x9d: {  	[timem:s7], [sflag:s22] =	dma.local [hbm:s5], s20  }
0x9e: {  	_ =	swait.ge [sflag:s22], s20  }
0x9f: {  	s4 =	ssub.s32 $0x0, s20;
	[sflag:s22] =	ssyncset.done $0x0  }
0xa0: {  	[sflag:s22] =	ssyncadd.s32 s4;
	_ =	sdelay $0x1  }
0xa1: {  	s23 =	simm.s32 $0x1B8B  }
0xa2: {  	_ =	swait.ge [sflag:s23], $0x1  }
0xa3: {  	[sflag:s23] =	ssyncset.done $0x0  }
0xa4: {  	s25 =	simm.s32 $0x1B8E;
	s24 =	sld [smem:$0x3FFE];
	[sflag:s23] =	ssyncadd.s32 $0xFFFFFFFF  }
0xa5: {  	s26 =	simm.s32 $execute0_lowered;
	[smem:$0x3FD2] =	sst s25  }
0xa6: {  	s5 =	sshll.u32 s26, $0x1;
	_ =	strace $0x80000049;
	[dreg:$0x1] =	wrdreg $0xFFFFFFFF  }
0xa7: {  	s28 =	simm.s32 $_size_execute0_lowered;
	s3 =	sadd.s32 s3, s5;
	[dreg:$0x0] =	wrdreg $0x0  }
0xa8: {  	s5 =	sshll.u32 s28, $0x1;
	[dreg:$0x2] =	wrdreg s3  }
0xa9: {  	[dreg:$0x3] =	wrdreg s5  }
0xaa: {  	[dreg:$0x4] =	wrdreg $0xC0  }
0xab: {  	_ =	task [dreg:s7], $0x5FFFF  }
0xac: {  	[dreg:$0x1] =	wrdreg $0xFFFFFFFF  }
0xad: {  	[dreg:$0x0] =	wrdreg $0x60  }
0xae: {  	[dreg:$0x2] =	wrdreg s2  }
0xaf: {  	[dreg:$0x3] =	wrdreg s24  }
0xb0: {  	[dreg:$0x4] =	wrdreg $0xA8000  }
0xb1: {  	[dreg:$0x5] =	wrdreg $0x9  }
0xb2: {  	_ =	task.clear_ibuf [dreg:s7], $0x6FFFF;
	_ =	strace $0x90000049  }
0xb3: {  	s29 =	simm.s32 $0x9;
	_ =	strace $0x8000004B  }
0xb4: {  	_ =	swait.ge [sflag:s29], $0x1  }
0xb5: {  	[sflag:s29] =	ssyncadd.s32 $0xFFFFFFFF  }
0xb6: {  	_ =	strace $0x9000004B  }
0xb7: {  	_ =	sfence  }
0xb8: {  	s30 =	sld [smem:$0x0];
	_ =	sdelay $0x2  }
0xb9: {  	s31 =	sshll.u32 s1, $0xD;
	s1 =	sshrl.u32 s1, $0x2  }
0xba: {  	s3 =	sand.u32 $0x4000, s31;
	s1 =	sadd.s32 s1, s30  }
0xbb: {  	s0 =	sor.u32 s3, s0;
	s1 =	sshll.u32 s1, $0x11  }
0xbc: {  	s0 =	sor.u32 s1, s0  }
0xbd: {  	s0 =	sadd.s32 $0x8F2B, s0  }
0xbe: {  	[sflag:s0] =	ssyncadd.remote.s32 $0x1  }
0xbf: {  	_ =	sfence.sel $0xFFFF  }
0xc0: {  	[dreg:$0x0] =	wrdreg $0xFFFFFFFF;
	(pc) =	sbr.abs _section_cstart, $3  }
0xc1: {  	[dreg:$0x1] =	wrdreg $0xFFFFFFFF  }
0xc2: {  	_ =	task.clear_ibuf [dreg:s7], $0x2FFFF;
	_ =	strace $0x9FFFFFFF  }
0xc3: {  	(tm) =	ssettm $0x7FFFFFFF  }
tec
execute0_lowered:
.L_overlay_start_1:
0x0: {  	(tag) =	ssettag $0x1  }
0x1: {  	s1 =	rddreg [dreg:$0x0]  }
0x2: {  	s0 =	rddreg [dreg:$0x1]  }
0x3: {  	s2 =	rddreg [dreg:$0x2];
	s3 =	srdreg.scid;
	s4 =	simm.s32 $0x0  }
0x4: {  	s12 =	stileid.u32;
	s31 =	simm.s32 $0x50;
	s28 =	simm.s32 $0x5  }
0x5: {  	s29 =	simm.s32 $0x2;
	s30 =	simm.s32 $0x8000;
	s3 =	sand.u32 $0x1, s3  }
0x6: {  	[smem:$0x7FF] =	sst s4;
	s8 =	smul.u32 $0x14000, s12;
	s5 =	sadd.s32 $0x12400, s0  }
0x7: {  	s6 =	sadd.s32 $0x2400, s0;
	s9 =	sadd.s32 $0x22A00, s0;
	s10 =	smul.u32 $0x50000, s12  }
0x8: {  	s11 =	sshll.u32 s12, $0xE;
	s18 =	sshll.u32 s12, $0x6;
	s12 =	simm.s32 $0x0  }
0x9: {  	s7 =	smul.u32 $0x140000, s3;
	_ =	strace $0x8000004A;
	[dreg:$0x4] =	wrdreg s9  }
0xa: {  	s14 =	ssub.s32 $0x2, s3;
	s3 =	sshll.u32 s3, $0x12;
	[dreg:$0x5] =	wrdreg s18  }
0xb: {  	s15 =	sshrl.u32 s14, $0x1;
	s17 =	sshrl.u32 s10, $0x2;
	s10 =	sor.u32 $0x1C06, s18  }
0xc: {  	s7 =	sadd.s32 s8, s7;
	s16 =	ssub.s32 s14, s15;
	s8 =	sor.u32 s11, s3  }
0xd: {  	s3 =	sadd.s32 s17, s2;
	[dreg:$0x6] =	wrdreg s10;
	s7 =	sshrl.u32 s7, $0x3  }
0xe: {  	s11 =	simm.s32 $0x4;
	s19 =	sshrl.u32 s8, $0x3;
	s0 =	sadd.s32 s7, s0  }
0xf: {  	s20 =	sor.u32 $0x10, s19;
	s21 =	sadd.s32 s5, s19;
	s22 =	sadd.s32 s6, s19  }
0x10: {  	s24 =	sor.u32 $0x20, s19;
	s9 =	sor.u32 $0x30, s19;
	[dreg:$0x7] =	wrdreg s21  }
0x11: {  	s7 =	simm.s32 $0x3;
	[dreg:$0x8] =	wrdreg s22;
	s23 =	sadd.s32 s5, s20  }
0x12: {  	s10 =	sadd.s32 s6, s20;
	s25 =	sadd.s32 s5, s24;
	[dreg:$0x9] =	wrdreg s23  }
0x13: {  	s26 =	sadd.s32 s5, s9;
	s9 =	sadd.s32 s6, s9;
	[dreg:$0xa] =	wrdreg s10  }
0x14: {  	s0 =	sadd.s32 $0x25200, s0;
	s20 =	smax.u32 s16, $0x1;
	[dreg:$0xb] =	wrdreg s25  }
.Ltmp0:
0x15: {  	s21 =	sshrl.u32 s3, $0x3;
	[dreg:$0xd] =	wrdreg s26;
	(pc) =	sbr.rel .LBB2_1-.Ltmp0, $4  }
0x16: {  	s22 =	simm.s32 $0x7;
	s3 =	simm.s32 $0x3000;
	[dreg:$0xe] =	wrdreg s9  }
0x17: {  	s10 =	sadd.s32 s6, s24;
	[dreg:$0xf] =	wrdreg s0;
	s24 =	simm.s32 $0x80  }
0x18: {  	s26 =	simm.s32 $0x100;
	s0 =	simm.s32 $0x800;
	s23 =	simm.s32 $0x5800  }
0x19: {  	s25 =	simm.s32 $0x6;
	[dreg:$0xc] =	wrdreg s10;
	s10 =	simm.s32 $0x1  }
.LBB2_17:
0x1a: {  	_ =	swait.ge [sflag:s10], $0x2800  }
0x1b: {  	[sflag:s10] =	ssyncset.done $0x0  }
0x1c: {  	[sflag:s10] =	ssyncadd.s32 $0xFFFFD800  }
0x1d: {  	_ =	swait.ge [sflag:s29], $0x2800  }
0x1e: {  	[sflag:s29] =	ssyncset.done $0x0  }
0x1f: {  	[sflag:s29] =	ssyncadd.s32 $0xFFFFD800  }
0x20: {  	_ =	swait.ge [sflag:s7], $0x2800  }
0x21: {  	[sflag:s7] =	ssyncset.done $0x0  }
0x22: {  	[sflag:s7] =	ssyncadd.s32 $0xFFFFD800  }
0x23: {  	_ =	swait.ge [sflag:s11], $0x2800  }
0x24: {  	[sflag:s11] =	ssyncset.done $0x0  }
0x25: {  	[sflag:s11] =	ssyncadd.s32 $0xFFFFD800  }
0x26: {  	s12 =	sadd.s32 $0x1, s12;
	[bflag:$0x0] =	sbarrier.arrive $0xFFFF  }
0x27: {  	p0 =	sne.s32 s12, s20;
	s9 =	rddreg [dreg:$0x5]  }
.Ltmp1:
0x28: {  	s13 =	rddreg [dreg:$0xf];
	s9 =	sor.u32 $0x1C07, s9;
	(pc) =	sbr.rel @!p0 .LBB2_18-.Ltmp1, $4  }
0x29: {  	[hbm:s13], [sflag:s9] =	dma.local [spmem:s21], $0x2800  }
0x2a: {  	_ =	swait.ge [sflag:s22], $0x2800  }
0x2b: {  	[sflag:s22] =	ssyncset.done $0x0  }
0x2c: {  	[sflag:s22] =	ssyncadd.s32 $0xFFFFD800  }
.LBB2_1:
0x2d: {  	s9 =	rddreg [dreg:$0x4]  }
0x2e: {  	s13 =	rddreg [dreg:$0x6]  }
0x2f: {  	[spmem:s21], [sflag:s13] =	dma.local [hbm:s9], $0x2800  }
0x30: {  	s9 =	rddreg [dreg:$0x7]  }
0x31: {  	[tilespmem:s4], [sflag:$0x7] =	stream.linear.gather [hbm4b:s9+s4], $0x80, $0x38;
	[tilespmem:$0x1E800] =	vst v63  }
0x32: {  	_ =	swait.ge [sflag:s22], $0x80  }
0x33: {  	[sflag:s22] =	ssyncset.done $0x0  }
0x34: {  	s16 =	simm.s32 $0x400;
	s15 =	rddreg [dreg:$0x8];
	[sflag:s22] =	ssyncadd.s32 $0xFFFFFF80  }
0x35: {  	[tilespmem:s16], [sflag:$0x7] =	stream.linear.gather [hbm4b:s15+s4], $0x80, $0x38;
	[tilespmem:$0x1E800] =	vst v63  }
0x36: {  	_ =	swait.ge [sflag:s22], $0x80  }
0x37: {  	[sflag:s22] =	ssyncset.done $0x0  }
0x38: {  	s17 =	rddreg [dreg:$0x9];
	[sflag:s22] =	ssyncadd.s32 $0xFFFFFF80  }
0x39: {  	[tilespmem:s24], [sflag:$0x7] =	stream.linear.gather [hbm4b:s17+s4], $0x80, $0x38;
	[tilespmem:$0x1E800] =	vst v63  }
0x3a: {  	_ =	swait.ge [sflag:s22], $0x80  }
0x3b: {  	[sflag:s22] =	ssyncset.done $0x0  }
0x3c: {  	s19 =	simm.s32 $0x480;
	s18 =	rddreg [dreg:$0xa];
	[sflag:s22] =	ssyncadd.s32 $0xFFFFFF80  }
0x3d: {  	[tilespmem:s19], [sflag:$0x7] =	stream.linear.gather [hbm4b:s18+s4], $0x80, $0x38;
	[tilespmem:$0x1E800] =	vst v63  }
0x3e: {  	_ =	swait.ge [sflag:s22], $0x80  }
0x3f: {  	[sflag:s22] =	ssyncset.done $0x0  }
0x40: {  	s13 =	rddreg [dreg:$0xb];
	[sflag:s22] =	ssyncadd.s32 $0xFFFFFF80  }
0x41: {  	[tilespmem:s26], [sflag:$0x7] =	stream.linear.gather [hbm4b:s13+s4], $0x80, $0x38;
	[tilespmem:$0x1E800] =	vst v63  }
0x42: {  	_ =	swait.ge [sflag:s22], $0x80  }
0x43: {  	[sflag:s22] =	ssyncset.done $0x0  }
0x44: {  	s15 =	simm.s32 $0x500;
	s14 =	rddreg [dreg:$0xc];
	[sflag:s22] =	ssyncadd.s32 $0xFFFFFF80  }
0x45: {  	[tilespmem:s15], [sflag:$0x7] =	stream.linear.gather [hbm4b:s14+s4], $0x80, $0x38;
	[tilespmem:$0x1E800] =	vst v63  }
0x46: {  	_ =	swait.ge [sflag:s22], $0x80  }
0x47: {  	[sflag:s22] =	ssyncset.done $0x0  }
0x48: {  	s17 =	simm.s32 $0x180;
	s16 =	rddreg [dreg:$0xd];
	[sflag:s22] =	ssyncadd.s32 $0xFFFFFF80  }
0x49: {  	[tilespmem:s17], [sflag:$0x5] =	stream.linear.gather [hbm4b:s16+s4], $0x80, $0x38;
	[tilespmem:$0x1E800] =	vst v63  }
0x4a: {  	s19 =	simm.s32 $0x580;
	s18 =	rddreg [dreg:$0xe]  }
0x4b: {  	[tilespmem:s19], [sflag:$0x5] =	stream.linear.gather [hbm4b:s18+s4], $0x80, $0x38;
	[tilespmem:$0x1E800] =	vst v63  }
0x4c: {  	_ = 	snop  }
0x4d: {  	[tilespmem:s0], [sflag:$0x1] =	stream.indirect.gather [hbm4b:s1+s31], $0x80, s4, s31, $0xb8;
	[tilespmem:$0x1E800] =	vst v63  }
0x4e: {  	_ = 	snop  }
0x4f: {  	[tilespmem:s3], [sflag:$0x2] =	stream.indirect.gather [hbm4b:s1+s31], $0x80, s24, s31, $0xb8;
	[tilespmem:$0x1E800] =	vst v63  }
0x50: {  	_ = 	snop  }
0x51: {  	[tilespmem:s23], [sflag:$0x3] =	stream.indirect.gather [hbm4b:s1+s31], $0x80, s26, s31, $0xb8;
	[tilespmem:$0x1E800] =	vst v63  }
.Ltmp2:
0x52: {  	_ =	swait.ge [sflag:s25], $0x2800;
	(pc) =	sbr.rel .LBB2_2-.Ltmp2, $4  }
0x53: {  	[sflag:s25] =	ssyncset.done $0x0  }
0x54: {  	[sflag:s25] =	ssyncadd.s32 $0xFFFFD800  }
0x55: {  	[bflag:$0x0] =	sbarrier.arrive $0xFFFF  }
0x56: {  	s9 =	simm.s32 $0x0;
	s13 =	simm.s32 $0x200  }
.LBB2_5:
0x57: {  	p0 =	seq.s32 s9, $0x0  }
0x58: {  	s16 =	simm.s32 @!p0 $0x1  }
0x59: {  	_ =	swait.ge @!p0 [sflag:s16], $0x2800  }
0x5a: {  	[sflag:s16] =	ssyncset.done @!p0 $0x0  }
0x5b: {  	[sflag:s16] =	ssyncadd.s32 @!p0 $0xFFFFD800  }
0x5c: {  	[tilespmem:s0], [sflag:$0x1] =	stream.indirect.gather [hbm4b:s1+s31], $0x80, s15, s31, $0xb8;
	[tilespmem:$0x1E800] =	vst v63  }
.LBB2_15:
0x5d: {  	p0 =	seq.s32 s9, $0x79  }
0x5e: {  	s15 =	sand.u32 @!p0 $0x7C00, s13  }
0x5f: {  	s16 =	sand.u32 @!p0 $0x380, s13;
	s15 =	sadd.s32 @!p0 s8, s15  }
0x60: {  	s15 =	sor.u32 @!p0 s16, s15  }
0x61: {  	s15 =	sshrl.u32 @!p0 s15, $0x3  }
0x62: {  	s14 =	sshll.u32 @!p0 s14, $0x7;
	s17 =	simm.s32 @!p0 $0x0;
	s16 =	sadd.s32 @!p0 s5, s15  }
0x63: {  	[tilespmem:s14], [sflag:$0x5] =	stream.linear.gather @!p0 [hbm4b:s16+s17], $0x80, $0x38;
	[tilespmem:$0x1E800] =	vst v63  }
0x64: {  	s15 =	sadd.s32 @!p0 s6, s15;
	s14 =	sadd.s32 @!p0 $0x400, s14  }
0x65: {  	[tilespmem:s14], [sflag:$0x5] =	stream.linear.gather @!p0 [hbm4b:s15+s17], $0x80, $0x38;
	[tilespmem:$0x1E800] =	vst v63  }
.LBB2_16:
0x66: {  	s9 =	sadd.s32 $0x1, s9  }
0x67: {  	p0 =	sne.s32 s9, $0x7D  }
.Ltmp3:
0x68: {  	_ = 	snop;
	(pc) =	sbr.rel @!p0 .LBB2_17-.Ltmp3, $2  }
0x69: {  	_ =	sdelay $0x2  }
0x6a: {  	s13 =	sadd.s32 $0x80, s13  }
.LBB2_2:
0x6b: {  	s14 =	smul.u32 $0xCD, s9;
	_ =	sdelay $0x1  }
0x6c: {  	s16 =	sand.u32 $0x3, s9;
	s15 =	sshrl.u32 s14, $0xA  }
0x6d: {  	p0 =	sgt.s32 s16, $0x1;
	s15 =	sand.u32 $0x3F, s15  }
0x6e: {  	p1 =	seq.s32 @p0 s16, $0x2;
	s15 =	smul.u32 $0x5, s15  }
0x6f: {  	p2 =	por !p1, !p0  }
0x70: {  	s17 =	simm.s32 @!p2 $0x3;
	s15 =	ssub.s32 s9, s15  }
0x71: {  	p1 =	por p1, !p0;
	_ =	swait.ge @!p2 [sflag:s17], $0x2800;
	s15 =	sand.u32 $0xF7, s15  }
0x72: {  	s18 =	simm.s32 @!p2 $0x5800;
	[sflag:s17] =	ssyncset.done @!p2 $0x0;
	s15 =	sshll.u32 s15, $0x7  }
0x73: {  	[sflag:s17] =	ssyncadd.s32 @!p2 $0xFFFFD800;
	s17 =	simm.s32 @!p2 $0x50;
	s15 =	sor.u32 $0x400, s15  }
0x74: {  	[spmem:s2] =	stream.indirect.scatter.add.f32 @!p2 [tilespmem:s18], [sflag:$0x3], $0x80, s15, s17, $0xb8;
	[tilespmem:$0x1E800] =	vst v63  }
0x75: {  	s17 =	simm.s32 @!p1 $0x4  }
0x76: {  	_ =	swait.ge @!p1 [sflag:s17], $0x2800  }
0x77: {  	[sflag:s17] =	ssyncset.done @!p1 $0x0  }
0x78: {  	s18 =	simm.s32 @!p1 $0x8000;
	[sflag:s17] =	ssyncadd.s32 @!p1 $0xFFFFD800;
	s17 =	simm.s32 @!p1 $0x50  }
0x79: {  	[spmem:s2] =	stream.indirect.scatter.add.f32 @!p1 [tilespmem:s18], [sflag:$0x4], $0x80, s15, s17, $0xb8;
	[tilespmem:$0x1E800] =	vst v63  }
0x7a: {  	p1 =	seq.s32 @!p0 s16, $0x0  }
0x7b: {  	p2 =	por !p1, p0  }
0x7c: {  	s16 =	simm.s32 @!p2 $0x1  }
0x7d: {  	s19 =	sadd.s32 $0x334, s14;
	_ =	swait.ge @!p2 [sflag:s16], $0x2800  }
0x7e: {  	s17 =	sshrl.u32 s19, $0xA;
	p0 =	por p1, p0;
	[sflag:s16] =	ssyncset.done @!p2 $0x0  }
0x7f: {  	s18 =	simm.s32 @!p2 $0x800;
	[sflag:s16] =	ssyncadd.s32 @!p2 $0xFFFFD800;
	s16 =	simm.s32 @!p2 $0x50  }
0x80: {  	[spmem:s2] =	stream.indirect.scatter.add.f32 @!p2 [tilespmem:s18], [sflag:$0x1], $0x80, s15, s16, $0xb8;
	[tilespmem:$0x1E800] =	vst v63  }
0x81: {  	s18 =	sand.u32 $0x3F, s17;
	s17 =	simm.s32 @!p0 $0x2  }
0x82: {  	_ =	swait.ge @!p0 [sflag:s17], $0x2800  }
0x83: {  	s14 =	sadd.s32 $0x267, s14;
	[sflag:s17] =	ssyncset.done @!p0 $0x0  }
0x84: {  	s19 =	simm.s32 @!p0 $0x3000;
	[sflag:s17] =	ssyncadd.s32 @!p0 $0xFFFFD800;
	s17 =	simm.s32 @!p0 $0x50  }
0x85: {  	[spmem:s2] =	stream.indirect.scatter.add.f32 @!p0 [tilespmem:s19], [sflag:$0x2], $0x80, s15, s17, $0xb8;
	[tilespmem:$0x1E800] =	vst v63  }
0x86: {  	s14 =	sshrl.u32 s14, $0xA;
	s16 =	smul.u32 $0x5, s18;
	p0 =	sgt.u32 s9, $0x79  }
.Ltmp4:
0x87: {  	s14 =	sand.u32 $0x3F, s14;
	(pc) =	sbr.rel @p0 .LBB2_16-.Ltmp4, $4  }
0x88: {  	s14 =	smul.u32 $0x5, s14  }
0x89: {  	s18 =	sadd.s32 $0x3, s9;
	s16 =	ssub.s32 s9, s16  }
0x8a: {  	s14 =	ssub.s32 s18, s14;
	s19 =	sadd.s32 $0x4, s16  }
0x8b: {  	s16 =	sand.u32 $0x3, s18;
	s15 =	sand.u32 $0xFF, s14;
	s14 =	sand.u32 $0xFF, s19  }
0x8c: {  	_ =	swait.ge [sflag:s28], $0x80;
	p0 =	sgt.s32 s16, $0x1  }
.Ltmp5:
0x8d: {  	[sflag:s28] =	ssyncset.done $0x0;
	(pc) =	sbr.rel @p0 .LBB2_12-.Ltmp5, $4  }
0x8e: {  	[sflag:s28] =	ssyncadd.s32 $0xFFFFFF80  }
0x8f: {  	_ =	swait.ge [sflag:s28], $0x80  }
0x90: {  	[sflag:s28] =	ssyncset.done $0x0  }
0x91: {  	s15 =	sshll.u32 s15, $0x7;
	[sflag:s28] =	ssyncadd.s32 $0xFFFFFF80  }
0x92: {  	p0 =	seq.s32 s16, $0x0  }
.Ltmp6:
0x93: {  	_ = 	snop;
	(pc) =	sbr.rel @p0 .LBB2_5-.Ltmp6, $1  }
0x94: {  	_ =	sdelay $0x3  }
0x95: {  	p0 =	seq.s32 s9, $0x0  }
.Ltmp7:
0x96: {  	_ = 	snop;
	(pc) =	sbr.rel @p0 .LBB2_8-.Ltmp7, $1  }
0x97: {  	_ =	sdelay $0x3  }
.Ltmp8:
0x98: {  	(pc) =	sbr.rel .LBB2_15-.Ltmp8, $4  }
0x99: {  	_ =	swait.ge [sflag:s29], $0x2800  }
0x9a: {  	[sflag:s29] =	ssyncset.done $0x0  }
0x9b: {  	[sflag:s29] =	ssyncadd.s32 $0xFFFFD800  }
0x9c: {  	[tilespmem:s3], [sflag:$0x2] =	stream.indirect.gather [hbm4b:s1+s31], $0x80, s15, s31, $0xb8;
	[tilespmem:$0x1E800] =	vst v63  }
.LBB2_12:
0x9d: {  	p0 =	seq.s32 s16, $0x2  }
.Ltmp9:
0x9e: {  	_ = 	snop;
	(pc) =	sbr.rel @!p0 .LBB2_13-.Ltmp9, $1  }
0x9f: {  	_ =	sdelay $0x3  }
0xa0: {  	p0 =	sne.s32 s9, $0x0  }
.Ltmp10:
0xa1: {  	_ = 	snop;
	(pc) =	sbr.rel @!p0 .LBB2_10-.Ltmp10, $1  }
0xa2: {  	_ =	sdelay $0x3  }
.Ltmp11:
0xa3: {  	(pc) =	sbr.rel .LBB2_15-.Ltmp11, $4  }
0xa4: {  	_ =	swait.ge [sflag:s7], $0x2800  }
0xa5: {  	[sflag:s7] =	ssyncset.done $0x0  }
0xa6: {  	[sflag:s7] =	ssyncadd.s32 $0xFFFFD800  }
0xa7: {  	[tilespmem:s23], [sflag:$0x3] =	stream.indirect.gather [hbm4b:s1+s31], $0x80, s15, s31, $0xb8;
	[tilespmem:$0x1E800] =	vst v63  }
.LBB2_13:
.Ltmp12:
0xa8: {  	p0 =	seq.s32 s9, $0x0;
	(pc) =	sbr.rel .LBB2_14-.Ltmp12, $4  }
0xa9: {  	s16 =	simm.s32 @!p0 $0x4  }
0xaa: {  	_ =	swait.ge @!p0 [sflag:s16], $0x2800  }
0xab: {  	[sflag:s16] =	ssyncset.done @!p0 $0x0  }
0xac: {  	[sflag:s16] =	ssyncadd.s32 @!p0 $0xFFFFD800  }
.LBB2_8:
.Ltmp13:
0xad: {  	(pc) =	sbr.rel .LBB2_14-.Ltmp13, $2  }
0xae: {  	_ =	sdelay $0x2  }
0xaf: {  	[tilespmem:s3], [sflag:$0x2] =	stream.indirect.gather [hbm4b:s1+s31], $0x80, s15, s31, $0xb8;
	[tilespmem:$0x1E800] =	vst v63  }
.LBB2_10:
0xb0: {  	[tilespmem:s23], [sflag:$0x3] =	stream.indirect.gather [hbm4b:s1+s31], $0x80, s15, s31, $0xb8;
	[tilespmem:$0x1E800] =	vst v63  }
.LBB2_14:
.Ltmp14:
0xb1: {  	(pc) =	sbr.rel .LBB2_15-.Ltmp14, $2  }
0xb2: {  	_ =	sdelay $0x2  }
0xb3: {  	[tilespmem:s30], [sflag:$0x4] =	stream.indirect.gather [hbm4b:s1+s31], $0x80, s15, s31, $0xb8;
	[tilespmem:$0x1E800] =	vst v63  }
.LBB2_18:
0xb4: {  	_ =	sfence.sel $0x180000  }
0xb5: {  	[bflag:$0x0] =	sbarrier.arrive $0xFFFF  }
0xb6: {  	_ =	strace $0x9000004A  }
0xb7: {  	s0 =	stileid.u32;
	[bflag:$0x2] =	sbarrier.arrive $0xFFFF  }
0xb8: {  	p0 =	sne.s32 s0, $0x0;
	s0 =	rddreg [dreg:$0x3]  }
0xb9: {  	s0 =	sadd.s32 @!p0 $0x100000, s0  }
0xba: {  	[sflag:s0] =	ssyncadd.tile.s32 @!p0 $0x1;
	_ =	shalt  }
.Lfunc_end2:
_tile_overlayer_lowered:
.L_overlay_start_2:
0xbb: {  	(tag) =	ssettag $0x2  }
0xbc: {  	s0 =	rddreg [dreg:$0x0];
	s2 =	stileid.u32  }
0xbd: {  	s1 =	rddreg [dreg:$0x1];
	p0 =	sne.s32 s2, $0x0  }
0xbe: {  	s3 =	rddreg [dreg:$0x2];
	[bflag:$0x3] =	sbarrier.arrive $0xFFFF;
	s2 =	simm.s32 @!p0 $0x1C07  }
0xbf: {  	[timem:s3], [sflag:s2] =	dma.local @!p0 [hbm:s0], s1  }
0xc0: {  	s0 =	simm.s32 @!p0 $0x7  }
0xc1: {  	_ =	swait.ge @!p0 [sflag:s0], s1  }
0xc2: {  	s1 =	ssub.s32 @!p0 $0x0, s1;
	[sflag:s0] =	ssyncset.done @!p0 $0x0  }
0xc3: {  	[sflag:s0] =	ssyncadd.s32 @!p0 s1  }
0xc4: {  	[bflag:$0x3] =	sbarrier.arrive $0xFFFF  }
0xc5: {  	_ =	shalt  }

</sc_bundles>
